<compile_context>
chip_gen: v7x
topology: tpu7x:2x2x1
jax: 0.10.2.dev20260603
libtpu: 0.0.44.dev20260713+nightly
codegen_flags: <defaults>
</compile_context>

<pallas_src>
import functools

import jax
import jax.numpy as jnp
from jax import lax
from jax.experimental import pallas as pl
from jax.experimental.pallas import tpu as pltpu
from jax.experimental.pallas import tpu_sc as plsc

VOCAB_DIM = 100000
SEQ_LEN = 200
D_MODEL = 128
BATCH = 1024

NC = 2
NS = 16
NW = NC * NS
NCHUNK = BATCH // NW
HALF = SEQ_LEN // 2
NBUF = 3
NGROUP = NCHUNK // NBUF
NREM = NCHUNK - NGROUP * NBUF


def _sc_body(data_hbm, tok_hbm, pos_hbm, out_hbm,
             idx_all, rows0, rows1, rows2, pos_v, g0, g1, g2, o0, o1, o2):
    wid = lax.axis_index("s") * NC + lax.axis_index("c")
    base = wid * NCHUNK
    rows_v = (rows0, rows1, rows2)
    gsem = (g0, g1, g2)
    osem = (o0, o1, o2)

    icp = pltpu.async_copy(data_hbm.at[pl.ds(base, NCHUNK)], idx_all, g0)
    pcp = pltpu.async_copy(pos_hbm, pos_v, o0)
    icp.wait()

    def issue_gather(c, b):
        pltpu.async_copy(tok_hbm.at[idx_all.at[c, 0]],
                         rows_v[b].at[pl.ds(0, HALF)], gsem[b])
        pltpu.async_copy(tok_hbm.at[idx_all.at[c, 1]],
                         rows_v[b].at[pl.ds(HALF, HALF)], gsem[b])

    def wait_gather(c, b):
        pltpu.make_async_copy(tok_hbm.at[idx_all.at[c, 0]],
                              rows_v[b].at[pl.ds(0, HALF)], gsem[b]).wait()
        pltpu.make_async_copy(tok_hbm.at[idx_all.at[c, 1]],
                              rows_v[b].at[pl.ds(HALF, HALF)], gsem[b]).wait()

    def wait_out(b):
        pltpu.make_async_copy(rows_v[b], out_hbm.at[base], osem[b]).wait()

    def step(c, b):
        bn = (b + 1) % NBUF

        if isinstance(c, int):
            if c >= NBUF - 1:
                wait_out(bn)
            if c + 1 < NCHUNK:
                issue_gather(c + 1, bn)
        else:
            @pl.when(c >= NBUF - 1)
            def _():
                wait_out(bn)

            @pl.when(c + 1 < NCHUNK)
            def _():
                issue_gather(c + 1, bn)

        wait_gather(c, b)

        @plsc.parallel_loop(0, SEQ_LEN, step=1, unroll=5)
        def addrow(i):
            for j in range(D_MODEL // 16):
                sl = pl.ds(j * 16, 16)
                rows_v[b][i, sl] = rows_v[b][i, sl] + pos_v[i, sl]

        pltpu.async_copy(rows_v[b], out_hbm.at[base + c], osem[b])

    issue_gather(0, 0)
    pcp.wait()

    def group(g, carry):
        for b in range(NBUF):
            step(g * NBUF + b, b)
        return carry

    lax.fori_loop(0, NGROUP, group, 0)
    for k in range(NREM):
        step(NGROUP * NBUF + k, k)
    for k in range(NBUF - 1):
        wait_out((NCHUNK - (NBUF - 1) + k) % NBUF)


def kernel(data, token_table, pos_table):
    data3 = data.reshape(BATCH, 2, HALF).astype(jnp.int32)
    mesh = plsc.VectorSubcoreMesh(core_axis_name="c", subcore_axis_name="s")
    run = functools.partial(
        pl.kernel,
        out_type=jax.ShapeDtypeStruct((BATCH, SEQ_LEN, D_MODEL), jnp.float32),
        mesh=mesh,
        scratch_types=[
            pltpu.VMEM((NCHUNK, 2, HALF), jnp.int32),
            pltpu.VMEM((SEQ_LEN, D_MODEL), jnp.float32),
            pltpu.VMEM((SEQ_LEN, D_MODEL), jnp.float32),
            pltpu.VMEM((SEQ_LEN, D_MODEL), jnp.float32),
            pltpu.VMEM((SEQ_LEN, D_MODEL), jnp.float32),
            pltpu.SemaphoreType.DMA,
            pltpu.SemaphoreType.DMA,
            pltpu.SemaphoreType.DMA,
            pltpu.SemaphoreType.DMA,
            pltpu.SemaphoreType.DMA,
            pltpu.SemaphoreType.DMA,
        ],
    )(_sc_body)
    return run(data3, token_table, pos_table)

# --- scband reference (transcript-rebuilt; emitter-appended) ---
"""Pipeline reference for scband-bertembedding-49168785605129 (READ-ONLY COPY).

The authoritative reference and input builder live on the scoring server;
editing this copy changes nothing except your own understanding.
"""

import jax, jax.numpy as jnp
import numpy as np

VOCAB_DIM = 100000
SEQ_LEN = 200
D_MODEL = 128

def setup_inputs(seed: int = 0) -> dict:
    key = jax.random.key(seed)
    k1, k2, k3 = jax.random.split(key, 3)
    data = jax.random.randint(k1, (1024, 200), 0, VOCAB_DIM, dtype=jnp.int64 if jax.config.read('jax_enable_x64') else jnp.int32)
    token_table = jax.random.normal(k2, (VOCAB_DIM, D_MODEL), dtype=jnp.float32)
    pos_table = jax.random.normal(k3, (SEQ_LEN, D_MODEL), dtype=jnp.float32)
    return {"data": data, "token_table": token_table, "pos_table": pos_table}

def reference(data, token_table, pos_table):
    # token embedding lookup (dropout is identity in eval)
    token_embedding = jnp.take(token_table, data, axis=0)  # [B, S, D]
    # positional encoding: arange(seq_len) expanded to data shape
    positional_encoding = jnp.arange(SEQ_LEN, dtype=data.dtype)
    positional_encoding = jnp.broadcast_to(positional_encoding[None, :], data.shape)
    positional_embedding = jnp.take(pos_table, positional_encoding, axis=0)  # [B, S, D]
    return token_embedding + positional_embedding

if __name__ == "__main__":
    import jax
    _d = setup_inputs()
    print(jax.jit(kernel)(*tuple(_d.values())))

</pallas_src>

<mosaic_0001>
#map = affine_map<(d0, d1) -> (0, 0, 0)>
#map1 = affine_map<(d0, d1) -> (0, 0)>
module attributes {stable_mosaic.version = 14 : i64} {
  func.func @_sc_body(%arg0: i32, %arg1: i32, %arg2: memref<1024x2x100xi32, #tpu.memory_space<hbm>>, %arg3: memref<100000x128xf32, #tpu.memory_space<hbm>>, %arg4: memref<200x128xf32, #tpu.memory_space<hbm>>, %arg5: memref<1024x200x128xf32, #tpu.memory_space<hbm>>, %arg6: memref<32x2x100xi32, #tpu.memory_space<vmem>>, %arg7: memref<200x128xf32, #tpu.memory_space<vmem>>, %arg8: memref<200x128xf32, #tpu.memory_space<vmem>>, %arg9: memref<200x128xf32, #tpu.memory_space<vmem>>, %arg10: memref<200x128xf32, #tpu.memory_space<vmem>>, %arg11: memref<!tpu.dma_semaphore, #tpu.memory_space<semaphore_mem>>, %arg12: memref<!tpu.dma_semaphore, #tpu.memory_space<semaphore_mem>>, %arg13: memref<!tpu.dma_semaphore, #tpu.memory_space<semaphore_mem>>, %arg14: memref<!tpu.dma_semaphore, #tpu.memory_space<semaphore_mem>>, %arg15: memref<!tpu.dma_semaphore, #tpu.memory_space<semaphore_mem>>, %arg16: memref<!tpu.dma_semaphore, #tpu.memory_space<semaphore_mem>>) attributes {dimension_semantics = [#tpu.dimension_semantics<core_parallel>, #tpu.dimension_semantics<subcore_parallel>], iteration_bounds = array<i64: 2, 16>, scalar_prefetch = 0 : i64, scratch_operands = 11 : i64, tpu.core_type = #tpu.core_type<sc_vector_subcore>, window_params = [{transform_indices = #map}, {transform_indices = #map1}, {transform_indices = #map1}, {transform_indices = #map}]} {
    %mul3A = arith.constant 2 : i32
    %mul3A_0 = arith.muli %arg1, %mul3A : i32
    %add3A = arith.addi %mul3A_0, %arg0 : i32
    %mul3A_1 = arith.constant 32 : i32
    %mul3A_2 = arith.muli %add3A, %mul3A_1 : i32
    %dma_start3A = arith.constant 0 : i32
    %dma_start3A_3 = arith.constant 0 : i32
    %dma_start3A_4 = tpu.memref_slice %arg2[%mul3A_2, %dma_start3A, %dma_start3A_3] : memref<1024x2x100xi32, #tpu.memory_space<hbm>> -> memref<32x2x100xi32, #tpu.memory_space<hbm>>
    %dma_start3A_5 = arith.constant 0 : i32
    %dma_start3A_6 = arith.constant 0 : i32
    %dma_start3A_7 = tpu.memref_slice %arg2[%mul3A_2, %dma_start3A_5, %dma_start3A_6] : memref<1024x2x100xi32, #tpu.memory_space<hbm>> -> memref<32x2x100xi32, #tpu.memory_space<hbm>>
    tpu.enqueue_dma source(%dma_start3A_7 : memref<32x2x100xi32, #tpu.memory_space<hbm>>) target(%arg6 : memref<32x2x100xi32, #tpu.memory_space<vmem>>) target_semaphore(%arg11 : memref<!tpu.dma_semaphore, #tpu.memory_space<semaphore_mem>>)
    tpu.enqueue_dma source(%arg4 : memref<200x128xf32, #tpu.memory_space<hbm>>) target(%arg10 : memref<200x128xf32, #tpu.memory_space<vmem>>) target_semaphore(%arg14 : memref<!tpu.dma_semaphore, #tpu.memory_space<semaphore_mem>>)
    %dma_wait3A = arith.constant 0 : i32
    %dma_wait3A_8 = arith.constant 0 : i32
    %dma_wait3A_9 = tpu.memref_slice %arg2[%mul3A_2, %dma_wait3A, %dma_wait3A_8] : memref<1024x2x100xi32, #tpu.memory_space<hbm>> -> memref<32x2x100xi32, #tpu.memory_space<hbm>>
    %dma_wait3A_10 = arith.constant 0 : i32
    %dma_wait3A_11 = arith.constant 0 : i32
    %dma_wait3A_12 = tpu.memref_slice %arg2[%mul3A_2, %dma_wait3A_10, %dma_wait3A_11] : memref<1024x2x100xi32, #tpu.memory_space<hbm>> -> memref<32x2x100xi32, #tpu.memory_space<hbm>>
    tpu.wait_dma2 semaphore(%arg11 : memref<!tpu.dma_semaphore, #tpu.memory_space<semaphore_mem>>) src(%dma_wait3A_12 : memref<32x2x100xi32, #tpu.memory_space<hbm>>) dst(%arg6 : memref<32x2x100xi32, #tpu.memory_space<vmem>>)
    %dma_start3A_13 = arith.constant 0 : i32
    %dma_start3A_14 = arith.constant 0 : i32
    %dma_start3A_15 = arith.constant 0 : i32
    %dma_start3A_16 = arith.constant 0 : i32
    %dma_start3A_17 = tpu.memref_slice %arg7[%dma_start3A_15, %dma_start3A_16] : memref<200x128xf32, #tpu.memory_space<vmem>> -> memref<100x128xf32, #tpu.memory_space<vmem>>
    %dma_start3A_18 = arith.constant 0 : i32
    %dma_start3A_19 = tpu.memref_slice %arg6[%dma_start3A_13, %dma_start3A_14, %dma_start3A_18] : memref<32x2x100xi32, #tpu.memory_space<vmem>> -> memref<1x1x100xi32, #tpu.memory_space<vmem>>
    %dma_start3A_20 = tpu.memref_squeeze %dma_start3A_19 : memref<1x1x100xi32, #tpu.memory_space<vmem>> -> memref<100xi32, #tpu.memory_space<vmem>>
    %dma_start3A_21 = arith.constant 0 : i32
    %dma_start3A_22 = arith.constant 0 : i32
    %dma_start3A_23 = tpu.memref_slice %arg3[%dma_start3A_21, %dma_start3A_22] : memref<100000x128xf32, #tpu.memory_space<hbm>> -> memref<100000x128xf32, #tpu.memory_space<hbm>>
    tpu.enqueue_indirect_dma source(%dma_start3A_23 : memref<100000x128xf32, #tpu.memory_space<hbm>>) target(%dma_start3A_17 : memref<100x128xf32, #tpu.memory_space<vmem>>) offsets(%dma_start3A_20 : memref<100xi32, #tpu.memory_space<vmem>>) semaphore(%arg11 : memref<!tpu.dma_semaphore, #tpu.memory_space<semaphore_mem>>)
    %dma_start3A_24 = arith.constant 0 : i32
    %dma_start3A_25 = arith.constant 1 : i32
    %dma_start3A_26 = arith.constant 100 : i32
    %dma_start3A_27 = arith.constant 0 : i32
    %dma_start3A_28 = tpu.memref_slice %arg7[%dma_start3A_26, %dma_start3A_27] : memref<200x128xf32, #tpu.memory_space<vmem>> -> memref<100x128xf32, #tpu.memory_space<vmem>>
    %dma_start3A_29 = arith.constant 0 : i32
    %dma_start3A_30 = tpu.memref_slice %arg6[%dma_start3A_24, %dma_start3A_25, %dma_start3A_29] : memref<32x2x100xi32, #tpu.memory_space<vmem>> -> memref<1x1x100xi32, #tpu.memory_space<vmem>>
    %dma_start3A_31 = tpu.memref_squeeze %dma_start3A_30 : memref<1x1x100xi32, #tpu.memory_space<vmem>> -> memref<100xi32, #tpu.memory_space<vmem>>
    %dma_start3A_32 = arith.constant 0 : i32
    %dma_start3A_33 = arith.constant 0 : i32
    %dma_start3A_34 = tpu.memref_slice %arg3[%dma_start3A_32, %dma_start3A_33] : memref<100000x128xf32, #tpu.memory_space<hbm>> -> memref<100000x128xf32, #tpu.memory_space<hbm>>
    tpu.enqueue_indirect_dma source(%dma_start3A_34 : memref<100000x128xf32, #tpu.memory_space<hbm>>) target(%dma_start3A_28 : memref<100x128xf32, #tpu.memory_space<vmem>>) offsets(%dma_start3A_31 : memref<100xi32, #tpu.memory_space<vmem>>) semaphore(%arg11 : memref<!tpu.dma_semaphore, #tpu.memory_space<semaphore_mem>>)
    tpu.wait_dma2 semaphore(%arg14 : memref<!tpu.dma_semaphore, #tpu.memory_space<semaphore_mem>>) src(%arg4 : memref<200x128xf32, #tpu.memory_space<hbm>>) dst(%arg10 : memref<200x128xf32, #tpu.memory_space<vmem>>)
    %scan3A = arith.constant 0 : i32
    %scan3A_35 = arith.constant 0 : i32
    %scan3A_36 = arith.constant 10 : i32
    %scan3A_37 = arith.addi %scan3A_35, %scan3A_36 : i32
    %scan3A_38 = arith.constant 1 : i32
    scf.for %scan3A_163 = %scan3A_35 to %scan3A_37 step %scan3A_38  : i32 {
      %mul3A_164 = arith.constant 3 : i32
      %mul3A_165 = arith.muli %scan3A_163, %mul3A_164 : i32
      %add3A_166 = arith.constant 0 : i32
      %add3A_167 = arith.addi %mul3A_165, %add3A_166 : i32
      %ge3A = arith.constant 2 : i32
      %ge3A_168 = arith.cmpi sge, %add3A_167, %ge3A : i32
      %convert_element_type3A = arith.extui %ge3A_168 : i1 to i32
      %cond3A = arith.constant 0 : i32
      %cond3A_169 = arith.cmpi ne, %convert_element_type3A, %cond3A : i32
      scf.if %cond3A_169 {
        %dma_wait3A_304 = arith.constant 0 : i32
        %dma_wait3A_305 = arith.constant 0 : i32
        %dma_wait3A_306 = tpu.memref_slice %arg5[%mul3A_2, %dma_wait3A_304, %dma_wait3A_305] : memref<1024x200x128xf32, #tpu.memory_space<hbm>> -> memref<1x200x128xf32, #tpu.memory_space<hbm>>
        %dma_wait3A_307 = tpu.memref_squeeze %dma_wait3A_306 : memref<1x200x128xf32, #tpu.memory_space<hbm>> -> memref<200x128xf32, #tpu.memory_space<hbm>>
        %dma_wait3A_308 = arith.constant 0 : i32
        %dma_wait3A_309 = arith.constant 0 : i32
        %dma_wait3A_310 = tpu.memref_slice %arg5[%mul3A_2, %dma_wait3A_308, %dma_wait3A_309] : memref<1024x200x128xf32, #tpu.memory_space<hbm>> -> memref<1x200x128xf32, #tpu.memory_space<hbm>>
        %dma_wait3A_311 = tpu.memref_squeeze %dma_wait3A_310 : memref<1x200x128xf32, #tpu.memory_space<hbm>> -> memref<200x128xf32, #tpu.memory_space<hbm>>
        tpu.wait_dma2 semaphore(%arg15 : memref<!tpu.dma_semaphore, #tpu.memory_space<semaphore_mem>>) src(%arg8 : memref<200x128xf32, #tpu.memory_space<vmem>>) dst(%dma_wait3A_311 : memref<200x128xf32, #tpu.memory_space<hbm>>)
      } else {
      }
      %add3A_170 = arith.constant 1 : i32
      %add3A_171 = arith.addi %add3A_167, %add3A_170 : i32
      %lt3A = arith.constant 32 : i32
      %lt3A_172 = arith.cmpi slt, %add3A_171, %lt3A : i32
      %convert_element_type3A_173 = arith.extui %lt3A_172 : i1 to i32
      %cond3A_174 = arith.constant 0 : i32
      %cond3A_175 = arith.cmpi ne, %convert_element_type3A_173, %cond3A_174 : i32
      scf.if %cond3A_175 {
        %add3A_304 = arith.constant 1 : i32
        %add3A_305 = arith.addi %add3A_167, %add3A_304 : i32
        %dma_start3A_306 = arith.constant 0 : i32
        %dma_start3A_307 = arith.constant 0 : i32
        %dma_start3A_308 = arith.constant 0 : i32
        %dma_start3A_309 = tpu.memref_slice %arg8[%dma_start3A_307, %dma_start3A_308] : memref<200x128xf32, #tpu.memory_space<vmem>> -> memref<100x128xf32, #tpu.memory_space<vmem>>
        %dma_start3A_310 = arith.constant 0 : i32
        %dma_start3A_311 = tpu.memref_slice %arg6[%add3A_305, %dma_start3A_306, %dma_start3A_310] : memref<32x2x100xi32, #tpu.memory_space<vmem>> -> memref<1x1x100xi32, #tpu.memory_space<vmem>>
        %dma_start3A_312 = tpu.memref_squeeze %dma_start3A_311 : memref<1x1x100xi32, #tpu.memory_space<vmem>> -> memref<100xi32, #tpu.memory_space<vmem>>
        %dma_start3A_313 = arith.constant 0 : i32
        %dma_start3A_314 = arith.constant 0 : i32
        %dma_start3A_315 = tpu.memref_slice %arg3[%dma_start3A_313, %dma_start3A_314] : memref<100000x128xf32, #tpu.memory_space<hbm>> -> memref<100000x128xf32, #tpu.memory_space<hbm>>
        tpu.enqueue_indirect_dma source(%dma_start3A_315 : memref<100000x128xf32, #tpu.memory_space<hbm>>) target(%dma_start3A_309 : memref<100x128xf32, #tpu.memory_space<vmem>>) offsets(%dma_start3A_312 : memref<100xi32, #tpu.memory_space<vmem>>) semaphore(%arg12 : memref<!tpu.dma_semaphore, #tpu.memory_space<semaphore_mem>>)
        %dma_start3A_316 = arith.constant 1 : i32
        %dma_start3A_317 = arith.constant 100 : i32
        %dma_start3A_318 = arith.constant 0 : i32
        %dma_start3A_319 = tpu.memref_slice %arg8[%dma_start3A_317, %dma_start3A_318] : memref<200x128xf32, #tpu.memory_space<vmem>> -> memref<100x128xf32, #tpu.memory_space<vmem>>
        %dma_start3A_320 = arith.constant 0 : i32
        %dma_start3A_321 = tpu.memref_slice %arg6[%add3A_305, %dma_start3A_316, %dma_start3A_320] : memref<32x2x100xi32, #tpu.memory_space<vmem>> -> memref<1x1x100xi32, #tpu.memory_space<vmem>>
        %dma_start3A_322 = tpu.memref_squeeze %dma_start3A_321 : memref<1x1x100xi32, #tpu.memory_space<vmem>> -> memref<100xi32, #tpu.memory_space<vmem>>
        %dma_start3A_323 = arith.constant 0 : i32
        %dma_start3A_324 = arith.constant 0 : i32
        %dma_start3A_325 = tpu.memref_slice %arg3[%dma_start3A_323, %dma_start3A_324] : memref<100000x128xf32, #tpu.memory_space<hbm>> -> memref<100000x128xf32, #tpu.memory_space<hbm>>
        tpu.enqueue_indirect_dma source(%dma_start3A_325 : memref<100000x128xf32, #tpu.memory_space<hbm>>) target(%dma_start3A_319 : memref<100x128xf32, #tpu.memory_space<vmem>>) offsets(%dma_start3A_322 : memref<100xi32, #tpu.memory_space<vmem>>) semaphore(%arg12 : memref<!tpu.dma_semaphore, #tpu.memory_space<semaphore_mem>>)
      } else {
      }
      %dma_wait3A_176 = arith.constant 0 : i32
      %dma_wait3A_177 = arith.constant 0 : i32
      %dma_wait3A_178 = arith.constant 0 : i32
      %dma_wait3A_179 = tpu.memref_slice %arg7[%dma_wait3A_177, %dma_wait3A_178] : memref<200x128xf32, #tpu.memory_space<vmem>> -> memref<100x128xf32, #tpu.memory_space<vmem>>
      %dma_wait3A_180 = arith.constant 0 : i32
      %dma_wait3A_181 = tpu.memref_slice %arg6[%add3A_167, %dma_wait3A_176, %dma_wait3A_180] : memref<32x2x100xi32, #tpu.memory_space<vmem>> -> memref<1x1x100xi32, #tpu.memory_space<vmem>>
      %dma_wait3A_182 = tpu.memref_squeeze %dma_wait3A_181 : memref<1x1x100xi32, #tpu.memory_space<vmem>> -> memref<100xi32, #tpu.memory_space<vmem>>
      %dma_wait3A_183 = arith.constant 0 : i32
      %dma_wait3A_184 = arith.constant 0 : i32
      %dma_wait3A_185 = tpu.memref_slice %arg3[%dma_wait3A_183, %dma_wait3A_184] : memref<100000x128xf32, #tpu.memory_space<hbm>> -> memref<100000x128xf32, #tpu.memory_space<hbm>>
      tpu.wait_indirect_dma semaphore(%arg11 : memref<!tpu.dma_semaphore, #tpu.memory_space<semaphore_mem>>) src(%dma_wait3A_185 : memref<100000x128xf32, #tpu.memory_space<hbm>>) dst(%dma_wait3A_179 : memref<100x128xf32, #tpu.memory_space<vmem>>)
      %dma_wait3A_186 = arith.constant 1 : i32
      %dma_wait3A_187 = arith.constant 100 : i32
      %dma_wait3A_188 = arith.constant 0 : i32
      %dma_wait3A_189 = tpu.memref_slice %arg7[%dma_wait3A_187, %dma_wait3A_188] : memref<200x128xf32, #tpu.memory_space<vmem>> -> memref<100x128xf32, #tpu.memory_space<vmem>>
      %dma_wait3A_190 = arith.constant 0 : i32
      %dma_wait3A_191 = tpu.memref_slice %arg6[%add3A_167, %dma_wait3A_186, %dma_wait3A_190] : memref<32x2x100xi32, #tpu.memory_space<vmem>> -> memref<1x1x100xi32, #tpu.memory_space<vmem>>
      %dma_wait3A_192 = tpu.memref_squeeze %dma_wait3A_191 : memref<1x1x100xi32, #tpu.memory_space<vmem>> -> memref<100xi32, #tpu.memory_space<vmem>>
      %dma_wait3A_193 = arith.constant 0 : i32
      %dma_wait3A_194 = arith.constant 0 : i32
      %dma_wait3A_195 = tpu.memref_slice %arg3[%dma_wait3A_193, %dma_wait3A_194] : memref<100000x128xf32, #tpu.memory_space<hbm>> -> memref<100000x128xf32, #tpu.memory_space<hbm>>
      tpu.wait_indirect_dma semaphore(%arg11 : memref<!tpu.dma_semaphore, #tpu.memory_space<semaphore_mem>>) src(%dma_wait3A_195 : memref<100000x128xf32, #tpu.memory_space<hbm>>) dst(%dma_wait3A_189 : memref<100x128xf32, #tpu.memory_space<vmem>>)
      %parallel_loop3A_196 = arith.constant 0 : i32
      %parallel_loop3A_197 = arith.constant 200 : i32
      %parallel_loop3A_198 = arith.constant 1 : i32
      scf.for %parallel_loop3A_304 = %parallel_loop3A_196 to %parallel_loop3A_197 step %parallel_loop3A_198  : i32 {
        %parallel_loop3A_305 = arith.index_cast %parallel_loop3A_304 : i32 to index
        %parallel_loop3A_306 = arith.constant 0 : index
        %parallel_loop3A_307 = tpu.vector_load %arg7[%parallel_loop3A_305, %parallel_loop3A_306] {strides = array<i32>} : memref<200x128xf32, #tpu.memory_space<vmem>>, vector<1x16xf32>,
        %parallel_loop3A_308 = vector.shape_cast %parallel_loop3A_307 : vector<1x16xf32> to vector<16xf32>
        %parallel_loop3A_309 = arith.index_cast %parallel_loop3A_304 : i32 to index
        %parallel_loop3A_310 = arith.constant 0 : index
        %parallel_loop3A_311 = tpu.vector_load %arg10[%parallel_loop3A_309, %parallel_loop3A_310] {strides = array<i32>} : memref<200x128xf32, #tpu.memory_space<vmem>>, vector<1x16xf32>,
        %parallel_loop3A_312 = vector.shape_cast %parallel_loop3A_311 : vector<1x16xf32> to vector<16xf32>
        %parallel_loop3A_313 = arith.addf %parallel_loop3A_308, %parallel_loop3A_312 : vector<16xf32>
        %parallel_loop3A_314 = arith.index_cast %parallel_loop3A_304 : i32 to index
        %parallel_loop3A_315 = arith.constant 0 : index
        %parallel_loop3A_316 = tpu.vector_load %arg7[%parallel_loop3A_314, %parallel_loop3A_315] {strides = array<i32>} : memref<200x128xf32, #tpu.memory_space<vmem>>, vector<1x16xf32>,
        %parallel_loop3A_317 = vector.shape_cast %parallel_loop3A_316 : vector<1x16xf32> to vector<16xf32>
        %parallel_loop3A_318 = vector.shape_cast %parallel_loop3A_313 : vector<16xf32> to vector<1x16xf32>
        tpu.vector_store %arg7[%parallel_loop3A_314, %parallel_loop3A_315], %parallel_loop3A_318 {strides = array<i32>} : memref<200x128xf32, #tpu.memory_space<vmem>>, vector<1x16xf32>,
        %parallel_loop3A_319 = arith.index_cast %parallel_loop3A_304 : i32 to index
        %parallel_loop3A_320 = arith.constant 16 : index
        %parallel_loop3A_321 = tpu.vector_load %arg7[%parallel_loop3A_319, %parallel_loop3A_320] {strides = array<i32>} : memref<200x128xf32, #tpu.memory_space<vmem>>, vector<1x16xf32>,
        %parallel_loop3A_322 = vector.shape_cast %parallel_loop3A_321 : vector<1x16xf32> to vector<16xf32>
        %parallel_loop3A_323 = arith.index_cast %parallel_loop3A_304 : i32 to index
        %parallel_loop3A_324 = arith.constant 16 : index
        %parallel_loop3A_325 = tpu.vector_load %arg10[%parallel_loop3A_323, %parallel_loop3A_324] {strides = array<i32>} : memref<200x128xf32, #tpu.memory_space<vmem>>, vector<1x16xf32>,
        %parallel_loop3A_326 = vector.shape_cast %parallel_loop3A_325 : vector<1x16xf32> to vector<16xf32>
        %parallel_loop3A_327 = arith.addf %parallel_loop3A_322, %parallel_loop3A_326 : vector<16xf32>
        %parallel_loop3A_328 = arith.index_cast %parallel_loop3A_304 : i32 to index
        %parallel_loop3A_329 = arith.constant 16 : index
        %parallel_loop3A_330 = tpu.vector_load %arg7[%parallel_loop3A_328, %parallel_loop3A_329] {strides = array<i32>} : memref<200x128xf32, #tpu.memory_space<vmem>>, vector<1x16xf32>,
        %parallel_loop3A_331 = vector.shape_cast %parallel_loop3A_330 : vector<1x16xf32> to vector<16xf32>
        %parallel_loop3A_332 = vector.shape_cast %parallel_loop3A_327 : vector<16xf32> to vector<1x16xf32>
        tpu.vector_store %arg7[%parallel_loop3A_328, %parallel_loop3A_329], %parallel_loop3A_332 {strides = array<i32>} : memref<200x128xf32, #tpu.memory_space<vmem>>, vector<1x16xf32>,
        %parallel_loop3A_333 = arith.index_cast %parallel_loop3A_304 : i32 to index
        %parallel_loop3A_334 = arith.constant 32 : index
        %parallel_loop3A_335 = tpu.vector_load %arg7[%parallel_loop3A_333, %parallel_loop3A_334] {strides = array<i32>} : memref<200x128xf32, #tpu.memory_space<vmem>>, vector<1x16xf32>,
        %parallel_loop3A_336 = vector.shape_cast %parallel_loop3A_335 : vector<1x16xf32> to vector<16xf32>
        %parallel_loop3A_337 = arith.index_cast %parallel_loop3A_304 : i32 to index
        %parallel_loop3A_338 = arith.constant 32 : index
        %parallel_loop3A_339 = tpu.vector_load %arg10[%parallel_loop3A_337, %parallel_loop3A_338] {strides = array<i32>} : memref<200x128xf32, #tpu.memory_space<vmem>>, vector<1x16xf32>,
        %parallel_loop3A_340 = vector.shape_cast %parallel_loop3A_339 : vector<1x16xf32> to vector<16xf32>
        %parallel_loop3A_341 = arith.addf %parallel_loop3A_336, %parallel_loop3A_340 : vector<16xf32>
        %parallel_loop3A_342 = arith.index_cast %parallel_loop3A_304 : i32 to index
        %parallel_loop3A_343 = arith.constant 32 : index
        %parallel_loop3A_344 = tpu.vector_load %arg7[%parallel_loop3A_342, %parallel_loop3A_343] {strides = array<i32>} : memref<200x128xf32, #tpu.memory_space<vmem>>, vector<1x16xf32>,
        %parallel_loop3A_345 = vector.shape_cast %parallel_loop3A_344 : vector<1x16xf32> to vector<16xf32>
        %parallel_loop3A_346 = vector.shape_cast %parallel_loop3A_341 : vector<16xf32> to vector<1x16xf32>
        tpu.vector_store %arg7[%parallel_loop3A_342, %parallel_loop3A_343], %parallel_loop3A_346 {strides = array<i32>} : memref<200x128xf32, #tpu.memory_space<vmem>>, vector<1x16xf32>,
        %parallel_loop3A_347 = arith.index_cast %parallel_loop3A_304 : i32 to index
        %parallel_loop3A_348 = arith.constant 48 : index
        %parallel_loop3A_349 = tpu.vector_load %arg7[%parallel_loop3A_347, %parallel_loop3A_348] {strides = array<i32>} : memref<200x128xf32, #tpu.memory_space<vmem>>, vector<1x16xf32>,
        %parallel_loop3A_350 = vector.shape_cast %parallel_loop3A_349 : vector<1x16xf32> to vector<16xf32>
        %parallel_loop3A_351 = arith.index_cast %parallel_loop3A_304 : i32 to index
        %parallel_loop3A_352 = arith.constant 48 : index
        %parallel_loop3A_353 = tpu.vector_load %arg10[%parallel_loop3A_351, %parallel_loop3A_352] {strides = array<i32>} : memref<200x128xf32, #tpu.memory_space<vmem>>, vector<1x16xf32>,
        %parallel_loop3A_354 = vector.shape_cast %parallel_loop3A_353 : vector<1x16xf32> to vector<16xf32>
        %parallel_loop3A_355 = arith.addf %parallel_loop3A_350, %parallel_loop3A_354 : vector<16xf32>
        %parallel_loop3A_356 = arith.index_cast %parallel_loop3A_304 : i32 to index
        %parallel_loop3A_357 = arith.constant 48 : index
        %parallel_loop3A_358 = tpu.vector_load %arg7[%parallel_loop3A_356, %parallel_loop3A_357] {strides = array<i32>} : memref<200x128xf32, #tpu.memory_space<vmem>>, vector<1x16xf32>,
        %parallel_loop3A_359 = vector.shape_cast %parallel_loop3A_358 : vector<1x16xf32> to vector<16xf32>
        %parallel_loop3A_360 = vector.shape_cast %parallel_loop3A_355 : vector<16xf32> to vector<1x16xf32>
        tpu.vector_store %arg7[%parallel_loop3A_356, %parallel_loop3A_357], %parallel_loop3A_360 {strides = array<i32>} : memref<200x128xf32, #tpu.memory_space<vmem>>, vector<1x16xf32>,
        %parallel_loop3A_361 = arith.index_cast %parallel_loop3A_304 : i32 to index
        %parallel_loop3A_362 = arith.constant 64 : index
        %parallel_loop3A_363 = tpu.vector_load %arg7[%parallel_loop3A_361, %parallel_loop3A_362] {strides = array<i32>} : memref<200x128xf32, #tpu.memory_space<vmem>>, vector<1x16xf32>,
        %parallel_loop3A_364 = vector.shape_cast %parallel_loop3A_363 : vector<1x16xf32> to vector<16xf32>
        %parallel_loop3A_365 = arith.index_cast %parallel_loop3A_304 : i32 to index
        %parallel_loop3A_366 = arith.constant 64 : index
        %parallel_loop3A_367 = tpu.vector_load %arg10[%parallel_loop3A_365, %parallel_loop3A_366] {strides = array<i32>} : memref<200x128xf32, #tpu.memory_space<vmem>>, vector<1x16xf32>,
        %parallel_loop3A_368 = vector.shape_cast %parallel_loop3A_367 : vector<1x16xf32> to vector<16xf32>
        %parallel_loop3A_369 = arith.addf %parallel_loop3A_364, %parallel_loop3A_368 : vector<16xf32>
        %parallel_loop3A_370 = arith.index_cast %parallel_loop3A_304 : i32 to index
        %parallel_loop3A_371 = arith.constant 64 : index
        %parallel_loop3A_372 = tpu.vector_load %arg7[%parallel_loop3A_370, %parallel_loop3A_371] {strides = array<i32>} : memref<200x128xf32, #tpu.memory_space<vmem>>, vector<1x16xf32>,
        %parallel_loop3A_373 = vector.shape_cast %parallel_loop3A_372 : vector<1x16xf32> to vector<16xf32>
        %parallel_loop3A_374 = vector.shape_cast %parallel_loop3A_369 : vector<16xf32> to vector<1x16xf32>
        tpu.vector_store %arg7[%parallel_loop3A_370, %parallel_loop3A_371], %parallel_loop3A_374 {strides = array<i32>} : memref<200x128xf32, #tpu.memory_space<vmem>>, vector<1x16xf32>,
        %parallel_loop3A_375 = arith.index_cast %parallel_loop3A_304 : i32 to index
        %parallel_loop3A_376 = arith.constant 80 : index
        %parallel_loop3A_377 = tpu.vector_load %arg7[%parallel_loop3A_375, %parallel_loop3A_376] {strides = array<i32>} : memref<200x128xf32, #tpu.memory_space<vmem>>, vector<1x16xf32>,
        %parallel_loop3A_378 = vector.shape_cast %parallel_loop3A_377 : vector<1x16xf32> to vector<16xf32>
        %parallel_loop3A_379 = arith.index_cast %parallel_loop3A_304 : i32 to index
        %parallel_loop3A_380 = arith.constant 80 : index
        %parallel_loop3A_381 = tpu.vector_load %arg10[%parallel_loop3A_379, %parallel_loop3A_380] {strides = array<i32>} : memref<200x128xf32, #tpu.memory_space<vmem>>, vector<1x16xf32>,
        %parallel_loop3A_382 = vector.shape_cast %parallel_loop3A_381 : vector<1x16xf32> to vector<16xf32>
        %parallel_loop3A_383 = arith.addf %parallel_loop3A_378, %parallel_loop3A_382 : vector<16xf32>
        %parallel_loop3A_384 = arith.index_cast %parallel_loop3A_304 : i32 to index
        %parallel_loop3A_385 = arith.constant 80 : index
        %parallel_loop3A_386 = tpu.vector_load %arg7[%parallel_loop3A_384, %parallel_loop3A_385] {strides = array<i32>} : memref<200x128xf32, #tpu.memory_space<vmem>>, vector<1x16xf32>,
        %parallel_loop3A_387 = vector.shape_cast %parallel_loop3A_386 : vector<1x16xf32> to vector<16xf32>
        %parallel_loop3A_388 = vector.shape_cast %parallel_loop3A_383 : vector<16xf32> to vector<1x16xf32>
        tpu.vector_store %arg7[%parallel_loop3A_384, %parallel_loop3A_385], %parallel_loop3A_388 {strides = array<i32>} : memref<200x128xf32, #tpu.memory_space<vmem>>, vector<1x16xf32>,
        %parallel_loop3A_389 = arith.index_cast %parallel_loop3A_304 : i32 to index
        %parallel_loop3A_390 = arith.constant 96 : index
        %parallel_loop3A_391 = tpu.vector_load %arg7[%parallel_loop3A_389, %parallel_loop3A_390] {strides = array<i32>} : memref<200x128xf32, #tpu.memory_space<vmem>>, vector<1x16xf32>,
        %parallel_loop3A_392 = vector.shape_cast %parallel_loop3A_391 : vector<1x16xf32> to vector<16xf32>
        %parallel_loop3A_393 = arith.index_cast %parallel_loop3A_304 : i32 to index
        %parallel_loop3A_394 = arith.constant 96 : index
        %parallel_loop3A_395 = tpu.vector_load %arg10[%parallel_loop3A_393, %parallel_loop3A_394] {strides = array<i32>} : memref<200x128xf32, #tpu.memory_space<vmem>>, vector<1x16xf32>,
        %parallel_loop3A_396 = vector.shape_cast %parallel_loop3A_395 : vector<1x16xf32> to vector<16xf32>
        %parallel_loop3A_397 = arith.addf %parallel_loop3A_392, %parallel_loop3A_396 : vector<16xf32>
        %parallel_loop3A_398 = arith.index_cast %parallel_loop3A_304 : i32 to index
        %parallel_loop3A_399 = arith.constant 96 : index
        %parallel_loop3A_400 = tpu.vector_load %arg7[%parallel_loop3A_398, %parallel_loop3A_399] {strides = array<i32>} : memref<200x128xf32, #tpu.memory_space<vmem>>, vector<1x16xf32>,
        %parallel_loop3A_401 = vector.shape_cast %parallel_loop3A_400 : vector<1x16xf32> to vector<16xf32>
        %parallel_loop3A_402 = vector.shape_cast %parallel_loop3A_397 : vector<16xf32> to vector<1x16xf32>
        tpu.vector_store %arg7[%parallel_loop3A_398, %parallel_loop3A_399], %parallel_loop3A_402 {strides = array<i32>} : memref<200x128xf32, #tpu.memory_space<vmem>>, vector<1x16xf32>,
        %parallel_loop3A_403 = arith.index_cast %parallel_loop3A_304 : i32 to index
        %parallel_loop3A_404 = arith.constant 112 : index
        %parallel_loop3A_405 = tpu.vector_load %arg7[%parallel_loop3A_403, %parallel_loop3A_404] {strides = array<i32>} : memref<200x128xf32, #tpu.memory_space<vmem>>, vector<1x16xf32>,
        %parallel_loop3A_406 = vector.shape_cast %parallel_loop3A_405 : vector<1x16xf32> to vector<16xf32>
        %parallel_loop3A_407 = arith.index_cast %parallel_loop3A_304 : i32 to index
        %parallel_loop3A_408 = arith.constant 112 : index
        %parallel_loop3A_409 = tpu.vector_load %arg10[%parallel_loop3A_407, %parallel_loop3A_408] {strides = array<i32>} : memref<200x128xf32, #tpu.memory_space<vmem>>, vector<1x16xf32>,
        %parallel_loop3A_410 = vector.shape_cast %parallel_loop3A_409 : vector<1x16xf32> to vector<16xf32>
        %parallel_loop3A_411 = arith.addf %parallel_loop3A_406, %parallel_loop3A_410 : vector<16xf32>
        %parallel_loop3A_412 = arith.index_cast %parallel_loop3A_304 : i32 to index
        %parallel_loop3A_413 = arith.constant 112 : index
        %parallel_loop3A_414 = tpu.vector_load %arg7[%parallel_loop3A_412, %parallel_loop3A_413] {strides = array<i32>} : memref<200x128xf32, #tpu.memory_space<vmem>>, vector<1x16xf32>,
        %parallel_loop3A_415 = vector.shape_cast %parallel_loop3A_414 : vector<1x16xf32> to vector<16xf32>
        %parallel_loop3A_416 = vector.shape_cast %parallel_loop3A_411 : vector<16xf32> to vector<1x16xf32>
        tpu.vector_store %arg7[%parallel_loop3A_412, %parallel_loop3A_413], %parallel_loop3A_416 {strides = array<i32>} : memref<200x128xf32, #tpu.memory_space<vmem>>, vector<1x16xf32>,
      } {sc.loop_unroll_factor = 5 : i64, sc.parallel_access}
      %add3A_199 = arith.addi %mul3A_2, %add3A_167 : i32
      %dma_start3A_200 = arith.constant 0 : i32
      %dma_start3A_201 = arith.constant 0 : i32
      %dma_start3A_202 = tpu.memref_slice %arg5[%add3A_199, %dma_start3A_200, %dma_start3A_201] : memref<1024x200x128xf32, #tpu.memory_space<hbm>> -> memref<1x200x128xf32, #tpu.memory_space<hbm>>
      %dma_start3A_203 = tpu.memref_squeeze %dma_start3A_202 : memref<1x200x128xf32, #tpu.memory_space<hbm>> -> memref<200x128xf32, #tpu.memory_space<hbm>>
      %dma_start3A_204 = arith.constant 0 : i32
      %dma_start3A_205 = arith.constant 0 : i32
      %dma_start3A_206 = tpu.memref_slice %arg5[%add3A_199, %dma_start3A_204, %dma_start3A_205] : memref<1024x200x128xf32, #tpu.memory_space<hbm>> -> memref<1x200x128xf32, #tpu.memory_space<hbm>>
      %dma_start3A_207 = tpu.memref_squeeze %dma_start3A_206 : memref<1x200x128xf32, #tpu.memory_space<hbm>> -> memref<200x128xf32, #tpu.memory_space<hbm>>
      tpu.enqueue_dma source(%arg7 : memref<200x128xf32, #tpu.memory_space<vmem>>) target(%dma_start3A_207 : memref<200x128xf32, #tpu.memory_space<hbm>>) target_semaphore(%arg14 : memref<!tpu.dma_semaphore, #tpu.memory_space<semaphore_mem>>)
      %mul3A_208 = arith.constant 3 : i32
      %mul3A_209 = arith.muli %scan3A_163, %mul3A_208 : i32
      %add3A_210 = arith.constant 1 : i32
      %add3A_211 = arith.addi %mul3A_209, %add3A_210 : i32
      %ge3A_212 = arith.constant 2 : i32
      %ge3A_213 = arith.cmpi sge, %add3A_211, %ge3A_212 : i32
      %convert_element_type3A_214 = arith.extui %ge3A_213 : i1 to i32
      %cond3A_215 = arith.constant 0 : i32
      %cond3A_216 = arith.cmpi ne, %convert_element_type3A_214, %cond3A_215 : i32
      scf.if %cond3A_216 {
        %dma_wait3A_304 = arith.constant 0 : i32
        %dma_wait3A_305 = arith.constant 0 : i32
        %dma_wait3A_306 = tpu.memref_slice %arg5[%mul3A_2, %dma_wait3A_304, %dma_wait3A_305] : memref<1024x200x128xf32, #tpu.memory_space<hbm>> -> memref<1x200x128xf32, #tpu.memory_space<hbm>>
        %dma_wait3A_307 = tpu.memref_squeeze %dma_wait3A_306 : memref<1x200x128xf32, #tpu.memory_space<hbm>> -> memref<200x128xf32, #tpu.memory_space<hbm>>
        %dma_wait3A_308 = arith.constant 0 : i32
        %dma_wait3A_309 = arith.constant 0 : i32
        %dma_wait3A_310 = tpu.memref_slice %arg5[%mul3A_2, %dma_wait3A_308, %dma_wait3A_309] : memref<1024x200x128xf32, #tpu.memory_space<hbm>> -> memref<1x200x128xf32, #tpu.memory_space<hbm>>
        %dma_wait3A_311 = tpu.memref_squeeze %dma_wait3A_310 : memref<1x200x128xf32, #tpu.memory_space<hbm>> -> memref<200x128xf32, #tpu.memory_space<hbm>>
        tpu.wait_dma2 semaphore(%arg16 : memref<!tpu.dma_semaphore, #tpu.memory_space<semaphore_mem>>) src(%arg9 : memref<200x128xf32, #tpu.memory_space<vmem>>) dst(%dma_wait3A_311 : memref<200x128xf32, #tpu.memory_space<hbm>>)
      } else {
      }
      %add3A_217 = arith.constant 1 : i32
      %add3A_218 = arith.addi %add3A_211, %add3A_217 : i32
      %lt3A_219 = arith.constant 32 : i32
      %lt3A_220 = arith.cmpi slt, %add3A_218, %lt3A_219 : i32
      %convert_element_type3A_221 = arith.extui %lt3A_220 : i1 to i32
      %cond3A_222 = arith.constant 0 : i32
      %cond3A_223 = arith.cmpi ne, %convert_element_type3A_221, %cond3A_222 : i32
      scf.if %cond3A_223 {
        %add3A_304 = arith.constant 1 : i32
        %add3A_305 = arith.addi %add3A_211, %add3A_304 : i32
        %dma_start3A_306 = arith.constant 0 : i32
        %dma_start3A_307 = arith.constant 0 : i32
        %dma_start3A_308 = arith.constant 0 : i32
        %dma_start3A_309 = tpu.memref_slice %arg9[%dma_start3A_307, %dma_start3A_308] : memref<200x128xf32, #tpu.memory_space<vmem>> -> memref<100x128xf32, #tpu.memory_space<vmem>>
        %dma_start3A_310 = arith.constant 0 : i32
        %dma_start3A_311 = tpu.memref_slice %arg6[%add3A_305, %dma_start3A_306, %dma_start3A_310] : memref<32x2x100xi32, #tpu.memory_space<vmem>> -> memref<1x1x100xi32, #tpu.memory_space<vmem>>
        %dma_start3A_312 = tpu.memref_squeeze %dma_start3A_311 : memref<1x1x100xi32, #tpu.memory_space<vmem>> -> memref<100xi32, #tpu.memory_space<vmem>>
        %dma_start3A_313 = arith.constant 0 : i32
        %dma_start3A_314 = arith.constant 0 : i32
        %dma_start3A_315 = tpu.memref_slice %arg3[%dma_start3A_313, %dma_start3A_314] : memref<100000x128xf32, #tpu.memory_space<hbm>> -> memref<100000x128xf32, #tpu.memory_space<hbm>>
        tpu.enqueue_indirect_dma source(%dma_start3A_315 : memref<100000x128xf32, #tpu.memory_space<hbm>>) target(%dma_start3A_309 : memref<100x128xf32, #tpu.memory_space<vmem>>) offsets(%dma_start3A_312 : memref<100xi32, #tpu.memory_space<vmem>>) semaphore(%arg13 : memref<!tpu.dma_semaphore, #tpu.memory_space<semaphore_mem>>)
        %dma_start3A_316 = arith.constant 1 : i32
        %dma_start3A_317 = arith.constant 100 : i32
        %dma_start3A_318 = arith.constant 0 : i32
        %dma_start3A_319 = tpu.memref_slice %arg9[%dma_start3A_317, %dma_start3A_318] : memref<200x128xf32, #tpu.memory_space<vmem>> -> memref<100x128xf32, #tpu.memory_space<vmem>>
        %dma_start3A_320 = arith.constant 0 : i32
        %dma_start3A_321 = tpu.memref_slice %arg6[%add3A_305, %dma_start3A_316, %dma_start3A_320] : memref<32x2x100xi32, #tpu.memory_space<vmem>> -> memref<1x1x100xi32, #tpu.memory_space<vmem>>
        %dma_start3A_322 = tpu.memref_squeeze %dma_start3A_321 : memref<1x1x100xi32, #tpu.memory_space<vmem>> -> memref<100xi32, #tpu.memory_space<vmem>>
        %dma_start3A_323 = arith.constant 0 : i32
        %dma_start3A_324 = arith.constant 0 : i32
        %dma_start3A_325 = tpu.memref_slice %arg3[%dma_start3A_323, %dma_start3A_324] : memref<100000x128xf32, #tpu.memory_space<hbm>> -> memref<100000x128xf32, #tpu.memory_space<hbm>>
        tpu.enqueue_indirect_dma source(%dma_start3A_325 : memref<100000x128xf32, #tpu.memory_space<hbm>>) target(%dma_start3A_319 : memref<100x128xf32, #tpu.memory_space<vmem>>) offsets(%dma_start3A_322 : memref<100xi32, #tpu.memory_space<vmem>>) semaphore(%arg13 : memref<!tpu.dma_semaphore, #tpu.memory_space<semaphore_mem>>)
      } else {
      }
      %dma_wait3A_224 = arith.constant 0 : i32
      %dma_wait3A_225 = arith.constant 0 : i32
      %dma_wait3A_226 = arith.constant 0 : i32
      %dma_wait3A_227 = tpu.memref_slice %arg8[%dma_wait3A_225, %dma_wait3A_226] : memref<200x128xf32, #tpu.memory_space<vmem>> -> memref<100x128xf32, #tpu.memory_space<vmem>>
      %dma_wait3A_228 = arith.constant 0 : i32
      %dma_wait3A_229 = tpu.memref_slice %arg6[%add3A_211, %dma_wait3A_224, %dma_wait3A_228] : memref<32x2x100xi32, #tpu.memory_space<vmem>> -> memref<1x1x100xi32, #tpu.memory_space<vmem>>
      %dma_wait3A_230 = tpu.memref_squeeze %dma_wait3A_229 : memref<1x1x100xi32, #tpu.memory_space<vmem>> -> memref<100xi32, #tpu.memory_space<vmem>>
      %dma_wait3A_231 = arith.constant 0 : i32
      %dma_wait3A_232 = arith.constant 0 : i32
      %dma_wait3A_233 = tpu.memref_slice %arg3[%dma_wait3A_231, %dma_wait3A_232] : memref<100000x128xf32, #tpu.memory_space<hbm>> -> memref<100000x128xf32, #tpu.memory_space<hbm>>
      tpu.wait_indirect_dma semaphore(%arg12 : memref<!tpu.dma_semaphore, #tpu.memory_space<semaphore_mem>>) src(%dma_wait3A_233 : memref<100000x128xf32, #tpu.memory_space<hbm>>) dst(%dma_wait3A_227 : memref<100x128xf32, #tpu.memory_space<vmem>>)
      %dma_wait3A_234 = arith.constant 1 : i32
      %dma_wait3A_235 = arith.constant 100 : i32
      %dma_wait3A_236 = arith.constant 0 : i32
      %dma_wait3A_237 = tpu.memref_slice %arg8[%dma_wait3A_235, %dma_wait3A_236] : memref<200x128xf32, #tpu.memory_space<vmem>> -> memref<100x128xf32, #tpu.memory_space<vmem>>
      %dma_wait3A_238 = arith.constant 0 : i32
      %dma_wait3A_239 = tpu.memref_slice %arg6[%add3A_211, %dma_wait3A_234, %dma_wait3A_238] : memref<32x2x100xi32, #tpu.memory_space<vmem>> -> memref<1x1x100xi32, #tpu.memory_space<vmem>>
      %dma_wait3A_240 = tpu.memref_squeeze %dma_wait3A_239 : memref<1x1x100xi32, #tpu.memory_space<vmem>> -> memref<100xi32, #tpu.memory_space<vmem>>
      %dma_wait3A_241 = arith.constant 0 : i32
      %dma_wait3A_242 = arith.constant 0 : i32
      %dma_wait3A_243 = tpu.memref_slice %arg3[%dma_wait3A_241, %dma_wait3A_242] : memref<100000x128xf32, #tpu.memory_space<hbm>> -> memref<100000x128xf32, #tpu.memory_space<hbm>>
      tpu.wait_indirect_dma semaphore(%arg12 : memref<!tpu.dma_semaphore, #tpu.memory_space<semaphore_mem>>) src(%dma_wait3A_243 : memref<100000x128xf32, #tpu.memory_space<hbm>>) dst(%dma_wait3A_237 : memref<100x128xf32, #tpu.memory_space<vmem>>)
      %parallel_loop3A_244 = arith.constant 0 : i32
      %parallel_loop3A_245 = arith.constant 200 : i32
      %parallel_loop3A_246 = arith.constant 1 : i32
      scf.for %parallel_loop3A_304 = %parallel_loop3A_244 to %parallel_loop3A_245 step %parallel_loop3A_246  : i32 {
        %parallel_loop3A_305 = arith.index_cast %parallel_loop3A_304 : i32 to index
        %parallel_loop3A_306 = arith.constant 0 : index
        %parallel_loop3A_307 = tpu.vector_load %arg8[%parallel_loop3A_305, %parallel_loop3A_306] {strides = array<i32>} : memref<200x128xf32, #tpu.memory_space<vmem>>, vector<1x16xf32>,
        %parallel_loop3A_308 = vector.shape_cast %parallel_loop3A_307 : vector<1x16xf32> to vector<16xf32>
        %parallel_loop3A_309 = arith.index_cast %parallel_loop3A_304 : i32 to index
        %parallel_loop3A_310 = arith.constant 0 : index
        %parallel_loop3A_311 = tpu.vector_load %arg10[%parallel_loop3A_309, %parallel_loop3A_310] {strides = array<i32>} : memref<200x128xf32, #tpu.memory_space<vmem>>, vector<1x16xf32>,
        %parallel_loop3A_312 = vector.shape_cast %parallel_loop3A_311 : vector<1x16xf32> to vector<16xf32>
        %parallel_loop3A_313 = arith.addf %parallel_loop3A_308, %parallel_loop3A_312 : vector<16xf32>
        %parallel_loop3A_314 = arith.index_cast %parallel_loop3A_304 : i32 to index
        %parallel_loop3A_315 = arith.constant 0 : index
        %parallel_loop3A_316 = tpu.vector_load %arg8[%parallel_loop3A_314, %parallel_loop3A_315] {strides = array<i32>} : memref<200x128xf32, #tpu.memory_space<vmem>>, vector<1x16xf32>,
        %parallel_loop3A_317 = vector.shape_cast %parallel_loop3A_316 : vector<1x16xf32> to vector<16xf32>
        %parallel_loop3A_318 = vector.shape_cast %parallel_loop3A_313 : vector<16xf32> to vector<1x16xf32>
        tpu.vector_store %arg8[%parallel_loop3A_314, %parallel_loop3A_315], %parallel_loop3A_318 {strides = array<i32>} : memref<200x128xf32, #tpu.memory_space<vmem>>, vector<1x16xf32>,
        %parallel_loop3A_319 = arith.index_cast %parallel_loop3A_304 : i32 to index
        %parallel_loop3A_320 = arith.constant 16 : index
        %parallel_loop3A_321 = tpu.vector_load %arg8[%parallel_loop3A_319, %parallel_loop3A_320] {strides = array<i32>} : memref<200x128xf32, #tpu.memory_space<vmem>>, vector<1x16xf32>,
        %parallel_loop3A_322 = vector.shape_cast %parallel_loop3A_321 : vector<1x16xf32> to vector<16xf32>
        %parallel_loop3A_323 = arith.index_cast %parallel_loop3A_304 : i32 to index
        %parallel_loop3A_324 = arith.constant 16 : index
        %parallel_loop3A_325 = tpu.vector_load %arg10[%parallel_loop3A_323, %parallel_loop3A_324] {strides = array<i32>} : memref<200x128xf32, #tpu.memory_space<vmem>>, vector<1x16xf32>,
        %parallel_loop3A_326 = vector.shape_cast %parallel_loop3A_325 : vector<1x16xf32> to vector<16xf32>
        %parallel_loop3A_327 = arith.addf %parallel_loop3A_322, %parallel_loop3A_326 : vector<16xf32>
        %parallel_loop3A_328 = arith.index_cast %parallel_loop3A_304 : i32 to index
        %parallel_loop3A_329 = arith.constant 16 : index
        %parallel_loop3A_330 = tpu.vector_load %arg8[%parallel_loop3A_328, %parallel_loop3A_329] {strides = array<i32>} : memref<200x128xf32, #tpu.memory_space<vmem>>, vector<1x16xf32>,
        %parallel_loop3A_331 = vector.shape_cast %parallel_loop3A_330 : vector<1x16xf32> to vector<16xf32>
        %parallel_loop3A_332 = vector.shape_cast %parallel_loop3A_327 : vector<16xf32> to vector<1x16xf32>
        tpu.vector_store %arg8[%parallel_loop3A_328, %parallel_loop3A_329], %parallel_loop3A_332 {strides = array<i32>} : memref<200x128xf32, #tpu.memory_space<vmem>>, vector<1x16xf32>,
        %parallel_loop3A_333 = arith.index_cast %parallel_loop3A_304 : i32 to index
        %parallel_loop3A_334 = arith.constant 32 : index
        %parallel_loop3A_335 = tpu.vector_load %arg8[%parallel_loop3A_333, %parallel_loop3A_334] {strides = array<i32>} : memref<200x128xf32, #tpu.memory_space<vmem>>, vector<1x16xf32>,
        %parallel_loop3A_336 = vector.shape_cast %parallel_loop3A_335 : vector<1x16xf32> to vector<16xf32>
        %parallel_loop3A_337 = arith.index_cast %parallel_loop3A_304 : i32 to index
        %parallel_loop3A_338 = arith.constant 32 : index
        %parallel_loop3A_339 = tpu.vector_load %arg10[%parallel_loop3A_337, %parallel_loop3A_338] {strides = array<i32>} : memref<200x128xf32, #tpu.memory_space<vmem>>, vector<1x16xf32>,
        %parallel_loop3A_340 = vector.shape_cast %parallel_loop3A_339 : vector<1x16xf32> to vector<16xf32>
        %parallel_loop3A_341 = arith.addf %parallel_loop3A_336, %parallel_loop3A_340 : vector<16xf32>
        %parallel_loop3A_342 = arith.index_cast %parallel_loop3A_304 : i32 to index
        %parallel_loop3A_343 = arith.constant 32 : index
        %parallel_loop3A_344 = tpu.vector_load %arg8[%parallel_loop3A_342, %parallel_loop3A_343] {strides = array<i32>} : memref<200x128xf32, #tpu.memory_space<vmem>>, vector<1x16xf32>,
        %parallel_loop3A_345 = vector.shape_cast %parallel_loop3A_344 : vector<1x16xf32> to vector<16xf32>
        %parallel_loop3A_346 = vector.shape_cast %parallel_loop3A_341 : vector<16xf32> to vector<1x16xf32>
        tpu.vector_store %arg8[%parallel_loop3A_342, %parallel_loop3A_343], %parallel_loop3A_346 {strides = array<i32>} : memref<200x128xf32, #tpu.memory_space<vmem>>, vector<1x16xf32>,
        %parallel_loop3A_347 = arith.index_cast %parallel_loop3A_304 : i32 to index
        %parallel_loop3A_348 = arith.constant 48 : index
        %parallel_loop3A_349 = tpu.vector_load %arg8[%parallel_loop3A_347, %parallel_loop3A_348] {strides = array<i32>} : memref<200x128xf32, #tpu.memory_space<vmem>>, vector<1x16xf32>,
        %parallel_loop3A_350 = vector.shape_cast %parallel_loop3A_349 : vector<1x16xf32> to vector<16xf32>
        %parallel_loop3A_351 = arith.index_cast %parallel_loop3A_304 : i32 to index
        %parallel_loop3A_352 = arith.constant 48 : index
        %parallel_loop3A_353 = tpu.vector_load %arg10[%parallel_loop3A_351, %parallel_loop3A_352] {strides = array<i32>} : memref<200x128xf32, #tpu.memory_space<vmem>>, vector<1x16xf32>,
        %parallel_loop3A_354 = vector.shape_cast %parallel_loop3A_353 : vector<1x16xf32> to vector<16xf32>
        %parallel_loop3A_355 = arith.addf %parallel_loop3A_350, %parallel_loop3A_354 : vector<16xf32>
        %parallel_loop3A_356 = arith.index_cast %parallel_loop3A_304 : i32 to index
        %parallel_loop3A_357 = arith.constant 48 : index
        %parallel_loop3A_358 = tpu.vector_load %arg8[%parallel_loop3A_356, %parallel_loop3A_357] {strides = array<i32>} : memref<200x128xf32, #tpu.memory_space<vmem>>, vector<1x16xf32>,
        %parallel_loop3A_359 = vector.shape_cast %parallel_loop3A_358 : vector<1x16xf32> to vector<16xf32>
        %parallel_loop3A_360 = vector.shape_cast %parallel_loop3A_355 : vector<16xf32> to vector<1x16xf32>
        tpu.vector_store %arg8[%parallel_loop3A_356, %parallel_loop3A_357], %parallel_loop3A_360 {strides = array<i32>} : memref<200x128xf32, #tpu.memory_space<vmem>>, vector<1x16xf32>,
        %parallel_loop3A_361 = arith.index_cast %parallel_loop3A_304 : i32 to index
        %parallel_loop3A_362 = arith.constant 64 : index
        %parallel_loop3A_363 = tpu.vector_load %arg8[%parallel_loop3A_361, %parallel_loop3A_362] {strides = array<i32>} : memref<200x128xf32, #tpu.memory_space<vmem>>, vector<1x16xf32>,
        %parallel_loop3A_364 = vector.shape_cast %parallel_loop3A_363 : vector<1x16xf32> to vector<16xf32>
        %parallel_loop3A_365 = arith.index_cast %parallel_loop3A_304 : i32 to index
        %parallel_loop3A_366 = arith.constant 64 : index
        %parallel_loop3A_367 = tpu.vector_load %arg10[%parallel_loop3A_365, %parallel_loop3A_366] {strides = array<i32>} : memref<200x128xf32, #tpu.memory_space<vmem>>, vector<1x16xf32>,
        %parallel_loop3A_368 = vector.shape_cast %parallel_loop3A_367 : vector<1x16xf32> to vector<16xf32>
        %parallel_loop3A_369 = arith.addf %parallel_loop3A_364, %parallel_loop3A_368 : vector<16xf32>
        %parallel_loop3A_370 = arith.index_cast %parallel_loop3A_304 : i32 to index
        %parallel_loop3A_371 = arith.constant 64 : index
        %parallel_loop3A_372 = tpu.vector_load %arg8[%parallel_loop3A_370, %parallel_loop3A_371] {strides = array<i32>} : memref<200x128xf32, #tpu.memory_space<vmem>>, vector<1x16xf32>,
        %parallel_loop3A_373 = vector.shape_cast %parallel_loop3A_372 : vector<1x16xf32> to vector<16xf32>
        %parallel_loop3A_374 = vector.shape_cast %parallel_loop3A_369 : vector<16xf32> to vector<1x16xf32>
        tpu.vector_store %arg8[%parallel_loop3A_370, %parallel_loop3A_371], %parallel_loop3A_374 {strides = array<i32>} : memref<200x128xf32, #tpu.memory_space<vmem>>, vector<1x16xf32>,
        %parallel_loop3A_375 = arith.index_cast %parallel_loop3A_304 : i32 to index
        %parallel_loop3A_376 = arith.constant 80 : index
        %parallel_loop3A_377 = tpu.vector_load %arg8[%parallel_loop3A_375, %parallel_loop3A_376] {strides = array<i32>} : memref<200x128xf32, #tpu.memory_space<vmem>>, vector<1x16xf32>,
        %parallel_loop3A_378 = vector.shape_cast %parallel_loop3A_377 : vector<1x16xf32> to vector<16xf32>
        %parallel_loop3A_379 = arith.index_cast %parallel_loop3A_304 : i32 to index
        %parallel_loop3A_380 = arith.constant 80 : index
        %parallel_loop3A_381 = tpu.vector_load %arg10[%parallel_loop3A_379, %parallel_loop3A_380] {strides = array<i32>} : memref<200x128xf32, #tpu.memory_space<vmem>>, vector<1x16xf32>,
        %parallel_loop3A_382 = vector.shape_cast %parallel_loop3A_381 : vector<1x16xf32> to vector<16xf32>
        %parallel_loop3A_383 = arith.addf %parallel_loop3A_378, %parallel_loop3A_382 : vector<16xf32>
        %parallel_loop3A_384 = arith.index_cast %parallel_loop3A_304 : i32 to index
        %parallel_loop3A_385 = arith.constant 80 : index
        %parallel_loop3A_386 = tpu.vector_load %arg8[%parallel_loop3A_384, %parallel_loop3A_385] {strides = array<i32>} : memref<200x128xf32, #tpu.memory_space<vmem>>, vector<1x16xf32>,
        %parallel_loop3A_387 = vector.shape_cast %parallel_loop3A_386 : vector<1x16xf32> to vector<16xf32>
        %parallel_loop3A_388 = vector.shape_cast %parallel_loop3A_383 : vector<16xf32> to vector<1x16xf32>
        tpu.vector_store %arg8[%parallel_loop3A_384, %parallel_loop3A_385], %parallel_loop3A_388 {strides = array<i32>} : memref<200x128xf32, #tpu.memory_space<vmem>>, vector<1x16xf32>,
        %parallel_loop3A_389 = arith.index_cast %parallel_loop3A_304 : i32 to index
        %parallel_loop3A_390 = arith.constant 96 : index
        %parallel_loop3A_391 = tpu.vector_load %arg8[%parallel_loop3A_389, %parallel_loop3A_390] {strides = array<i32>} : memref<200x128xf32, #tpu.memory_space<vmem>>, vector<1x16xf32>,
        %parallel_loop3A_392 = vector.shape_cast %parallel_loop3A_391 : vector<1x16xf32> to vector<16xf32>
        %parallel_loop3A_393 = arith.index_cast %parallel_loop3A_304 : i32 to index
        %parallel_loop3A_394 = arith.constant 96 : index
        %parallel_loop3A_395 = tpu.vector_load %arg10[%parallel_loop3A_393, %parallel_loop3A_394] {strides = array<i32>} : memref<200x128xf32, #tpu.memory_space<vmem>>, vector<1x16xf32>,
        %parallel_loop3A_396 = vector.shape_cast %parallel_loop3A_395 : vector<1x16xf32> to vector<16xf32>
        %parallel_loop3A_397 = arith.addf %parallel_loop3A_392, %parallel_loop3A_396 : vector<16xf32>
        %parallel_loop3A_398 = arith.index_cast %parallel_loop3A_304 : i32 to index
        %parallel_loop3A_399 = arith.constant 96 : index
        %parallel_loop3A_400 = tpu.vector_load %arg8[%parallel_loop3A_398, %parallel_loop3A_399] {strides = array<i32>} : memref<200x128xf32, #tpu.memory_space<vmem>>, vector<1x16xf32>,
        %parallel_loop3A_401 = vector.shape_cast %parallel_loop3A_400 : vector<1x16xf32> to vector<16xf32>
        %parallel_loop3A_402 = vector.shape_cast %parallel_loop3A_397 : vector<16xf32> to vector<1x16xf32>
        tpu.vector_store %arg8[%parallel_loop3A_398, %parallel_loop3A_399], %parallel_loop3A_402 {strides = array<i32>} : memref<200x128xf32, #tpu.memory_space<vmem>>, vector<1x16xf32>,
        %parallel_loop3A_403 = arith.index_cast %parallel_loop3A_304 : i32 to index
        %parallel_loop3A_404 = arith.constant 112 : index
        %parallel_loop3A_405 = tpu.vector_load %arg8[%parallel_loop3A_403, %parallel_loop3A_404] {strides = array<i32>} : memref<200x128xf32, #tpu.memory_space<vmem>>, vector<1x16xf32>,
        %parallel_loop3A_406 = vector.shape_cast %parallel_loop3A_405 : vector<1x16xf32> to vector<16xf32>
        %parallel_loop3A_407 = arith.index_cast %parallel_loop3A_304 : i32 to index
        %parallel_loop3A_408 = arith.constant 112 : index
        %parallel_loop3A_409 = tpu.vector_load %arg10[%parallel_loop3A_407, %parallel_loop3A_408] {strides = array<i32>} : memref<200x128xf32, #tpu.memory_space<vmem>>, vector<1x16xf32>,
        %parallel_loop3A_410 = vector.shape_cast %parallel_loop3A_409 : vector<1x16xf32> to vector<16xf32>
        %parallel_loop3A_411 = arith.addf %parallel_loop3A_406, %parallel_loop3A_410 : vector<16xf32>
        %parallel_loop3A_412 = arith.index_cast %parallel_loop3A_304 : i32 to index
        %parallel_loop3A_413 = arith.constant 112 : index
        %parallel_loop3A_414 = tpu.vector_load %arg8[%parallel_loop3A_412, %parallel_loop3A_413] {strides = array<i32>} : memref<200x128xf32, #tpu.memory_space<vmem>>, vector<1x16xf32>,
        %parallel_loop3A_415 = vector.shape_cast %parallel_loop3A_414 : vector<1x16xf32> to vector<16xf32>
        %parallel_loop3A_416 = vector.shape_cast %parallel_loop3A_411 : vector<16xf32> to vector<1x16xf32>
        tpu.vector_store %arg8[%parallel_loop3A_412, %parallel_loop3A_413], %parallel_loop3A_416 {strides = array<i32>} : memref<200x128xf32, #tpu.memory_space<vmem>>, vector<1x16xf32>,
      } {sc.loop_unroll_factor = 5 : i64, sc.parallel_access}
      %add3A_247 = arith.addi %mul3A_2, %add3A_211 : i32
      %dma_start3A_248 = arith.constant 0 : i32
      %dma_start3A_249 = arith.constant 0 : i32
      %dma_start3A_250 = tpu.memref_slice %arg5[%add3A_247, %dma_start3A_248, %dma_start3A_249] : memref<1024x200x128xf32, #tpu.memory_space<hbm>> -> memref<1x200x128xf32, #tpu.memory_space<hbm>>
      %dma_start3A_251 = tpu.memref_squeeze %dma_start3A_250 : memref<1x200x128xf32, #tpu.memory_space<hbm>> -> memref<200x128xf32, #tpu.memory_space<hbm>>
      %dma_start3A_252 = arith.constant 0 : i32
      %dma_start3A_253 = arith.constant 0 : i32
      %dma_start3A_254 = tpu.memref_slice %arg5[%add3A_247, %dma_start3A_252, %dma_start3A_253] : memref<1024x200x128xf32, #tpu.memory_space<hbm>> -> memref<1x200x128xf32, #tpu.memory_space<hbm>>
      %dma_start3A_255 = tpu.memref_squeeze %dma_start3A_254 : memref<1x200x128xf32, #tpu.memory_space<hbm>> -> memref<200x128xf32, #tpu.memory_space<hbm>>
      tpu.enqueue_dma source(%arg8 : memref<200x128xf32, #tpu.memory_space<vmem>>) target(%dma_start3A_255 : memref<200x128xf32, #tpu.memory_space<hbm>>) target_semaphore(%arg15 : memref<!tpu.dma_semaphore, #tpu.memory_space<semaphore_mem>>)
      %mul3A_256 = arith.constant 3 : i32
      %mul3A_257 = arith.muli %scan3A_163, %mul3A_256 : i32
      %add3A_258 = arith.constant 2 : i32
      %add3A_259 = arith.addi %mul3A_257, %add3A_258 : i32
      %ge3A_260 = arith.constant 2 : i32
      %ge3A_261 = arith.cmpi sge, %add3A_259, %ge3A_260 : i32
      %convert_element_type3A_262 = arith.extui %ge3A_261 : i1 to i32
      %cond3A_263 = arith.constant 0 : i32
      %cond3A_264 = arith.cmpi ne, %convert_element_type3A_262, %cond3A_263 : i32
      scf.if %cond3A_264 {
        %dma_wait3A_304 = arith.constant 0 : i32
        %dma_wait3A_305 = arith.constant 0 : i32
        %dma_wait3A_306 = tpu.memref_slice %arg5[%mul3A_2, %dma_wait3A_304, %dma_wait3A_305] : memref<1024x200x128xf32, #tpu.memory_space<hbm>> -> memref<1x200x128xf32, #tpu.memory_space<hbm>>
        %dma_wait3A_307 = tpu.memref_squeeze %dma_wait3A_306 : memref<1x200x128xf32, #tpu.memory_space<hbm>> -> memref<200x128xf32, #tpu.memory_space<hbm>>
        %dma_wait3A_308 = arith.constant 0 : i32
        %dma_wait3A_309 = arith.constant 0 : i32
        %dma_wait3A_310 = tpu.memref_slice %arg5[%mul3A_2, %dma_wait3A_308, %dma_wait3A_309] : memref<1024x200x128xf32, #tpu.memory_space<hbm>> -> memref<1x200x128xf32, #tpu.memory_space<hbm>>
        %dma_wait3A_311 = tpu.memref_squeeze %dma_wait3A_310 : memref<1x200x128xf32, #tpu.memory_space<hbm>> -> memref<200x128xf32, #tpu.memory_space<hbm>>
        tpu.wait_dma2 semaphore(%arg14 : memref<!tpu.dma_semaphore, #tpu.memory_space<semaphore_mem>>) src(%arg7 : memref<200x128xf32, #tpu.memory_space<vmem>>) dst(%dma_wait3A_311 : memref<200x128xf32, #tpu.memory_space<hbm>>)
      } else {
      }
      %add3A_265 = arith.constant 1 : i32
      %add3A_266 = arith.addi %add3A_259, %add3A_265 : i32
      %lt3A_267 = arith.constant 32 : i32
      %lt3A_268 = arith.cmpi slt, %add3A_266, %lt3A_267 : i32
      %convert_element_type3A_269 = arith.extui %lt3A_268 : i1 to i32
      %cond3A_270 = arith.constant 0 : i32
      %cond3A_271 = arith.cmpi ne, %convert_element_type3A_269, %cond3A_270 : i32
      scf.if %cond3A_271 {
        %add3A_304 = arith.constant 1 : i32
        %add3A_305 = arith.addi %add3A_259, %add3A_304 : i32
        %dma_start3A_306 = arith.constant 0 : i32
        %dma_start3A_307 = arith.constant 0 : i32
        %dma_start3A_308 = arith.constant 0 : i32
        %dma_start3A_309 = tpu.memref_slice %arg7[%dma_start3A_307, %dma_start3A_308] : memref<200x128xf32, #tpu.memory_space<vmem>> -> memref<100x128xf32, #tpu.memory_space<vmem>>
        %dma_start3A_310 = arith.constant 0 : i32
        %dma_start3A_311 = tpu.memref_slice %arg6[%add3A_305, %dma_start3A_306, %dma_start3A_310] : memref<32x2x100xi32, #tpu.memory_space<vmem>> -> memref<1x1x100xi32, #tpu.memory_space<vmem>>
        %dma_start3A_312 = tpu.memref_squeeze %dma_start3A_311 : memref<1x1x100xi32, #tpu.memory_space<vmem>> -> memref<100xi32, #tpu.memory_space<vmem>>
        %dma_start3A_313 = arith.constant 0 : i32
        %dma_start3A_314 = arith.constant 0 : i32
        %dma_start3A_315 = tpu.memref_slice %arg3[%dma_start3A_313, %dma_start3A_314] : memref<100000x128xf32, #tpu.memory_space<hbm>> -> memref<100000x128xf32, #tpu.memory_space<hbm>>
        tpu.enqueue_indirect_dma source(%dma_start3A_315 : memref<100000x128xf32, #tpu.memory_space<hbm>>) target(%dma_start3A_309 : memref<100x128xf32, #tpu.memory_space<vmem>>) offsets(%dma_start3A_312 : memref<100xi32, #tpu.memory_space<vmem>>) semaphore(%arg11 : memref<!tpu.dma_semaphore, #tpu.memory_space<semaphore_mem>>)
        %dma_start3A_316 = arith.constant 1 : i32
        %dma_start3A_317 = arith.constant 100 : i32
        %dma_start3A_318 = arith.constant 0 : i32
        %dma_start3A_319 = tpu.memref_slice %arg7[%dma_start3A_317, %dma_start3A_318] : memref<200x128xf32, #tpu.memory_space<vmem>> -> memref<100x128xf32, #tpu.memory_space<vmem>>
        %dma_start3A_320 = arith.constant 0 : i32
        %dma_start3A_321 = tpu.memref_slice %arg6[%add3A_305, %dma_start3A_316, %dma_start3A_320] : memref<32x2x100xi32, #tpu.memory_space<vmem>> -> memref<1x1x100xi32, #tpu.memory_space<vmem>>
        %dma_start3A_322 = tpu.memref_squeeze %dma_start3A_321 : memref<1x1x100xi32, #tpu.memory_space<vmem>> -> memref<100xi32, #tpu.memory_space<vmem>>
        %dma_start3A_323 = arith.constant 0 : i32
        %dma_start3A_324 = arith.constant 0 : i32
        %dma_start3A_325 = tpu.memref_slice %arg3[%dma_start3A_323, %dma_start3A_324] : memref<100000x128xf32, #tpu.memory_space<hbm>> -> memref<100000x128xf32, #tpu.memory_space<hbm>>
        tpu.enqueue_indirect_dma source(%dma_start3A_325 : memref<100000x128xf32, #tpu.memory_space<hbm>>) target(%dma_start3A_319 : memref<100x128xf32, #tpu.memory_space<vmem>>) offsets(%dma_start3A_322 : memref<100xi32, #tpu.memory_space<vmem>>) semaphore(%arg11 : memref<!tpu.dma_semaphore, #tpu.memory_space<semaphore_mem>>)
      } else {
      }
      %dma_wait3A_272 = arith.constant 0 : i32
      %dma_wait3A_273 = arith.constant 0 : i32
      %dma_wait3A_274 = arith.constant 0 : i32
      %dma_wait3A_275 = tpu.memref_slice %arg9[%dma_wait3A_273, %dma_wait3A_274] : memref<200x128xf32, #tpu.memory_space<vmem>> -> memref<100x128xf32, #tpu.memory_space<vmem>>
      %dma_wait3A_276 = arith.constant 0 : i32
      %dma_wait3A_277 = tpu.memref_slice %arg6[%add3A_259, %dma_wait3A_272, %dma_wait3A_276] : memref<32x2x100xi32, #tpu.memory_space<vmem>> -> memref<1x1x100xi32, #tpu.memory_space<vmem>>
      %dma_wait3A_278 = tpu.memref_squeeze %dma_wait3A_277 : memref<1x1x100xi32, #tpu.memory_space<vmem>> -> memref<100xi32, #tpu.memory_space<vmem>>
      %dma_wait3A_279 = arith.constant 0 : i32
      %dma_wait3A_280 = arith.constant 0 : i32
      %dma_wait3A_281 = tpu.memref_slice %arg3[%dma_wait3A_279, %dma_wait3A_280] : memref<100000x128xf32, #tpu.memory_space<hbm>> -> memref<100000x128xf32, #tpu.memory_space<hbm>>
      tpu.wait_indirect_dma semaphore(%arg13 : memref<!tpu.dma_semaphore, #tpu.memory_space<semaphore_mem>>) src(%dma_wait3A_281 : memref<100000x128xf32, #tpu.memory_space<hbm>>) dst(%dma_wait3A_275 : memref<100x128xf32, #tpu.memory_space<vmem>>)
      %dma_wait3A_282 = arith.constant 1 : i32
      %dma_wait3A_283 = arith.constant 100 : i32
      %dma_wait3A_284 = arith.constant 0 : i32
      %dma_wait3A_285 = tpu.memref_slice %arg9[%dma_wait3A_283, %dma_wait3A_284] : memref<200x128xf32, #tpu.memory_space<vmem>> -> memref<100x128xf32, #tpu.memory_space<vmem>>
      %dma_wait3A_286 = arith.constant 0 : i32
      %dma_wait3A_287 = tpu.memref_slice %arg6[%add3A_259, %dma_wait3A_282, %dma_wait3A_286] : memref<32x2x100xi32, #tpu.memory_space<vmem>> -> memref<1x1x100xi32, #tpu.memory_space<vmem>>
      %dma_wait3A_288 = tpu.memref_squeeze %dma_wait3A_287 : memref<1x1x100xi32, #tpu.memory_space<vmem>> -> memref<100xi32, #tpu.memory_space<vmem>>
      %dma_wait3A_289 = arith.constant 0 : i32
      %dma_wait3A_290 = arith.constant 0 : i32
      %dma_wait3A_291 = tpu.memref_slice %arg3[%dma_wait3A_289, %dma_wait3A_290] : memref<100000x128xf32, #tpu.memory_space<hbm>> -> memref<100000x128xf32, #tpu.memory_space<hbm>>
      tpu.wait_indirect_dma semaphore(%arg13 : memref<!tpu.dma_semaphore, #tpu.memory_space<semaphore_mem>>) src(%dma_wait3A_291 : memref<100000x128xf32, #tpu.memory_space<hbm>>) dst(%dma_wait3A_285 : memref<100x128xf32, #tpu.memory_space<vmem>>)
      %parallel_loop3A_292 = arith.constant 0 : i32
      %parallel_loop3A_293 = arith.constant 200 : i32
      %parallel_loop3A_294 = arith.constant 1 : i32
      scf.for %parallel_loop3A_304 = %parallel_loop3A_292 to %parallel_loop3A_293 step %parallel_loop3A_294  : i32 {
        %parallel_loop3A_305 = arith.index_cast %parallel_loop3A_304 : i32 to index
        %parallel_loop3A_306 = arith.constant 0 : index
        %parallel_loop3A_307 = tpu.vector_load %arg9[%parallel_loop3A_305, %parallel_loop3A_306] {strides = array<i32>} : memref<200x128xf32, #tpu.memory_space<vmem>>, vector<1x16xf32>,
        %parallel_loop3A_308 = vector.shape_cast %parallel_loop3A_307 : vector<1x16xf32> to vector<16xf32>
        %parallel_loop3A_309 = arith.index_cast %parallel_loop3A_304 : i32 to index
        %parallel_loop3A_310 = arith.constant 0 : index
        %parallel_loop3A_311 = tpu.vector_load %arg10[%parallel_loop3A_309, %parallel_loop3A_310] {strides = array<i32>} : memref<200x128xf32, #tpu.memory_space<vmem>>, vector<1x16xf32>,
        %parallel_loop3A_312 = vector.shape_cast %parallel_loop3A_311 : vector<1x16xf32> to vector<16xf32>
        %parallel_loop3A_313 = arith.addf %parallel_loop3A_308, %parallel_loop3A_312 : vector<16xf32>
        %parallel_loop3A_314 = arith.index_cast %parallel_loop3A_304 : i32 to index
        %parallel_loop3A_315 = arith.constant 0 : index
        %parallel_loop3A_316 = tpu.vector_load %arg9[%parallel_loop3A_314, %parallel_loop3A_315] {strides = array<i32>} : memref<200x128xf32, #tpu.memory_space<vmem>>, vector<1x16xf32>,
        %parallel_loop3A_317 = vector.shape_cast %parallel_loop3A_316 : vector<1x16xf32> to vector<16xf32>
        %parallel_loop3A_318 = vector.shape_cast %parallel_loop3A_313 : vector<16xf32> to vector<1x16xf32>
        tpu.vector_store %arg9[%parallel_loop3A_314, %parallel_loop3A_315], %parallel_loop3A_318 {strides = array<i32>} : memref<200x128xf32, #tpu.memory_space<vmem>>, vector<1x16xf32>,
        %parallel_loop3A_319 = arith.index_cast %parallel_loop3A_304 : i32 to index
        %parallel_loop3A_320 = arith.constant 16 : index
        %parallel_loop3A_321 = tpu.vector_load %arg9[%parallel_loop3A_319, %parallel_loop3A_320] {strides = array<i32>} : memref<200x128xf32, #tpu.memory_space<vmem>>, vector<1x16xf32>,
        %parallel_loop3A_322 = vector.shape_cast %parallel_loop3A_321 : vector<1x16xf32> to vector<16xf32>
        %parallel_loop3A_323 = arith.index_cast %parallel_loop3A_304 : i32 to index
        %parallel_loop3A_324 = arith.constant 16 : index
        %parallel_loop3A_325 = tpu.vector_load %arg10[%parallel_loop3A_323, %parallel_loop3A_324] {strides = array<i32>} : memref<200x128xf32, #tpu.memory_space<vmem>>, vector<1x16xf32>,
        %parallel_loop3A_326 = vector.shape_cast %parallel_loop3A_325 : vector<1x16xf32> to vector<16xf32>
        %parallel_loop3A_327 = arith.addf %parallel_loop3A_322, %parallel_loop3A_326 : vector<16xf32>
        %parallel_loop3A_328 = arith.index_cast %parallel_loop3A_304 : i32 to index
        %parallel_loop3A_329 = arith.constant 16 : index
        %parallel_loop3A_330 = tpu.vector_load %arg9[%parallel_loop3A_328, %parallel_loop3A_329] {strides = array<i32>} : memref<200x128xf32, #tpu.memory_space<vmem>>, vector<1x16xf32>,
        %parallel_loop3A_331 = vector.shape_cast %parallel_loop3A_330 : vector<1x16xf32> to vector<16xf32>
        %parallel_loop3A_332 = vector.shape_cast %parallel_loop3A_327 : vector<16xf32> to vector<1x16xf32>
        tpu.vector_store %arg9[%parallel_loop3A_328, %parallel_loop3A_329], %parallel_loop3A_332 {strides = array<i32>} : memref<200x128xf32, #tpu.memory_space<vmem>>, vector<1x16xf32>,
        %parallel_loop3A_333 = arith.index_cast %parallel_loop3A_304 : i32 to index
        %parallel_loop3A_334 = arith.constant 32 : index
        %parallel_loop3A_335 = tpu.vector_load %arg9[%parallel_loop3A_333, %parallel_loop3A_334] {strides = array<i32>} : memref<200x128xf32, #tpu.memory_space<vmem>>, vector<1x16xf32>,
        %parallel_loop3A_336 = vector.shape_cast %parallel_loop3A_335 : vector<1x16xf32> to vector<16xf32>
        %parallel_loop3A_337 = arith.index_cast %parallel_loop3A_304 : i32 to index
        %parallel_loop3A_338 = arith.constant 32 : index
        %parallel_loop3A_339 = tpu.vector_load %arg10[%parallel_loop3A_337, %parallel_loop3A_338] {strides = array<i32>} : memref<200x128xf32, #tpu.memory_space<vmem>>, vector<1x16xf32>,
        %parallel_loop3A_340 = vector.shape_cast %parallel_loop3A_339 : vector<1x16xf32> to vector<16xf32>
        %parallel_loop3A_341 = arith.addf %parallel_loop3A_336, %parallel_loop3A_340 : vector<16xf32>
        %parallel_loop3A_342 = arith.index_cast %parallel_loop3A_304 : i32 to index
        %parallel_loop3A_343 = arith.constant 32 : index
        %parallel_loop3A_344 = tpu.vector_load %arg9[%parallel_loop3A_342, %parallel_loop3A_343] {strides = array<i32>} : memref<200x128xf32, #tpu.memory_space<vmem>>, vector<1x16xf32>,
        %parallel_loop3A_345 = vector.shape_cast %parallel_loop3A_344 : vector<1x16xf32> to vector<16xf32>
        %parallel_loop3A_346 = vector.shape_cast %parallel_loop3A_341 : vector<16xf32> to vector<1x16xf32>
        tpu.vector_store %arg9[%parallel_loop3A_342, %parallel_loop3A_343], %parallel_loop3A_346 {strides = array<i32>} : memref<200x128xf32, #tpu.memory_space<vmem>>, vector<1x16xf32>,
        %parallel_loop3A_347 = arith.index_cast %parallel_loop3A_304 : i32 to index
        %parallel_loop3A_348 = arith.constant 48 : index
        %parallel_loop3A_349 = tpu.vector_load %arg9[%parallel_loop3A_347, %parallel_loop3A_348] {strides = array<i32>} : memref<200x128xf32, #tpu.memory_space<vmem>>, vector<1x16xf32>,
        %parallel_loop3A_350 = vector.shape_cast %parallel_loop3A_349 : vector<1x16xf32> to vector<16xf32>
        %parallel_loop3A_351 = arith.index_cast %parallel_loop3A_304 : i32 to index
        %parallel_loop3A_352 = arith.constant 48 : index
        %parallel_loop3A_353 = tpu.vector_load %arg10[%parallel_loop3A_351, %parallel_loop3A_352] {strides = array<i32>} : memref<200x128xf32, #tpu.memory_space<vmem>>, vector<1x16xf32>,
        %parallel_loop3A_354 = vector.shape_cast %parallel_loop3A_353 : vector<1x16xf32> to vector<16xf32>
        %parallel_loop3A_355 = arith.addf %parallel_loop3A_350, %parallel_loop3A_354 : vector<16xf32>
        %parallel_loop3A_356 = arith.index_cast %parallel_loop3A_304 : i32 to index
        %parallel_loop3A_357 = arith.constant 48 : index
        %parallel_loop3A_358 = tpu.vector_load %arg9[%parallel_loop3A_356, %parallel_loop3A_357] {strides = array<i32>} : memref<200x128xf32, #tpu.memory_space<vmem>>, vector<1x16xf32>,
        %parallel_loop3A_359 = vector.shape_cast %parallel_loop3A_358 : vector<1x16xf32> to vector<16xf32>
        %parallel_loop3A_360 = vector.shape_cast %parallel_loop3A_355 : vector<16xf32> to vector<1x16xf32>
        tpu.vector_store %arg9[%parallel_loop3A_356, %parallel_loop3A_357], %parallel_loop3A_360 {strides = array<i32>} : memref<200x128xf32, #tpu.memory_space<vmem>>, vector<1x16xf32>,
        %parallel_loop3A_361 = arith.index_cast %parallel_loop3A_304 : i32 to index
        %parallel_loop3A_362 = arith.constant 64 : index
        %parallel_loop3A_363 = tpu.vector_load %arg9[%parallel_loop3A_361, %parallel_loop3A_362] {strides = array<i32>} : memref<200x128xf32, #tpu.memory_space<vmem>>, vector<1x16xf32>,
        %parallel_loop3A_364 = vector.shape_cast %parallel_loop3A_363 : vector<1x16xf32> to vector<16xf32>
        %parallel_loop3A_365 = arith.index_cast %parallel_loop3A_304 : i32 to index
        %parallel_loop3A_366 = arith.constant 64 : index
        %parallel_loop3A_367 = tpu.vector_load %arg10[%parallel_loop3A_365, %parallel_loop3A_366] {strides = array<i32>} : memref<200x128xf32, #tpu.memory_space<vmem>>, vector<1x16xf32>,
        %parallel_loop3A_368 = vector.shape_cast %parallel_loop3A_367 : vector<1x16xf32> to vector<16xf32>
        %parallel_loop3A_369 = arith.addf %parallel_loop3A_364, %parallel_loop3A_368 : vector<16xf32>
        %parallel_loop3A_370 = arith.index_cast %parallel_loop3A_304 : i32 to index
        %parallel_loop3A_371 = arith.constant 64 : index
        %parallel_loop3A_372 = tpu.vector_load %arg9[%parallel_loop3A_370, %parallel_loop3A_371] {strides = array<i32>} : memref<200x128xf32, #tpu.memory_space<vmem>>, vector<1x16xf32>,
        %parallel_loop3A_373 = vector.shape_cast %parallel_loop3A_372 : vector<1x16xf32> to vector<16xf32>
        %parallel_loop3A_374 = vector.shape_cast %parallel_loop3A_369 : vector<16xf32> to vector<1x16xf32>
        tpu.vector_store %arg9[%parallel_loop3A_370, %parallel_loop3A_371], %parallel_loop3A_374 {strides = array<i32>} : memref<200x128xf32, #tpu.memory_space<vmem>>, vector<1x16xf32>,
        %parallel_loop3A_375 = arith.index_cast %parallel_loop3A_304 : i32 to index
        %parallel_loop3A_376 = arith.constant 80 : index
        %parallel_loop3A_377 = tpu.vector_load %arg9[%parallel_loop3A_375, %parallel_loop3A_376] {strides = array<i32>} : memref<200x128xf32, #tpu.memory_space<vmem>>, vector<1x16xf32>,
        %parallel_loop3A_378 = vector.shape_cast %parallel_loop3A_377 : vector<1x16xf32> to vector<16xf32>
        %parallel_loop3A_379 = arith.index_cast %parallel_loop3A_304 : i32 to index
        %parallel_loop3A_380 = arith.constant 80 : index
        %parallel_loop3A_381 = tpu.vector_load %arg10[%parallel_loop3A_379, %parallel_loop3A_380] {strides = array<i32>} : memref<200x128xf32, #tpu.memory_space<vmem>>, vector<1x16xf32>,
        %parallel_loop3A_382 = vector.shape_cast %parallel_loop3A_381 : vector<1x16xf32> to vector<16xf32>
        %parallel_loop3A_383 = arith.addf %parallel_loop3A_378, %parallel_loop3A_382 : vector<16xf32>
        %parallel_loop3A_384 = arith.index_cast %parallel_loop3A_304 : i32 to index
        %parallel_loop3A_385 = arith.constant 80 : index
        %parallel_loop3A_386 = tpu.vector_load %arg9[%parallel_loop3A_384, %parallel_loop3A_385] {strides = array<i32>} : memref<200x128xf32, #tpu.memory_space<vmem>>, vector<1x16xf32>,
        %parallel_loop3A_387 = vector.shape_cast %parallel_loop3A_386 : vector<1x16xf32> to vector<16xf32>
        %parallel_loop3A_388 = vector.shape_cast %parallel_loop3A_383 : vector<16xf32> to vector<1x16xf32>
        tpu.vector_store %arg9[%parallel_loop3A_384, %parallel_loop3A_385], %parallel_loop3A_388 {strides = array<i32>} : memref<200x128xf32, #tpu.memory_space<vmem>>, vector<1x16xf32>,
        %parallel_loop3A_389 = arith.index_cast %parallel_loop3A_304 : i32 to index
        %parallel_loop3A_390 = arith.constant 96 : index
        %parallel_loop3A_391 = tpu.vector_load %arg9[%parallel_loop3A_389, %parallel_loop3A_390] {strides = array<i32>} : memref<200x128xf32, #tpu.memory_space<vmem>>, vector<1x16xf32>,
        %parallel_loop3A_392 = vector.shape_cast %parallel_loop3A_391 : vector<1x16xf32> to vector<16xf32>
        %parallel_loop3A_393 = arith.index_cast %parallel_loop3A_304 : i32 to index
        %parallel_loop3A_394 = arith.constant 96 : index
        %parallel_loop3A_395 = tpu.vector_load %arg10[%parallel_loop3A_393, %parallel_loop3A_394] {strides = array<i32>} : memref<200x128xf32, #tpu.memory_space<vmem>>, vector<1x16xf32>,
        %parallel_loop3A_396 = vector.shape_cast %parallel_loop3A_395 : vector<1x16xf32> to vector<16xf32>
        %parallel_loop3A_397 = arith.addf %parallel_loop3A_392, %parallel_loop3A_396 : vector<16xf32>
        %parallel_loop3A_398 = arith.index_cast %parallel_loop3A_304 : i32 to index
        %parallel_loop3A_399 = arith.constant 96 : index
        %parallel_loop3A_400 = tpu.vector_load %arg9[%parallel_loop3A_398, %parallel_loop3A_399] {strides = array<i32>} : memref<200x128xf32, #tpu.memory_space<vmem>>, vector<1x16xf32>,
        %parallel_loop3A_401 = vector.shape_cast %parallel_loop3A_400 : vector<1x16xf32> to vector<16xf32>
        %parallel_loop3A_402 = vector.shape_cast %parallel_loop3A_397 : vector<16xf32> to vector<1x16xf32>
        tpu.vector_store %arg9[%parallel_loop3A_398, %parallel_loop3A_399], %parallel_loop3A_402 {strides = array<i32>} : memref<200x128xf32, #tpu.memory_space<vmem>>, vector<1x16xf32>,
        %parallel_loop3A_403 = arith.index_cast %parallel_loop3A_304 : i32 to index
        %parallel_loop3A_404 = arith.constant 112 : index
        %parallel_loop3A_405 = tpu.vector_load %arg9[%parallel_loop3A_403, %parallel_loop3A_404] {strides = array<i32>} : memref<200x128xf32, #tpu.memory_space<vmem>>, vector<1x16xf32>,
        %parallel_loop3A_406 = vector.shape_cast %parallel_loop3A_405 : vector<1x16xf32> to vector<16xf32>
        %parallel_loop3A_407 = arith.index_cast %parallel_loop3A_304 : i32 to index
        %parallel_loop3A_408 = arith.constant 112 : index
        %parallel_loop3A_409 = tpu.vector_load %arg10[%parallel_loop3A_407, %parallel_loop3A_408] {strides = array<i32>} : memref<200x128xf32, #tpu.memory_space<vmem>>, vector<1x16xf32>,
        %parallel_loop3A_410 = vector.shape_cast %parallel_loop3A_409 : vector<1x16xf32> to vector<16xf32>
        %parallel_loop3A_411 = arith.addf %parallel_loop3A_406, %parallel_loop3A_410 : vector<16xf32>
        %parallel_loop3A_412 = arith.index_cast %parallel_loop3A_304 : i32 to index
        %parallel_loop3A_413 = arith.constant 112 : index
        %parallel_loop3A_414 = tpu.vector_load %arg9[%parallel_loop3A_412, %parallel_loop3A_413] {strides = array<i32>} : memref<200x128xf32, #tpu.memory_space<vmem>>, vector<1x16xf32>,
        %parallel_loop3A_415 = vector.shape_cast %parallel_loop3A_414 : vector<1x16xf32> to vector<16xf32>
        %parallel_loop3A_416 = vector.shape_cast %parallel_loop3A_411 : vector<16xf32> to vector<1x16xf32>
        tpu.vector_store %arg9[%parallel_loop3A_412, %parallel_loop3A_413], %parallel_loop3A_416 {strides = array<i32>} : memref<200x128xf32, #tpu.memory_space<vmem>>, vector<1x16xf32>,
      } {sc.loop_unroll_factor = 5 : i64, sc.parallel_access}
      %add3A_295 = arith.addi %mul3A_2, %add3A_259 : i32
      %dma_start3A_296 = arith.constant 0 : i32
      %dma_start3A_297 = arith.constant 0 : i32
      %dma_start3A_298 = tpu.memref_slice %arg5[%add3A_295, %dma_start3A_296, %dma_start3A_297] : memref<1024x200x128xf32, #tpu.memory_space<hbm>> -> memref<1x200x128xf32, #tpu.memory_space<hbm>>
      %dma_start3A_299 = tpu.memref_squeeze %dma_start3A_298 : memref<1x200x128xf32, #tpu.memory_space<hbm>> -> memref<200x128xf32, #tpu.memory_space<hbm>>
      %dma_start3A_300 = arith.constant 0 : i32
      %dma_start3A_301 = arith.constant 0 : i32
      %dma_start3A_302 = tpu.memref_slice %arg5[%add3A_295, %dma_start3A_300, %dma_start3A_301] : memref<1024x200x128xf32, #tpu.memory_space<hbm>> -> memref<1x200x128xf32, #tpu.memory_space<hbm>>
      %dma_start3A_303 = tpu.memref_squeeze %dma_start3A_302 : memref<1x200x128xf32, #tpu.memory_space<hbm>> -> memref<200x128xf32, #tpu.memory_space<hbm>>
      tpu.enqueue_dma source(%arg9 : memref<200x128xf32, #tpu.memory_space<vmem>>) target(%dma_start3A_303 : memref<200x128xf32, #tpu.memory_space<hbm>>) target_semaphore(%arg16 : memref<!tpu.dma_semaphore, #tpu.memory_space<semaphore_mem>>)
    }
    %scan3A_39 = arith.constant 10 : i32
    %dma_wait3A_40 = arith.constant 0 : i32
    %dma_wait3A_41 = arith.constant 0 : i32
    %dma_wait3A_42 = tpu.memref_slice %arg5[%mul3A_2, %dma_wait3A_40, %dma_wait3A_41] : memref<1024x200x128xf32, #tpu.memory_space<hbm>> -> memref<1x200x128xf32, #tpu.memory_space<hbm>>
    %dma_wait3A_43 = tpu.memref_squeeze %dma_wait3A_42 : memref<1x200x128xf32, #tpu.memory_space<hbm>> -> memref<200x128xf32, #tpu.memory_space<hbm>>
    %dma_wait3A_44 = arith.constant 0 : i32
    %dma_wait3A_45 = arith.constant 0 : i32
    %dma_wait3A_46 = tpu.memref_slice %arg5[%mul3A_2, %dma_wait3A_44, %dma_wait3A_45] : memref<1024x200x128xf32, #tpu.memory_space<hbm>> -> memref<1x200x128xf32, #tpu.memory_space<hbm>>
    %dma_wait3A_47 = tpu.memref_squeeze %dma_wait3A_46 : memref<1x200x128xf32, #tpu.memory_space<hbm>> -> memref<200x128xf32, #tpu.memory_space<hbm>>
    tpu.wait_dma2 semaphore(%arg15 : memref<!tpu.dma_semaphore, #tpu.memory_space<semaphore_mem>>) src(%arg8 : memref<200x128xf32, #tpu.memory_space<vmem>>) dst(%dma_wait3A_47 : memref<200x128xf32, #tpu.memory_space<hbm>>)
    %dma_start3A_48 = arith.constant 31 : i32
    %dma_start3A_49 = arith.constant 0 : i32
    %dma_start3A_50 = arith.constant 0 : i32
    %dma_start3A_51 = arith.constant 0 : i32
    %dma_start3A_52 = tpu.memref_slice %arg8[%dma_start3A_50, %dma_start3A_51] : memref<200x128xf32, #tpu.memory_space<vmem>> -> memref<100x128xf32, #tpu.memory_space<vmem>>
    %dma_start3A_53 = arith.constant 0 : i32
    %dma_start3A_54 = tpu.memref_slice %arg6[%dma_start3A_48, %dma_start3A_49, %dma_start3A_53] : memref<32x2x100xi32, #tpu.memory_space<vmem>> -> memref<1x1x100xi32, #tpu.memory_space<vmem>>
    %dma_start3A_55 = tpu.memref_squeeze %dma_start3A_54 : memref<1x1x100xi32, #tpu.memory_space<vmem>> -> memref<100xi32, #tpu.memory_space<vmem>>
    %dma_start3A_56 = arith.constant 0 : i32
    %dma_start3A_57 = arith.constant 0 : i32
    %dma_start3A_58 = tpu.memref_slice %arg3[%dma_start3A_56, %dma_start3A_57] : memref<100000x128xf32, #tpu.memory_space<hbm>> -> memref<100000x128xf32, #tpu.memory_space<hbm>>
    tpu.enqueue_indirect_dma source(%dma_start3A_58 : memref<100000x128xf32, #tpu.memory_space<hbm>>) target(%dma_start3A_52 : memref<100x128xf32, #tpu.memory_space<vmem>>) offsets(%dma_start3A_55 : memref<100xi32, #tpu.memory_space<vmem>>) semaphore(%arg12 : memref<!tpu.dma_semaphore, #tpu.memory_space<semaphore_mem>>)
    %dma_start3A_59 = arith.constant 31 : i32
    %dma_start3A_60 = arith.constant 1 : i32
    %dma_start3A_61 = arith.constant 100 : i32
    %dma_start3A_62 = arith.constant 0 : i32
    %dma_start3A_63 = tpu.memref_slice %arg8[%dma_start3A_61, %dma_start3A_62] : memref<200x128xf32, #tpu.memory_space<vmem>> -> memref<100x128xf32, #tpu.memory_space<vmem>>
    %dma_start3A_64 = arith.constant 0 : i32
    %dma_start3A_65 = tpu.memref_slice %arg6[%dma_start3A_59, %dma_start3A_60, %dma_start3A_64] : memref<32x2x100xi32, #tpu.memory_space<vmem>> -> memref<1x1x100xi32, #tpu.memory_space<vmem>>
    %dma_start3A_66 = tpu.memref_squeeze %dma_start3A_65 : memref<1x1x100xi32, #tpu.memory_space<vmem>> -> memref<100xi32, #tpu.memory_space<vmem>>
    %dma_start3A_67 = arith.constant 0 : i32
    %dma_start3A_68 = arith.constant 0 : i32
    %dma_start3A_69 = tpu.memref_slice %arg3[%dma_start3A_67, %dma_start3A_68] : memref<100000x128xf32, #tpu.memory_space<hbm>> -> memref<100000x128xf32, #tpu.memory_space<hbm>>
    tpu.enqueue_indirect_dma source(%dma_start3A_69 : memref<100000x128xf32, #tpu.memory_space<hbm>>) target(%dma_start3A_63 : memref<100x128xf32, #tpu.memory_space<vmem>>) offsets(%dma_start3A_66 : memref<100xi32, #tpu.memory_space<vmem>>) semaphore(%arg12 : memref<!tpu.dma_semaphore, #tpu.memory_space<semaphore_mem>>)
    %dma_wait3A_70 = arith.constant 30 : i32
    %dma_wait3A_71 = arith.constant 0 : i32
    %dma_wait3A_72 = arith.constant 0 : i32
    %dma_wait3A_73 = arith.constant 0 : i32
    %dma_wait3A_74 = tpu.memref_slice %arg7[%dma_wait3A_72, %dma_wait3A_73] : memref<200x128xf32, #tpu.memory_space<vmem>> -> memref<100x128xf32, #tpu.memory_space<vmem>>
    %dma_wait3A_75 = arith.constant 0 : i32
    %dma_wait3A_76 = tpu.memref_slice %arg6[%dma_wait3A_70, %dma_wait3A_71, %dma_wait3A_75] : memref<32x2x100xi32, #tpu.memory_space<vmem>> -> memref<1x1x100xi32, #tpu.memory_space<vmem>>
    %dma_wait3A_77 = tpu.memref_squeeze %dma_wait3A_76 : memref<1x1x100xi32, #tpu.memory_space<vmem>> -> memref<100xi32, #tpu.memory_space<vmem>>
    %dma_wait3A_78 = arith.constant 0 : i32
    %dma_wait3A_79 = arith.constant 0 : i32
    %dma_wait3A_80 = tpu.memref_slice %arg3[%dma_wait3A_78, %dma_wait3A_79] : memref<100000x128xf32, #tpu.memory_space<hbm>> -> memref<100000x128xf32, #tpu.memory_space<hbm>>
    tpu.wait_indirect_dma semaphore(%arg11 : memref<!tpu.dma_semaphore, #tpu.memory_space<semaphore_mem>>) src(%dma_wait3A_80 : memref<100000x128xf32, #tpu.memory_space<hbm>>) dst(%dma_wait3A_74 : memref<100x128xf32, #tpu.memory_space<vmem>>)
    %dma_wait3A_81 = arith.constant 30 : i32
    %dma_wait3A_82 = arith.constant 1 : i32
    %dma_wait3A_83 = arith.constant 100 : i32
    %dma_wait3A_84 = arith.constant 0 : i32
    %dma_wait3A_85 = tpu.memref_slice %arg7[%dma_wait3A_83, %dma_wait3A_84] : memref<200x128xf32, #tpu.memory_space<vmem>> -> memref<100x128xf32, #tpu.memory_space<vmem>>
    %dma_wait3A_86 = arith.constant 0 : i32
    %dma_wait3A_87 = tpu.memref_slice %arg6[%dma_wait3A_81, %dma_wait3A_82, %dma_wait3A_86] : memref<32x2x100xi32, #tpu.memory_space<vmem>> -> memref<1x1x100xi32, #tpu.memory_space<vmem>>
    %dma_wait3A_88 = tpu.memref_squeeze %dma_wait3A_87 : memref<1x1x100xi32, #tpu.memory_space<vmem>> -> memref<100xi32, #tpu.memory_space<vmem>>
    %dma_wait3A_89 = arith.constant 0 : i32
    %dma_wait3A_90 = arith.constant 0 : i32
    %dma_wait3A_91 = tpu.memref_slice %arg3[%dma_wait3A_89, %dma_wait3A_90] : memref<100000x128xf32, #tpu.memory_space<hbm>> -> memref<100000x128xf32, #tpu.memory_space<hbm>>
    tpu.wait_indirect_dma semaphore(%arg11 : memref<!tpu.dma_semaphore, #tpu.memory_space<semaphore_mem>>) src(%dma_wait3A_91 : memref<100000x128xf32, #tpu.memory_space<hbm>>) dst(%dma_wait3A_85 : memref<100x128xf32, #tpu.memory_space<vmem>>)
    %parallel_loop3A = arith.constant 0 : i32
    %parallel_loop3A_92 = arith.constant 200 : i32
    %parallel_loop3A_93 = arith.constant 1 : i32
    scf.for %parallel_loop3A_163 = %parallel_loop3A to %parallel_loop3A_92 step %parallel_loop3A_93  : i32 {
      %parallel_loop3A_164 = arith.index_cast %parallel_loop3A_163 : i32 to index
      %parallel_loop3A_165 = arith.constant 0 : index
      %parallel_loop3A_166 = tpu.vector_load %arg7[%parallel_loop3A_164, %parallel_loop3A_165] {strides = array<i32>} : memref<200x128xf32, #tpu.memory_space<vmem>>, vector<1x16xf32>,
      %parallel_loop3A_167 = vector.shape_cast %parallel_loop3A_166 : vector<1x16xf32> to vector<16xf32>
      %parallel_loop3A_168 = arith.index_cast %parallel_loop3A_163 : i32 to index
      %parallel_loop3A_169 = arith.constant 0 : index
      %parallel_loop3A_170 = tpu.vector_load %arg10[%parallel_loop3A_168, %parallel_loop3A_169] {strides = array<i32>} : memref<200x128xf32, #tpu.memory_space<vmem>>, vector<1x16xf32>,
      %parallel_loop3A_171 = vector.shape_cast %parallel_loop3A_170 : vector<1x16xf32> to vector<16xf32>
      %parallel_loop3A_172 = arith.addf %parallel_loop3A_167, %parallel_loop3A_171 : vector<16xf32>
      %parallel_loop3A_173 = arith.index_cast %parallel_loop3A_163 : i32 to index
      %parallel_loop3A_174 = arith.constant 0 : index
      %parallel_loop3A_175 = tpu.vector_load %arg7[%parallel_loop3A_173, %parallel_loop3A_174] {strides = array<i32>} : memref<200x128xf32, #tpu.memory_space<vmem>>, vector<1x16xf32>,
      %parallel_loop3A_176 = vector.shape_cast %parallel_loop3A_175 : vector<1x16xf32> to vector<16xf32>
      %parallel_loop3A_177 = vector.shape_cast %parallel_loop3A_172 : vector<16xf32> to vector<1x16xf32>
      tpu.vector_store %arg7[%parallel_loop3A_173, %parallel_loop3A_174], %parallel_loop3A_177 {strides = array<i32>} : memref<200x128xf32, #tpu.memory_space<vmem>>, vector<1x16xf32>,
      %parallel_loop3A_178 = arith.index_cast %parallel_loop3A_163 : i32 to index
      %parallel_loop3A_179 = arith.constant 16 : index
      %parallel_loop3A_180 = tpu.vector_load %arg7[%parallel_loop3A_178, %parallel_loop3A_179] {strides = array<i32>} : memref<200x128xf32, #tpu.memory_space<vmem>>, vector<1x16xf32>,
      %parallel_loop3A_181 = vector.shape_cast %parallel_loop3A_180 : vector<1x16xf32> to vector<16xf32>
      %parallel_loop3A_182 = arith.index_cast %parallel_loop3A_163 : i32 to index
      %parallel_loop3A_183 = arith.constant 16 : index
      %parallel_loop3A_184 = tpu.vector_load %arg10[%parallel_loop3A_182, %parallel_loop3A_183] {strides = array<i32>} : memref<200x128xf32, #tpu.memory_space<vmem>>, vector<1x16xf32>,
      %parallel_loop3A_185 = vector.shape_cast %parallel_loop3A_184 : vector<1x16xf32> to vector<16xf32>
      %parallel_loop3A_186 = arith.addf %parallel_loop3A_181, %parallel_loop3A_185 : vector<16xf32>
      %parallel_loop3A_187 = arith.index_cast %parallel_loop3A_163 : i32 to index
      %parallel_loop3A_188 = arith.constant 16 : index
      %parallel_loop3A_189 = tpu.vector_load %arg7[%parallel_loop3A_187, %parallel_loop3A_188] {strides = array<i32>} : memref<200x128xf32, #tpu.memory_space<vmem>>, vector<1x16xf32>,
      %parallel_loop3A_190 = vector.shape_cast %parallel_loop3A_189 : vector<1x16xf32> to vector<16xf32>
      %parallel_loop3A_191 = vector.shape_cast %parallel_loop3A_186 : vector<16xf32> to vector<1x16xf32>
      tpu.vector_store %arg7[%parallel_loop3A_187, %parallel_loop3A_188], %parallel_loop3A_191 {strides = array<i32>} : memref<200x128xf32, #tpu.memory_space<vmem>>, vector<1x16xf32>,
      %parallel_loop3A_192 = arith.index_cast %parallel_loop3A_163 : i32 to index
      %parallel_loop3A_193 = arith.constant 32 : index
      %parallel_loop3A_194 = tpu.vector_load %arg7[%parallel_loop3A_192, %parallel_loop3A_193] {strides = array<i32>} : memref<200x128xf32, #tpu.memory_space<vmem>>, vector<1x16xf32>,
      %parallel_loop3A_195 = vector.shape_cast %parallel_loop3A_194 : vector<1x16xf32> to vector<16xf32>
      %parallel_loop3A_196 = arith.index_cast %parallel_loop3A_163 : i32 to index
      %parallel_loop3A_197 = arith.constant 32 : index
      %parallel_loop3A_198 = tpu.vector_load %arg10[%parallel_loop3A_196, %parallel_loop3A_197] {strides = array<i32>} : memref<200x128xf32, #tpu.memory_space<vmem>>, vector<1x16xf32>,
      %parallel_loop3A_199 = vector.shape_cast %parallel_loop3A_198 : vector<1x16xf32> to vector<16xf32>
      %parallel_loop3A_200 = arith.addf %parallel_loop3A_195, %parallel_loop3A_199 : vector<16xf32>
      %parallel_loop3A_201 = arith.index_cast %parallel_loop3A_163 : i32 to index
      %parallel_loop3A_202 = arith.constant 32 : index
      %parallel_loop3A_203 = tpu.vector_load %arg7[%parallel_loop3A_201, %parallel_loop3A_202] {strides = array<i32>} : memref<200x128xf32, #tpu.memory_space<vmem>>, vector<1x16xf32>,
      %parallel_loop3A_204 = vector.shape_cast %parallel_loop3A_203 : vector<1x16xf32> to vector<16xf32>
      %parallel_loop3A_205 = vector.shape_cast %parallel_loop3A_200 : vector<16xf32> to vector<1x16xf32>
      tpu.vector_store %arg7[%parallel_loop3A_201, %parallel_loop3A_202], %parallel_loop3A_205 {strides = array<i32>} : memref<200x128xf32, #tpu.memory_space<vmem>>, vector<1x16xf32>,
      %parallel_loop3A_206 = arith.index_cast %parallel_loop3A_163 : i32 to index
      %parallel_loop3A_207 = arith.constant 48 : index
      %parallel_loop3A_208 = tpu.vector_load %arg7[%parallel_loop3A_206, %parallel_loop3A_207] {strides = array<i32>} : memref<200x128xf32, #tpu.memory_space<vmem>>, vector<1x16xf32>,
      %parallel_loop3A_209 = vector.shape_cast %parallel_loop3A_208 : vector<1x16xf32> to vector<16xf32>
      %parallel_loop3A_210 = arith.index_cast %parallel_loop3A_163 : i32 to index
      %parallel_loop3A_211 = arith.constant 48 : index
      %parallel_loop3A_212 = tpu.vector_load %arg10[%parallel_loop3A_210, %parallel_loop3A_211] {strides = array<i32>} : memref<200x128xf32, #tpu.memory_space<vmem>>, vector<1x16xf32>,
      %parallel_loop3A_213 = vector.shape_cast %parallel_loop3A_212 : vector<1x16xf32> to vector<16xf32>
      %parallel_loop3A_214 = arith.addf %parallel_loop3A_209, %parallel_loop3A_213 : vector<16xf32>
      %parallel_loop3A_215 = arith.index_cast %parallel_loop3A_163 : i32 to index
      %parallel_loop3A_216 = arith.constant 48 : index
      %parallel_loop3A_217 = tpu.vector_load %arg7[%parallel_loop3A_215, %parallel_loop3A_216] {strides = array<i32>} : memref<200x128xf32, #tpu.memory_space<vmem>>, vector<1x16xf32>,
      %parallel_loop3A_218 = vector.shape_cast %parallel_loop3A_217 : vector<1x16xf32> to vector<16xf32>
      %parallel_loop3A_219 = vector.shape_cast %parallel_loop3A_214 : vector<16xf32> to vector<1x16xf32>
      tpu.vector_store %arg7[%parallel_loop3A_215, %parallel_loop3A_216], %parallel_loop3A_219 {strides = array<i32>} : memref<200x128xf32, #tpu.memory_space<vmem>>, vector<1x16xf32>,
      %parallel_loop3A_220 = arith.index_cast %parallel_loop3A_163 : i32 to index
      %parallel_loop3A_221 = arith.constant 64 : index
      %parallel_loop3A_222 = tpu.vector_load %arg7[%parallel_loop3A_220, %parallel_loop3A_221] {strides = array<i32>} : memref<200x128xf32, #tpu.memory_space<vmem>>, vector<1x16xf32>,
      %parallel_loop3A_223 = vector.shape_cast %parallel_loop3A_222 : vector<1x16xf32> to vector<16xf32>
      %parallel_loop3A_224 = arith.index_cast %parallel_loop3A_163 : i32 to index
      %parallel_loop3A_225 = arith.constant 64 : index
      %parallel_loop3A_226 = tpu.vector_load %arg10[%parallel_loop3A_224, %parallel_loop3A_225] {strides = array<i32>} : memref<200x128xf32, #tpu.memory_space<vmem>>, vector<1x16xf32>,
      %parallel_loop3A_227 = vector.shape_cast %parallel_loop3A_226 : vector<1x16xf32> to vector<16xf32>
      %parallel_loop3A_228 = arith.addf %parallel_loop3A_223, %parallel_loop3A_227 : vector<16xf32>
      %parallel_loop3A_229 = arith.index_cast %parallel_loop3A_163 : i32 to index
      %parallel_loop3A_230 = arith.constant 64 : index
      %parallel_loop3A_231 = tpu.vector_load %arg7[%parallel_loop3A_229, %parallel_loop3A_230] {strides = array<i32>} : memref<200x128xf32, #tpu.memory_space<vmem>>, vector<1x16xf32>,
      %parallel_loop3A_232 = vector.shape_cast %parallel_loop3A_231 : vector<1x16xf32> to vector<16xf32>
      %parallel_loop3A_233 = vector.shape_cast %parallel_loop3A_228 : vector<16xf32> to vector<1x16xf32>
      tpu.vector_store %arg7[%parallel_loop3A_229, %parallel_loop3A_230], %parallel_loop3A_233 {strides = array<i32>} : memref<200x128xf32, #tpu.memory_space<vmem>>, vector<1x16xf32>,
      %parallel_loop3A_234 = arith.index_cast %parallel_loop3A_163 : i32 to index
      %parallel_loop3A_235 = arith.constant 80 : index
      %parallel_loop3A_236 = tpu.vector_load %arg7[%parallel_loop3A_234, %parallel_loop3A_235] {strides = array<i32>} : memref<200x128xf32, #tpu.memory_space<vmem>>, vector<1x16xf32>,
      %parallel_loop3A_237 = vector.shape_cast %parallel_loop3A_236 : vector<1x16xf32> to vector<16xf32>
      %parallel_loop3A_238 = arith.index_cast %parallel_loop3A_163 : i32 to index
      %parallel_loop3A_239 = arith.constant 80 : index
      %parallel_loop3A_240 = tpu.vector_load %arg10[%parallel_loop3A_238, %parallel_loop3A_239] {strides = array<i32>} : memref<200x128xf32, #tpu.memory_space<vmem>>, vector<1x16xf32>,
      %parallel_loop3A_241 = vector.shape_cast %parallel_loop3A_240 : vector<1x16xf32> to vector<16xf32>
      %parallel_loop3A_242 = arith.addf %parallel_loop3A_237, %parallel_loop3A_241 : vector<16xf32>
      %parallel_loop3A_243 = arith.index_cast %parallel_loop3A_163 : i32 to index
      %parallel_loop3A_244 = arith.constant 80 : index
      %parallel_loop3A_245 = tpu.vector_load %arg7[%parallel_loop3A_243, %parallel_loop3A_244] {strides = array<i32>} : memref<200x128xf32, #tpu.memory_space<vmem>>, vector<1x16xf32>,
      %parallel_loop3A_246 = vector.shape_cast %parallel_loop3A_245 : vector<1x16xf32> to vector<16xf32>
      %parallel_loop3A_247 = vector.shape_cast %parallel_loop3A_242 : vector<16xf32> to vector<1x16xf32>
      tpu.vector_store %arg7[%parallel_loop3A_243, %parallel_loop3A_244], %parallel_loop3A_247 {strides = array<i32>} : memref<200x128xf32, #tpu.memory_space<vmem>>, vector<1x16xf32>,
      %parallel_loop3A_248 = arith.index_cast %parallel_loop3A_163 : i32 to index
      %parallel_loop3A_249 = arith.constant 96 : index
      %parallel_loop3A_250 = tpu.vector_load %arg7[%parallel_loop3A_248, %parallel_loop3A_249] {strides = array<i32>} : memref<200x128xf32, #tpu.memory_space<vmem>>, vector<1x16xf32>,
      %parallel_loop3A_251 = vector.shape_cast %parallel_loop3A_250 : vector<1x16xf32> to vector<16xf32>
      %parallel_loop3A_252 = arith.index_cast %parallel_loop3A_163 : i32 to index
      %parallel_loop3A_253 = arith.constant 96 : index
      %parallel_loop3A_254 = tpu.vector_load %arg10[%parallel_loop3A_252, %parallel_loop3A_253] {strides = array<i32>} : memref<200x128xf32, #tpu.memory_space<vmem>>, vector<1x16xf32>,
      %parallel_loop3A_255 = vector.shape_cast %parallel_loop3A_254 : vector<1x16xf32> to vector<16xf32>
      %parallel_loop3A_256 = arith.addf %parallel_loop3A_251, %parallel_loop3A_255 : vector<16xf32>
      %parallel_loop3A_257 = arith.index_cast %parallel_loop3A_163 : i32 to index
      %parallel_loop3A_258 = arith.constant 96 : index
      %parallel_loop3A_259 = tpu.vector_load %arg7[%parallel_loop3A_257, %parallel_loop3A_258] {strides = array<i32>} : memref<200x128xf32, #tpu.memory_space<vmem>>, vector<1x16xf32>,
      %parallel_loop3A_260 = vector.shape_cast %parallel_loop3A_259 : vector<1x16xf32> to vector<16xf32>
      %parallel_loop3A_261 = vector.shape_cast %parallel_loop3A_256 : vector<16xf32> to vector<1x16xf32>
      tpu.vector_store %arg7[%parallel_loop3A_257, %parallel_loop3A_258], %parallel_loop3A_261 {strides = array<i32>} : memref<200x128xf32, #tpu.memory_space<vmem>>, vector<1x16xf32>,
      %parallel_loop3A_262 = arith.index_cast %parallel_loop3A_163 : i32 to index
      %parallel_loop3A_263 = arith.constant 112 : index
      %parallel_loop3A_264 = tpu.vector_load %arg7[%parallel_loop3A_262, %parallel_loop3A_263] {strides = array<i32>} : memref<200x128xf32, #tpu.memory_space<vmem>>, vector<1x16xf32>,
      %parallel_loop3A_265 = vector.shape_cast %parallel_loop3A_264 : vector<1x16xf32> to vector<16xf32>
      %parallel_loop3A_266 = arith.index_cast %parallel_loop3A_163 : i32 to index
      %parallel_loop3A_267 = arith.constant 112 : index
      %parallel_loop3A_268 = tpu.vector_load %arg10[%parallel_loop3A_266, %parallel_loop3A_267] {strides = array<i32>} : memref<200x128xf32, #tpu.memory_space<vmem>>, vector<1x16xf32>,
      %parallel_loop3A_269 = vector.shape_cast %parallel_loop3A_268 : vector<1x16xf32> to vector<16xf32>
      %parallel_loop3A_270 = arith.addf %parallel_loop3A_265, %parallel_loop3A_269 : vector<16xf32>
      %parallel_loop3A_271 = arith.index_cast %parallel_loop3A_163 : i32 to index
      %parallel_loop3A_272 = arith.constant 112 : index
      %parallel_loop3A_273 = tpu.vector_load %arg7[%parallel_loop3A_271, %parallel_loop3A_272] {strides = array<i32>} : memref<200x128xf32, #tpu.memory_space<vmem>>, vector<1x16xf32>,
      %parallel_loop3A_274 = vector.shape_cast %parallel_loop3A_273 : vector<1x16xf32> to vector<16xf32>
      %parallel_loop3A_275 = vector.shape_cast %parallel_loop3A_270 : vector<16xf32> to vector<1x16xf32>
      tpu.vector_store %arg7[%parallel_loop3A_271, %parallel_loop3A_272], %parallel_loop3A_275 {strides = array<i32>} : memref<200x128xf32, #tpu.memory_space<vmem>>, vector<1x16xf32>,
    } {sc.loop_unroll_factor = 5 : i64, sc.parallel_access}
    %add3A_94 = arith.constant 30 : i32
    %add3A_95 = arith.addi %mul3A_2, %add3A_94 : i32
    %dma_start3A_96 = arith.constant 0 : i32
    %dma_start3A_97 = arith.constant 0 : i32
    %dma_start3A_98 = tpu.memref_slice %arg5[%add3A_95, %dma_start3A_96, %dma_start3A_97] : memref<1024x200x128xf32, #tpu.memory_space<hbm>> -> memref<1x200x128xf32, #tpu.memory_space<hbm>>
    %dma_start3A_99 = tpu.memref_squeeze %dma_start3A_98 : memref<1x200x128xf32, #tpu.memory_space<hbm>> -> memref<200x128xf32, #tpu.memory_space<hbm>>
    %dma_start3A_100 = arith.constant 0 : i32
    %dma_start3A_101 = arith.constant 0 : i32
    %dma_start3A_102 = tpu.memref_slice %arg5[%add3A_95, %dma_start3A_100, %dma_start3A_101] : memref<1024x200x128xf32, #tpu.memory_space<hbm>> -> memref<1x200x128xf32, #tpu.memory_space<hbm>>
    %dma_start3A_103 = tpu.memref_squeeze %dma_start3A_102 : memref<1x200x128xf32, #tpu.memory_space<hbm>> -> memref<200x128xf32, #tpu.memory_space<hbm>>
    tpu.enqueue_dma source(%arg7 : memref<200x128xf32, #tpu.memory_space<vmem>>) target(%dma_start3A_103 : memref<200x128xf32, #tpu.memory_space<hbm>>) target_semaphore(%arg14 : memref<!tpu.dma_semaphore, #tpu.memory_space<semaphore_mem>>)
    %dma_wait3A_104 = arith.constant 0 : i32
    %dma_wait3A_105 = arith.constant 0 : i32
    %dma_wait3A_106 = tpu.memref_slice %arg5[%mul3A_2, %dma_wait3A_104, %dma_wait3A_105] : memref<1024x200x128xf32, #tpu.memory_space<hbm>> -> memref<1x200x128xf32, #tpu.memory_space<hbm>>
    %dma_wait3A_107 = tpu.memref_squeeze %dma_wait3A_106 : memref<1x200x128xf32, #tpu.memory_space<hbm>> -> memref<200x128xf32, #tpu.memory_space<hbm>>
    %dma_wait3A_108 = arith.constant 0 : i32
    %dma_wait3A_109 = arith.constant 0 : i32
    %dma_wait3A_110 = tpu.memref_slice %arg5[%mul3A_2, %dma_wait3A_108, %dma_wait3A_109] : memref<1024x200x128xf32, #tpu.memory_space<hbm>> -> memref<1x200x128xf32, #tpu.memory_space<hbm>>
    %dma_wait3A_111 = tpu.memref_squeeze %dma_wait3A_110 : memref<1x200x128xf32, #tpu.memory_space<hbm>> -> memref<200x128xf32, #tpu.memory_space<hbm>>
    tpu.wait_dma2 semaphore(%arg16 : memref<!tpu.dma_semaphore, #tpu.memory_space<semaphore_mem>>) src(%arg9 : memref<200x128xf32, #tpu.memory_space<vmem>>) dst(%dma_wait3A_111 : memref<200x128xf32, #tpu.memory_space<hbm>>)
    %dma_wait3A_112 = arith.constant 31 : i32
    %dma_wait3A_113 = arith.constant 0 : i32
    %dma_wait3A_114 = arith.constant 0 : i32
    %dma_wait3A_115 = arith.constant 0 : i32
    %dma_wait3A_116 = tpu.memref_slice %arg8[%dma_wait3A_114, %dma_wait3A_115] : memref<200x128xf32, #tpu.memory_space<vmem>> -> memref<100x128xf32, #tpu.memory_space<vmem>>
    %dma_wait3A_117 = arith.constant 0 : i32
    %dma_wait3A_118 = tpu.memref_slice %arg6[%dma_wait3A_112, %dma_wait3A_113, %dma_wait3A_117] : memref<32x2x100xi32, #tpu.memory_space<vmem>> -> memref<1x1x100xi32, #tpu.memory_space<vmem>>
    %dma_wait3A_119 = tpu.memref_squeeze %dma_wait3A_118 : memref<1x1x100xi32, #tpu.memory_space<vmem>> -> memref<100xi32, #tpu.memory_space<vmem>>
    %dma_wait3A_120 = arith.constant 0 : i32
    %dma_wait3A_121 = arith.constant 0 : i32
    %dma_wait3A_122 = tpu.memref_slice %arg3[%dma_wait3A_120, %dma_wait3A_121] : memref<100000x128xf32, #tpu.memory_space<hbm>> -> memref<100000x128xf32, #tpu.memory_space<hbm>>
    tpu.wait_indirect_dma semaphore(%arg12 : memref<!tpu.dma_semaphore, #tpu.memory_space<semaphore_mem>>) src(%dma_wait3A_122 : memref<100000x128xf32, #tpu.memory_space<hbm>>) dst(%dma_wait3A_116 : memref<100x128xf32, #tpu.memory_space<vmem>>)
    %dma_wait3A_123 = arith.constant 31 : i32
    %dma_wait3A_124 = arith.constant 1 : i32
    %dma_wait3A_125 = arith.constant 100 : i32
    %dma_wait3A_126 = arith.constant 0 : i32
    %dma_wait3A_127 = tpu.memref_slice %arg8[%dma_wait3A_125, %dma_wait3A_126] : memref<200x128xf32, #tpu.memory_space<vmem>> -> memref<100x128xf32, #tpu.memory_space<vmem>>
    %dma_wait3A_128 = arith.constant 0 : i32
    %dma_wait3A_129 = tpu.memref_slice %arg6[%dma_wait3A_123, %dma_wait3A_124, %dma_wait3A_128] : memref<32x2x100xi32, #tpu.memory_space<vmem>> -> memref<1x1x100xi32, #tpu.memory_space<vmem>>
    %dma_wait3A_130 = tpu.memref_squeeze %dma_wait3A_129 : memref<1x1x100xi32, #tpu.memory_space<vmem>> -> memref<100xi32, #tpu.memory_space<vmem>>
    %dma_wait3A_131 = arith.constant 0 : i32
    %dma_wait3A_132 = arith.constant 0 : i32
    %dma_wait3A_133 = tpu.memref_slice %arg3[%dma_wait3A_131, %dma_wait3A_132] : memref<100000x128xf32, #tpu.memory_space<hbm>> -> memref<100000x128xf32, #tpu.memory_space<hbm>>
    tpu.wait_indirect_dma semaphore(%arg12 : memref<!tpu.dma_semaphore, #tpu.memory_space<semaphore_mem>>) src(%dma_wait3A_133 : memref<100000x128xf32, #tpu.memory_space<hbm>>) dst(%dma_wait3A_127 : memref<100x128xf32, #tpu.memory_space<vmem>>)
    %parallel_loop3A_134 = arith.constant 0 : i32
    %parallel_loop3A_135 = arith.constant 200 : i32
    %parallel_loop3A_136 = arith.constant 1 : i32
    scf.for %parallel_loop3A_163 = %parallel_loop3A_134 to %parallel_loop3A_135 step %parallel_loop3A_136  : i32 {
      %parallel_loop3A_164 = arith.index_cast %parallel_loop3A_163 : i32 to index
      %parallel_loop3A_165 = arith.constant 0 : index
      %parallel_loop3A_166 = tpu.vector_load %arg8[%parallel_loop3A_164, %parallel_loop3A_165] {strides = array<i32>} : memref<200x128xf32, #tpu.memory_space<vmem>>, vector<1x16xf32>,
      %parallel_loop3A_167 = vector.shape_cast %parallel_loop3A_166 : vector<1x16xf32> to vector<16xf32>
      %parallel_loop3A_168 = arith.index_cast %parallel_loop3A_163 : i32 to index
      %parallel_loop3A_169 = arith.constant 0 : index
      %parallel_loop3A_170 = tpu.vector_load %arg10[%parallel_loop3A_168, %parallel_loop3A_169] {strides = array<i32>} : memref<200x128xf32, #tpu.memory_space<vmem>>, vector<1x16xf32>,
      %parallel_loop3A_171 = vector.shape_cast %parallel_loop3A_170 : vector<1x16xf32> to vector<16xf32>
      %parallel_loop3A_172 = arith.addf %parallel_loop3A_167, %parallel_loop3A_171 : vector<16xf32>
      %parallel_loop3A_173 = arith.index_cast %parallel_loop3A_163 : i32 to index
      %parallel_loop3A_174 = arith.constant 0 : index
      %parallel_loop3A_175 = tpu.vector_load %arg8[%parallel_loop3A_173, %parallel_loop3A_174] {strides = array<i32>} : memref<200x128xf32, #tpu.memory_space<vmem>>, vector<1x16xf32>,
      %parallel_loop3A_176 = vector.shape_cast %parallel_loop3A_175 : vector<1x16xf32> to vector<16xf32>
      %parallel_loop3A_177 = vector.shape_cast %parallel_loop3A_172 : vector<16xf32> to vector<1x16xf32>
      tpu.vector_store %arg8[%parallel_loop3A_173, %parallel_loop3A_174], %parallel_loop3A_177 {strides = array<i32>} : memref<200x128xf32, #tpu.memory_space<vmem>>, vector<1x16xf32>,
      %parallel_loop3A_178 = arith.index_cast %parallel_loop3A_163 : i32 to index
      %parallel_loop3A_179 = arith.constant 16 : index
      %parallel_loop3A_180 = tpu.vector_load %arg8[%parallel_loop3A_178, %parallel_loop3A_179] {strides = array<i32>} : memref<200x128xf32, #tpu.memory_space<vmem>>, vector<1x16xf32>,
      %parallel_loop3A_181 = vector.shape_cast %parallel_loop3A_180 : vector<1x16xf32> to vector<16xf32>
      %parallel_loop3A_182 = arith.index_cast %parallel_loop3A_163 : i32 to index
      %parallel_loop3A_183 = arith.constant 16 : index
      %parallel_loop3A_184 = tpu.vector_load %arg10[%parallel_loop3A_182, %parallel_loop3A_183] {strides = array<i32>} : memref<200x128xf32, #tpu.memory_space<vmem>>, vector<1x16xf32>,
      %parallel_loop3A_185 = vector.shape_cast %parallel_loop3A_184 : vector<1x16xf32> to vector<16xf32>
      %parallel_loop3A_186 = arith.addf %parallel_loop3A_181, %parallel_loop3A_185 : vector<16xf32>
      %parallel_loop3A_187 = arith.index_cast %parallel_loop3A_163 : i32 to index
      %parallel_loop3A_188 = arith.constant 16 : index
      %parallel_loop3A_189 = tpu.vector_load %arg8[%parallel_loop3A_187, %parallel_loop3A_188] {strides = array<i32>} : memref<200x128xf32, #tpu.memory_space<vmem>>, vector<1x16xf32>,
      %parallel_loop3A_190 = vector.shape_cast %parallel_loop3A_189 : vector<1x16xf32> to vector<16xf32>
      %parallel_loop3A_191 = vector.shape_cast %parallel_loop3A_186 : vector<16xf32> to vector<1x16xf32>
      tpu.vector_store %arg8[%parallel_loop3A_187, %parallel_loop3A_188], %parallel_loop3A_191 {strides = array<i32>} : memref<200x128xf32, #tpu.memory_space<vmem>>, vector<1x16xf32>,
      %parallel_loop3A_192 = arith.index_cast %parallel_loop3A_163 : i32 to index
      %parallel_loop3A_193 = arith.constant 32 : index
      %parallel_loop3A_194 = tpu.vector_load %arg8[%parallel_loop3A_192, %parallel_loop3A_193] {strides = array<i32>} : memref<200x128xf32, #tpu.memory_space<vmem>>, vector<1x16xf32>,
      %parallel_loop3A_195 = vector.shape_cast %parallel_loop3A_194 : vector<1x16xf32> to vector<16xf32>
      %parallel_loop3A_196 = arith.index_cast %parallel_loop3A_163 : i32 to index
      %parallel_loop3A_197 = arith.constant 32 : index
      %parallel_loop3A_198 = tpu.vector_load %arg10[%parallel_loop3A_196, %parallel_loop3A_197] {strides = array<i32>} : memref<200x128xf32, #tpu.memory_space<vmem>>, vector<1x16xf32>,
      %parallel_loop3A_199 = vector.shape_cast %parallel_loop3A_198 : vector<1x16xf32> to vector<16xf32>
      %parallel_loop3A_200 = arith.addf %parallel_loop3A_195, %parallel_loop3A_199 : vector<16xf32>
      %parallel_loop3A_201 = arith.index_cast %parallel_loop3A_163 : i32 to index
      %parallel_loop3A_202 = arith.constant 32 : index
      %parallel_loop3A_203 = tpu.vector_load %arg8[%parallel_loop3A_201, %parallel_loop3A_202] {strides = array<i32>} : memref<200x128xf32, #tpu.memory_space<vmem>>, vector<1x16xf32>,
      %parallel_loop3A_204 = vector.shape_cast %parallel_loop3A_203 : vector<1x16xf32> to vector<16xf32>
      %parallel_loop3A_205 = vector.shape_cast %parallel_loop3A_200 : vector<16xf32> to vector<1x16xf32>
      tpu.vector_store %arg8[%parallel_loop3A_201, %parallel_loop3A_202], %parallel_loop3A_205 {strides = array<i32>} : memref<200x128xf32, #tpu.memory_space<vmem>>, vector<1x16xf32>,
      %parallel_loop3A_206 = arith.index_cast %parallel_loop3A_163 : i32 to index
      %parallel_loop3A_207 = arith.constant 48 : index
      %parallel_loop3A_208 = tpu.vector_load %arg8[%parallel_loop3A_206, %parallel_loop3A_207] {strides = array<i32>} : memref<200x128xf32, #tpu.memory_space<vmem>>, vector<1x16xf32>,
      %parallel_loop3A_209 = vector.shape_cast %parallel_loop3A_208 : vector<1x16xf32> to vector<16xf32>
      %parallel_loop3A_210 = arith.index_cast %parallel_loop3A_163 : i32 to index
      %parallel_loop3A_211 = arith.constant 48 : index
      %parallel_loop3A_212 = tpu.vector_load %arg10[%parallel_loop3A_210, %parallel_loop3A_211] {strides = array<i32>} : memref<200x128xf32, #tpu.memory_space<vmem>>, vector<1x16xf32>,
      %parallel_loop3A_213 = vector.shape_cast %parallel_loop3A_212 : vector<1x16xf32> to vector<16xf32>
      %parallel_loop3A_214 = arith.addf %parallel_loop3A_209, %parallel_loop3A_213 : vector<16xf32>
      %parallel_loop3A_215 = arith.index_cast %parallel_loop3A_163 : i32 to index
      %parallel_loop3A_216 = arith.constant 48 : index
      %parallel_loop3A_217 = tpu.vector_load %arg8[%parallel_loop3A_215, %parallel_loop3A_216] {strides = array<i32>} : memref<200x128xf32, #tpu.memory_space<vmem>>, vector<1x16xf32>,
      %parallel_loop3A_218 = vector.shape_cast %parallel_loop3A_217 : vector<1x16xf32> to vector<16xf32>
      %parallel_loop3A_219 = vector.shape_cast %parallel_loop3A_214 : vector<16xf32> to vector<1x16xf32>
      tpu.vector_store %arg8[%parallel_loop3A_215, %parallel_loop3A_216], %parallel_loop3A_219 {strides = array<i32>} : memref<200x128xf32, #tpu.memory_space<vmem>>, vector<1x16xf32>,
      %parallel_loop3A_220 = arith.index_cast %parallel_loop3A_163 : i32 to index
      %parallel_loop3A_221 = arith.constant 64 : index
      %parallel_loop3A_222 = tpu.vector_load %arg8[%parallel_loop3A_220, %parallel_loop3A_221] {strides = array<i32>} : memref<200x128xf32, #tpu.memory_space<vmem>>, vector<1x16xf32>,
      %parallel_loop3A_223 = vector.shape_cast %parallel_loop3A_222 : vector<1x16xf32> to vector<16xf32>
      %parallel_loop3A_224 = arith.index_cast %parallel_loop3A_163 : i32 to index
      %parallel_loop3A_225 = arith.constant 64 : index
      %parallel_loop3A_226 = tpu.vector_load %arg10[%parallel_loop3A_224, %parallel_loop3A_225] {strides = array<i32>} : memref<200x128xf32, #tpu.memory_space<vmem>>, vector<1x16xf32>,
      %parallel_loop3A_227 = vector.shape_cast %parallel_loop3A_226 : vector<1x16xf32> to vector<16xf32>
      %parallel_loop3A_228 = arith.addf %parallel_loop3A_223, %parallel_loop3A_227 : vector<16xf32>
      %parallel_loop3A_229 = arith.index_cast %parallel_loop3A_163 : i32 to index
      %parallel_loop3A_230 = arith.constant 64 : index
      %parallel_loop3A_231 = tpu.vector_load %arg8[%parallel_loop3A_229, %parallel_loop3A_230] {strides = array<i32>} : memref<200x128xf32, #tpu.memory_space<vmem>>, vector<1x16xf32>,
      %parallel_loop3A_232 = vector.shape_cast %parallel_loop3A_231 : vector<1x16xf32> to vector<16xf32>
      %parallel_loop3A_233 = vector.shape_cast %parallel_loop3A_228 : vector<16xf32> to vector<1x16xf32>
      tpu.vector_store %arg8[%parallel_loop3A_229, %parallel_loop3A_230], %parallel_loop3A_233 {strides = array<i32>} : memref<200x128xf32, #tpu.memory_space<vmem>>, vector<1x16xf32>,
      %parallel_loop3A_234 = arith.index_cast %parallel_loop3A_163 : i32 to index
      %parallel_loop3A_235 = arith.constant 80 : index
      %parallel_loop3A_236 = tpu.vector_load %arg8[%parallel_loop3A_234, %parallel_loop3A_235] {strides = array<i32>} : memref<200x128xf32, #tpu.memory_space<vmem>>, vector<1x16xf32>,
      %parallel_loop3A_237 = vector.shape_cast %parallel_loop3A_236 : vector<1x16xf32> to vector<16xf32>
      %parallel_loop3A_238 = arith.index_cast %parallel_loop3A_163 : i32 to index
      %parallel_loop3A_239 = arith.constant 80 : index
      %parallel_loop3A_240 = tpu.vector_load %arg10[%parallel_loop3A_238, %parallel_loop3A_239] {strides = array<i32>} : memref<200x128xf32, #tpu.memory_space<vmem>>, vector<1x16xf32>,
      %parallel_loop3A_241 = vector.shape_cast %parallel_loop3A_240 : vector<1x16xf32> to vector<16xf32>
      %parallel_loop3A_242 = arith.addf %parallel_loop3A_237, %parallel_loop3A_241 : vector<16xf32>
      %parallel_loop3A_243 = arith.index_cast %parallel_loop3A_163 : i32 to index
      %parallel_loop3A_244 = arith.constant 80 : index
      %parallel_loop3A_245 = tpu.vector_load %arg8[%parallel_loop3A_243, %parallel_loop3A_244] {strides = array<i32>} : memref<200x128xf32, #tpu.memory_space<vmem>>, vector<1x16xf32>,
      %parallel_loop3A_246 = vector.shape_cast %parallel_loop3A_245 : vector<1x16xf32> to vector<16xf32>
      %parallel_loop3A_247 = vector.shape_cast %parallel_loop3A_242 : vector<16xf32> to vector<1x16xf32>
      tpu.vector_store %arg8[%parallel_loop3A_243, %parallel_loop3A_244], %parallel_loop3A_247 {strides = array<i32>} : memref<200x128xf32, #tpu.memory_space<vmem>>, vector<1x16xf32>,
      %parallel_loop3A_248 = arith.index_cast %parallel_loop3A_163 : i32 to index
      %parallel_loop3A_249 = arith.constant 96 : index
      %parallel_loop3A_250 = tpu.vector_load %arg8[%parallel_loop3A_248, %parallel_loop3A_249] {strides = array<i32>} : memref<200x128xf32, #tpu.memory_space<vmem>>, vector<1x16xf32>,
      %parallel_loop3A_251 = vector.shape_cast %parallel_loop3A_250 : vector<1x16xf32> to vector<16xf32>
      %parallel_loop3A_252 = arith.index_cast %parallel_loop3A_163 : i32 to index
      %parallel_loop3A_253 = arith.constant 96 : index
      %parallel_loop3A_254 = tpu.vector_load %arg10[%parallel_loop3A_252, %parallel_loop3A_253] {strides = array<i32>} : memref<200x128xf32, #tpu.memory_space<vmem>>, vector<1x16xf32>,
      %parallel_loop3A_255 = vector.shape_cast %parallel_loop3A_254 : vector<1x16xf32> to vector<16xf32>
      %parallel_loop3A_256 = arith.addf %parallel_loop3A_251, %parallel_loop3A_255 : vector<16xf32>
      %parallel_loop3A_257 = arith.index_cast %parallel_loop3A_163 : i32 to index
      %parallel_loop3A_258 = arith.constant 96 : index
      %parallel_loop3A_259 = tpu.vector_load %arg8[%parallel_loop3A_257, %parallel_loop3A_258] {strides = array<i32>} : memref<200x128xf32, #tpu.memory_space<vmem>>, vector<1x16xf32>,
      %parallel_loop3A_260 = vector.shape_cast %parallel_loop3A_259 : vector<1x16xf32> to vector<16xf32>
      %parallel_loop3A_261 = vector.shape_cast %parallel_loop3A_256 : vector<16xf32> to vector<1x16xf32>
      tpu.vector_store %arg8[%parallel_loop3A_257, %parallel_loop3A_258], %parallel_loop3A_261 {strides = array<i32>} : memref<200x128xf32, #tpu.memory_space<vmem>>, vector<1x16xf32>,
      %parallel_loop3A_262 = arith.index_cast %parallel_loop3A_163 : i32 to index
      %parallel_loop3A_263 = arith.constant 112 : index
      %parallel_loop3A_264 = tpu.vector_load %arg8[%parallel_loop3A_262, %parallel_loop3A_263] {strides = array<i32>} : memref<200x128xf32, #tpu.memory_space<vmem>>, vector<1x16xf32>,
      %parallel_loop3A_265 = vector.shape_cast %parallel_loop3A_264 : vector<1x16xf32> to vector<16xf32>
      %parallel_loop3A_266 = arith.index_cast %parallel_loop3A_163 : i32 to index
      %parallel_loop3A_267 = arith.constant 112 : index
      %parallel_loop3A_268 = tpu.vector_load %arg10[%parallel_loop3A_266, %parallel_loop3A_267] {strides = array<i32>} : memref<200x128xf32, #tpu.memory_space<vmem>>, vector<1x16xf32>,
      %parallel_loop3A_269 = vector.shape_cast %parallel_loop3A_268 : vector<1x16xf32> to vector<16xf32>
      %parallel_loop3A_270 = arith.addf %parallel_loop3A_265, %parallel_loop3A_269 : vector<16xf32>
      %parallel_loop3A_271 = arith.index_cast %parallel_loop3A_163 : i32 to index
      %parallel_loop3A_272 = arith.constant 112 : index
      %parallel_loop3A_273 = tpu.vector_load %arg8[%parallel_loop3A_271, %parallel_loop3A_272] {strides = array<i32>} : memref<200x128xf32, #tpu.memory_space<vmem>>, vector<1x16xf32>,
      %parallel_loop3A_274 = vector.shape_cast %parallel_loop3A_273 : vector<1x16xf32> to vector<16xf32>
      %parallel_loop3A_275 = vector.shape_cast %parallel_loop3A_270 : vector<16xf32> to vector<1x16xf32>
      tpu.vector_store %arg8[%parallel_loop3A_271, %parallel_loop3A_272], %parallel_loop3A_275 {strides = array<i32>} : memref<200x128xf32, #tpu.memory_space<vmem>>, vector<1x16xf32>,
    } {sc.loop_unroll_factor = 5 : i64, sc.parallel_access}
    %add3A_137 = arith.constant 31 : i32
    %add3A_138 = arith.addi %mul3A_2, %add3A_137 : i32
    %dma_start3A_139 = arith.constant 0 : i32
    %dma_start3A_140 = arith.constant 0 : i32
    %dma_start3A_141 = tpu.memref_slice %arg5[%add3A_138, %dma_start3A_139, %dma_start3A_140] : memref<1024x200x128xf32, #tpu.memory_space<hbm>> -> memref<1x200x128xf32, #tpu.memory_space<hbm>>
    %dma_start3A_142 = tpu.memref_squeeze %dma_start3A_141 : memref<1x200x128xf32, #tpu.memory_space<hbm>> -> memref<200x128xf32, #tpu.memory_space<hbm>>
    %dma_start3A_143 = arith.constant 0 : i32
    %dma_start3A_144 = arith.constant 0 : i32
    %dma_start3A_145 = tpu.memref_slice %arg5[%add3A_138, %dma_start3A_143, %dma_start3A_144] : memref<1024x200x128xf32, #tpu.memory_space<hbm>> -> memref<1x200x128xf32, #tpu.memory_space<hbm>>
    %dma_start3A_146 = tpu.memref_squeeze %dma_start3A_145 : memref<1x200x128xf32, #tpu.memory_space<hbm>> -> memref<200x128xf32, #tpu.memory_space<hbm>>
    tpu.enqueue_dma source(%arg8 : memref<200x128xf32, #tpu.memory_space<vmem>>) target(%dma_start3A_146 : memref<200x128xf32, #tpu.memory_space<hbm>>) target_semaphore(%arg15 : memref<!tpu.dma_semaphore, #tpu.memory_space<semaphore_mem>>)
    %dma_wait3A_147 = arith.constant 0 : i32
    %dma_wait3A_148 = arith.constant 0 : i32
    %dma_wait3A_149 = tpu.memref_slice %arg5[%mul3A_2, %dma_wait3A_147, %dma_wait3A_148] : memref<1024x200x128xf32, #tpu.memory_space<hbm>> -> memref<1x200x128xf32, #tpu.memory_space<hbm>>
    %dma_wait3A_150 = tpu.memref_squeeze %dma_wait3A_149 : memref<1x200x128xf32, #tpu.memory_space<hbm>> -> memref<200x128xf32, #tpu.memory_space<hbm>>
    %dma_wait3A_151 = arith.constant 0 : i32
    %dma_wait3A_152 = arith.constant 0 : i32
    %dma_wait3A_153 = tpu.memref_slice %arg5[%mul3A_2, %dma_wait3A_151, %dma_wait3A_152] : memref<1024x200x128xf32, #tpu.memory_space<hbm>> -> memref<1x200x128xf32, #tpu.memory_space<hbm>>
    %dma_wait3A_154 = tpu.memref_squeeze %dma_wait3A_153 : memref<1x200x128xf32, #tpu.memory_space<hbm>> -> memref<200x128xf32, #tpu.memory_space<hbm>>
    tpu.wait_dma2 semaphore(%arg14 : memref<!tpu.dma_semaphore, #tpu.memory_space<semaphore_mem>>) src(%arg7 : memref<200x128xf32, #tpu.memory_space<vmem>>) dst(%dma_wait3A_154 : memref<200x128xf32, #tpu.memory_space<hbm>>)
    %dma_wait3A_155 = arith.constant 0 : i32
    %dma_wait3A_156 = arith.constant 0 : i32
    %dma_wait3A_157 = tpu.memref_slice %arg5[%mul3A_2, %dma_wait3A_155, %dma_wait3A_156] : memref<1024x200x128xf32, #tpu.memory_space<hbm>> -> memref<1x200x128xf32, #tpu.memory_space<hbm>>
    %dma_wait3A_158 = tpu.memref_squeeze %dma_wait3A_157 : memref<1x200x128xf32, #tpu.memory_space<hbm>> -> memref<200x128xf32, #tpu.memory_space<hbm>>
    %dma_wait3A_159 = arith.constant 0 : i32
    %dma_wait3A_160 = arith.constant 0 : i32
    %dma_wait3A_161 = tpu.memref_slice %arg5[%mul3A_2, %dma_wait3A_159, %dma_wait3A_160] : memref<1024x200x128xf32, #tpu.memory_space<hbm>> -> memref<1x200x128xf32, #tpu.memory_space<hbm>>
    %dma_wait3A_162 = tpu.memref_squeeze %dma_wait3A_161 : memref<1x200x128xf32, #tpu.memory_space<hbm>> -> memref<200x128xf32, #tpu.memory_space<hbm>>
    tpu.wait_dma2 semaphore(%arg15 : memref<!tpu.dma_semaphore, #tpu.memory_space<semaphore_mem>>) src(%arg8 : memref<200x128xf32, #tpu.memory_space<vmem>>) dst(%dma_wait3A_162 : memref<200x128xf32, #tpu.memory_space<hbm>>)
    return
  }
}

</mosaic_0001>

<sc_bundles>
// kernel: kernel.3.cloned.1.call-start
scs
__scs_entry_jumppad:
0x0: {  	(pc) =	sbr.rel $0x88, $3  }
0x1: {  	(tag) =	ssettag $0x0;
	lr =	simm.s32 $0x1  }
0x2: {  	[smem:$0x3F9E] =	sst lr;
	_ =	strace $0xD0000000  }
0x3: {  	_ = 	snop  }
0x4: {  	_ = 	snop  }
0x5: {  	_ = 	snop  }
0x6: {  	_ = 	snop  }
0x7: {  	_ = 	snop  }
__scs_overlays_trampoline_lowered:
0x8: {  	[smem:$0x3FAD] =	sst s0  }
0x9: {  	[smem:$0x3FAE] =	sst s1  }
0xa: {  	[smem:$0x3FAF] =	sst s2  }
0xb: {  	[smem:$0x3FB0] =	sst s3  }
0xc: {  	[smem:$0x3FB1] =	sst s4  }
0xd: {  	[smem:$0x3FB2] =	sst s5  }
0xe: {  	[smem:$0x3FB3] =	sst s6  }
0xf: {  	[smem:$0x3FB4] =	sst s7  }
0x10: {  	[smem:$0x3FB5] =	sst s8  }
0x11: {  	[smem:$0x3FB6] =	sst s9;
	s0 =	simm.s32 @!p0 $0x0  }
0x12: {  	s1 =	sld [smem:$0x3F9C];
	s0 =	simm.s32 @p0 $0x1  }
0x13: {  	[smem:$0x3FB7] =	sst s0;
	s0 =	simm.s32 @!p1 $0x0  }
0x14: {  	s2 =	sld [smem:$0x3F9B];
	s0 =	simm.s32 @p1 $0x1  }
0x15: {  	[smem:$0x3FB8] =	sst s0;
	s0 =	simm.s32 @!p2 $0x0  }
0x16: {  	s3 =	sld [smem:$0x3FDB];
	s0 =	simm.s32 @p2 $0x1  }
0x17: {  	s4 =	simm.s32 $0x1BF5;
	[smem:$0x3FBA] =	sst s0  }
0x18: {  	s0 =	sld [smem:$0x3F9D];
	_ =	swait.ge [sflag:s4], $0x0  }
0x19: {  	s7 =	sld [smem:$0x3F9E]  }
0x1a: {  	s8 =	sadd.s32 $0xFFFFE003, lr  }
0x1b: {  	s9 =	sadd.s32 $0xFFFFFEF7, lr;
	s5 =	simm.s32 $0xFFFFFFFF;
	p2 =	slt.u32 s8, $0xFFFFF086  }
0x1c: {  	p1 =	slt.u32 s9, $0xF7A;
	s5 =	simm.s32 @!p2 $0x0  }
0x1d: {  	s5 =	simm.s32 @p1 $0x1;
	p0 =	seq.s32 s7, s2  }
0x1e: {  	s7 =	smul.u32 @!p0 $0xF7A, s2;
	p2 =	seq.s32 @!p0 s5, $0x0  }
0x1f: {  	s9 =	smul.u32 $0xF7A, s1;
	s8 =	simm.s32 @!p0 $0x1BF5;
	p2 =	por !p2, p0  }
0x20: {  	[sflag:s8] =	ssyncset.s32 @!p0 $0xFFFFF086;
	s6 =	sadd.s32 @!p0 s3, s7;
	s7 =	simm.s32 @!p0 $0x108  }
0x21: {  	s3 =	sadd.s32 s3, s9;
	s6 =	sadd.s32 @!p0 $0x88, s6;
	s7 =	simm.s32 @p2 $0x1082  }
0x22: {  	[simem:s7], [sflag:s8] =	dma.local @!p0 [hbm:s6], $0xF7A  }
0x23: {  	s9 =	sor.u32 $0xD0000000, s2;
	s6 =	simm.s32 $0x108;
	_ =	swait.ge @!p0 [sflag:s8], $0x0  }
0x24: {  	s3 =	sadd.s32 $0x88, s3;
	s6 =	simm.s32 @!p1 $0x1082;
	[sflag:s4] =	ssyncset.s32 $0xFFFFF086  }
0x25: {  	[simem:s6], [sflag:s4] =	dma.local [hbm:s3], $0xF7A  }
0x26: {  	[smem:$0x3F9E] =	sst s1;
	(tag) =	ssettag s2;
	_ =	strace s9  }
0x27: {  	s1 =	sld [smem:$0x3FAE]  }
0x28: {  	s2 =	sld [smem:$0x3FAF]  }
0x29: {  	s4 =	sld [smem:$0x3FB1]  }
0x2a: {  	p0 =	seq.s32 s5, $0x0;
	s5 =	sld [smem:$0x3FB2]  }
0x2b: {  	s6 =	sld [smem:$0x3FB3]  }
0x2c: {  	s7 =	sld [smem:$0x3FB4]  }
0x2d: {  	s3 =	simm.s32 $0x108;
	s8 =	sld [smem:$0x3FB5]  }
0x2e: {  	s3 =	simm.s32 @!p0 $0x1082;
	s9 =	sld [smem:$0x3FB6]  }
0x2f: {  	lr =	sadd.s32 s0, s3;
	s0 =	sld [smem:$0x3FAD]  }
0x30: {  	s3 =	sld [smem:$0x3FB0]  }
0x31: {  	[smem:$0x3FB9] =	sst s10  }
0x32: {  	s10 =	sld [smem:$0x3FB7];
	_ =	sdelay $0x3  }
0x33: {  	p0 =	seq.s32 s10, $0x1;
	s10 =	sld [smem:$0x3FB9];
	_ =	sdelay $0x3  }
0x34: {  	[smem:$0x3FB9] =	sst s10  }
0x35: {  	s10 =	sld [smem:$0x3FB8];
	_ =	sdelay $0x3  }
0x36: {  	p1 =	seq.s32 s10, $0x1;
	s10 =	sld [smem:$0x3FB9];
	_ =	sdelay $0x3  }
0x37: {  	[smem:$0x3FB9] =	sst s10  }
0x38: {  	s10 =	sld [smem:$0x3FBA]  }
0x39: {  	_ = 	snop;
	(pc) =	sbr.ind lr, $3  }
0x3a: {  	_ = 	snop  }
0x3b: {  	_ = 	snop  }
0x3c: {  	p2 =	seq.s32 s10, $0x1;
	s10 =	sld [smem:$0x3FB9]  }
0x3d: {  	_ =	shalt  }
0x3e: {  	_ =	shalt  }
0x3f: {  	_ =	shalt  }
0x40: {  	_ =	shalt  }
0x41: {  	_ =	shalt  }
0x42: {  	_ =	shalt  }
0x43: {  	_ =	shalt  }
0x44: {  	_ =	shalt  }
0x45: {  	_ =	shalt  }
0x46: {  	_ =	shalt  }
0x47: {  	_ =	shalt  }
0x48: {  	_ =	shalt  }
0x49: {  	_ =	shalt  }
0x4a: {  	_ =	shalt  }
0x4b: {  	_ =	shalt  }
0x4c: {  	_ =	shalt  }
0x4d: {  	_ =	shalt  }
0x4e: {  	_ =	shalt  }
0x4f: {  	_ =	shalt  }
0x50: {  	_ =	shalt  }
0x51: {  	_ =	shalt  }
0x52: {  	_ =	shalt  }
0x53: {  	_ =	shalt  }
0x54: {  	_ =	shalt  }
0x55: {  	_ =	shalt  }
0x56: {  	_ =	shalt  }
0x57: {  	_ =	shalt  }
0x58: {  	_ =	shalt  }
0x59: {  	_ =	shalt  }
0x5a: {  	_ =	shalt  }
0x5b: {  	_ =	shalt  }
0x5c: {  	_ =	shalt  }
0x5d: {  	_ =	shalt  }
0x5e: {  	_ =	shalt  }
0x5f: {  	_ =	shalt  }
0x60: {  	_ =	shalt  }
0x61: {  	_ =	shalt  }
0x62: {  	_ =	shalt  }
0x63: {  	_ =	shalt  }
0x64: {  	_ =	shalt  }
0x65: {  	_ =	shalt  }
0x66: {  	_ =	shalt  }
0x67: {  	_ =	shalt  }
0x68: {  	_ =	shalt  }
0x69: {  	_ =	shalt  }
0x6a: {  	_ =	shalt  }
0x6b: {  	_ =	shalt  }
0x6c: {  	_ =	shalt  }
0x6d: {  	_ =	shalt  }
0x6e: {  	_ =	shalt  }
0x6f: {  	_ =	shalt  }
0x70: {  	_ =	shalt  }
0x71: {  	_ =	shalt  }
0x72: {  	_ =	shalt  }
0x73: {  	_ =	shalt  }
0x74: {  	_ =	shalt  }
0x75: {  	_ =	shalt  }
0x76: {  	_ =	shalt  }
0x77: {  	_ =	shalt  }
0x78: {  	_ =	shalt  }
0x79: {  	_ =	shalt  }
0x7a: {  	_ =	shalt  }
0x7b: {  	_ =	shalt  }
0x7c: {  	_ =	shalt  }
0x7d: {  	_ =	shalt  }
0x7e: {  	_ =	shalt  }
0x7f: {  	_ =	shalt  }
0x80: {  	_ =	shalt  }
0x81: {  	_ =	shalt  }
0x82: {  	_ =	shalt  }
0x83: {  	_ =	shalt  }
0x84: {  	_ =	shalt  }
0x85: {  	_ =	shalt  }
0x86: {  	_ =	shalt  }
0x87: {  	_ =	shalt  }
.Lfunc_end0:
.L_simem_size_0:
called_computation_lowered:
.L_overlay_start_0:
0x88: {  	s2 =	sld [smem:$0x3FD9]  }
0x89: {  	s3 =	sld [smem:$0x3FFE];
	_ =	sdelay $0x1  }
0x8a: {  	s1 =	srdreg.scid  }
0x8b: {  	s0 =	sand.u32 $0x1, s1  }
0x8c: {  	s17 =	sshll.u32 s0, $0xA;
	s2 =	sadd.s32 s3, s2  }
0x8d: {  	s2 =	sadd.s32 s2, s17  }
0x8e: {  	[smem:$0x3FC5] =	sst s2  }
0x8f: {  	_ = 	snop  }
0x90: {  	s2 =	sld [smem:$0x3FC8]  }
0x91: {  	s18 =	sld [smem:$0x3FC7]  }
0x92: {  	s4 =	sld [smem:$0x3FD0];
	(tm) =	ssettm $0x1  }
0x93: {  	s5 =	sld [smem:$0x3FFB];
	_ =	sdelay $0x3  }
0x94: {  	_ =	strace s5  }
0x95: {  	s5 =	sld [smem:$0x3FFC];
	_ =	sdelay $0x3  }
0x96: {  	_ =	strace s5  }
0x97: {  	s5 =	sld [smem:$0x3FFD];
	_ =	sdelay $0x3  }
0x98: {  	_ =	strace s5  }
0x99: {  	_ =	strace $0x8FFFFFFF  }
0x9a: {  	s19 =	sld [smem:$0x3FDB];
	_ =	sdelay $0x1  }
0x9b: {  	s6 =	simm.s32 $_scs_section_size  }
0x9c: {  	s7 =	simm.s32 $_size__tile_overlayer_lowered;
	s8 =	simm.s32 $_tile_overlayer_lowered  }
0x9d: {  	s22 =	simm.s32 $0x1BFF;
	s21 =	sshll.u32 s8, $0x1;
	s5 =	sadd.s32 s6, s19  }
0x9e: {  	s9 =	simm.s32 $0x0;
	s20 =	sshll.u32 s7, $0x1;
	s7 =	sadd.s32 s21, s5  }
0x9f: {  	[timem:s9], [sflag:s22] =	dma.local [hbm:s7], s20  }
0xa0: {  	_ =	swait.ge [sflag:s22], s20  }
0xa1: {  	s6 =	ssub.s32 $0x0, s20;
	[sflag:s22] =	ssyncset.done $0x0  }
0xa2: {  	[sflag:s22] =	ssyncadd.s32 s6;
	_ =	sdelay $0x1  }
0xa3: {  	s23 =	simm.s32 $0x1B8B  }
0xa4: {  	_ =	swait.ge [sflag:s23], $0x1  }
0xa5: {  	[sflag:s23] =	ssyncset.done $0x0  }
0xa6: {  	s25 =	simm.s32 $0x1B8E;
	s24 =	sld [smem:$0x3FFE];
	[sflag:s23] =	ssyncadd.s32 $0xFFFFFFFF  }
0xa7: {  	s26 =	simm.s32 $execute0_lowered;
	[smem:$0x3FD2] =	sst s25  }
0xa8: {  	s7 =	sshll.u32 s26, $0x1;
	_ =	strace $0x80000046;
	[dreg:$0x1] =	wrdreg $0xFFFFFFFF  }
0xa9: {  	s28 =	simm.s32 $_size_execute0_lowered;
	s5 =	sadd.s32 s5, s7;
	[dreg:$0x0] =	wrdreg $0x0  }
0xaa: {  	s7 =	sshll.u32 s28, $0x1;
	[dreg:$0x2] =	wrdreg s5  }
0xab: {  	[dreg:$0x3] =	wrdreg s7  }
0xac: {  	[dreg:$0x4] =	wrdreg $0xC0  }
0xad: {  	_ =	task [dreg:s9], $0x5FFFF  }
0xae: {  	[dreg:$0x1] =	wrdreg $0xFFFFFFFF  }
0xaf: {  	[dreg:$0x0] =	wrdreg $0x60  }
0xb0: {  	[dreg:$0x2] =	wrdreg s24  }
0xb1: {  	[dreg:$0x3] =	wrdreg s2  }
0xb2: {  	[dreg:$0x4] =	wrdreg s18  }
0xb3: {  	[dreg:$0x5] =	wrdreg s4  }
0xb4: {  	[dreg:$0x6] =	wrdreg $0x9  }
0xb5: {  	_ =	task.clear_ibuf [dreg:s9], $0x7FFFF;
	_ =	strace $0x90000046  }
0xb6: {  	s29 =	simm.s32 $0x9;
	_ =	strace $0x80000048  }
0xb7: {  	_ =	swait.ge [sflag:s29], $0x1  }
0xb8: {  	[sflag:s29] =	ssyncadd.s32 $0xFFFFFFFF  }
0xb9: {  	_ =	strace $0x90000048  }
0xba: {  	_ =	sfence  }
0xbb: {  	s30 =	sld [smem:$0x0];
	_ =	sdelay $0x2  }
0xbc: {  	s31 =	sshll.u32 s1, $0xD;
	s1 =	sshrl.u32 s1, $0x2  }
0xbd: {  	s3 =	sand.u32 $0x4000, s31;
	s1 =	sadd.s32 s1, s30  }
0xbe: {  	s0 =	sor.u32 s3, s0;
	s1 =	sshll.u32 s1, $0x11  }
0xbf: {  	s0 =	sor.u32 s1, s0  }
0xc0: {  	s0 =	sadd.s32 $0x8F2B, s0  }
0xc1: {  	[sflag:s0] =	ssyncadd.remote.s32 $0x1  }
0xc2: {  	_ =	sfence.sel $0xFFFF  }
0xc3: {  	[dreg:$0x0] =	wrdreg $0xFFFFFFFF;
	(pc) =	sbr.abs _section_cstart, $3  }
0xc4: {  	[dreg:$0x1] =	wrdreg $0xFFFFFFFF  }
0xc5: {  	_ =	task.clear_ibuf [dreg:s9], $0x2FFFF;
	_ =	strace $0x9FFFFFFF  }
0xc6: {  	(tm) =	ssettm $0x7FFFFFFF  }
0xc7: {  	_ =	shalt  }
tec
execute0_lowered:
.L_overlay_start_1:
0x0: {  	(tag) =	ssettag $0x1  }
0x1: {  	s0 =	rddreg [dreg:$0x0]  }
0x2: {  	s1 =	rddreg [dreg:$0x1]  }
0x3: {  	s2 =	srdreg.scid;
	s3 =	stileid.u32  }
0x4: {  	s4 =	rddreg [dreg:$0x3];
	s5 =	simm.s32 $0x0;
	s12 =	simm.s32 $0x1  }
0x5: {  	s13 =	simm.s32 $0x64;
	s14 =	simm.s32 $0x2000;
	s16 =	simm.s32 $0x5200  }
0x6: {  	s17 =	simm.s32 $0x4;
	s18 =	simm.s32 $0x8400;
	s19 =	simm.s32 $0xB600  }
0x7: {  	s20 =	simm.s32 $0xE800;
	s21 =	simm.s32 $0x11A00;
	s22 =	simm.s32 $0x2  }
0x8: {  	s23 =	simm.s32 $0x3;
	s24 =	simm.s32 $0x5;
	s2 =	sand.u32 $0x1, s2  }
0x9: {  	s25 =	simm.s32 $0x1F00;
	s3 =	sshll.u32 s3, $0x6;
	s6 =	sshll.u32 s2, $0x5  }
0xa: {  	s26 =	simm.s32 $0x1F80;
	s28 =	simm.s32 $0x6;
	s6 =	sor.u32 s6, s3  }
0xb: {  	[smem:$0x7FF] =	sst s5;
	s2 =	ssub.s32 $0x2, s2;
	s3 =	smul.u32 $0x6400, s6  }
0xc: {  	s29 =	simm.s32 $0x0;
	_ =	strace $0x80000047;
	s30 =	sshrl.u32 s2, $0x1  }
0xd: {  	s7 =	sshll.u32 s6, $0x5;
	s2 =	ssub.s32 s2, s30;
	s3 =	sshrl.u32 s3, $0x3  }
0xe: {  	s0 =	sadd.s32 s7, s0;
	s10 =	smax.u32 s2, $0x1;
	s31 =	sadd.s32 s4, s3  }
0xf: {  	s7 =	sadd.s32 $0x400, s0;
	s8 =	sadd.s32 $0x17700, s31;
	s9 =	sadd.s32 $0x18380, s31  }
.LBB2_1:
0x10: {  	[tilespmem:s5], [sflag:$0x1] =	stream.linear.gather [hbm4b:s7+s5], $0x2000, $0x38;
	[tilespmem:$0x1B000] =	vst v63  }
0x11: {  	s0 =	rddreg [dreg:$0x2];
	s2 =	simm.s32 $0x14C00  }
0x12: {  	[tilespmem:s2], [sflag:$0x4] =	stream.linear.gather [hbm4b:s0+s5], $0x6400, $0x38;
	[tilespmem:$0x1B000] =	vst v63  }
0x13: {  	_ =	swait.ge [sflag:s12], $0x2000  }
0x14: {  	[sflag:s12] =	ssyncset.done $0x0  }
0x15: {  	[sflag:s12] =	ssyncadd.s32 $0xFFFFE000  }
0x16: {  	[tilespmem:s14], [sflag:$0x1] =	stream.indirect.gather [hbm4b:s1+s13], $0x80, s5, s13, $0xb8;
	[tilespmem:$0x1B000] =	vst v63  }
0x17: {  	s31 =	simm.s32 $0x80  }
0x18: {  	[tilespmem:s16], [sflag:$0x1] =	stream.indirect.gather [hbm4b:s1+s13], $0x80, s31, s13, $0xb8;
	[tilespmem:$0x1B000] =	vst v63  }
0x19: {  	_ =	swait.ge [sflag:s17], $0x6400  }
0x1a: {  	[sflag:s17] =	ssyncset.done $0x0  }
0x1b: {  	s30 =	simm.s32 $0x0;
	[sflag:s17] =	ssyncadd.s32 $0xFFFF9C00  }
.LBB2_2:
0x1c: {  	s2 =	smul.u32 $0x3, s30;
	p0 =	seq.s32 s30, $0x0  }
0x1d: {  	s0 =	simm.s32 @!p0 $0x5  }
0x1e: {  	_ =	swait.ge @!p0 [sflag:s0], $0x6400;
	s31 =	sadd.s32 $0x1, s2  }
0x1f: {  	[sflag:s0] =	ssyncset.done @!p0 $0x0;
	s3 =	sshll.u32 s31, $0x8  }
0x20: {  	[sflag:s0] =	ssyncadd.s32 @!p0 $0xFFFF9C00;
	s15 =	sand.u32 $0x3FFFFF00, s3  }
0x21: {  	[tilespmem:s18], [sflag:$0x2] =	stream.indirect.gather [hbm4b:s1+s13], $0x80, s15, s13, $0xb8;
	[tilespmem:$0x1B000] =	vst v63  }
0x22: {  	s0 =	sor.u32 $0x80, s15  }
0x23: {  	[tilespmem:s19], [sflag:$0x2] =	stream.indirect.gather [hbm4b:s1+s13], $0x80, s0, s13, $0xb8;
	[tilespmem:$0x1B000] =	vst v63  }
0x24: {  	_ =	swait.ge [sflag:s12], $0x3200  }
0x25: {  	[sflag:s12] =	ssyncset.done $0x0  }
0x26: {  	[sflag:s12] =	ssyncadd.s32 $0xFFFFCE00  }
0x27: {  	_ =	swait.ge [sflag:s12], $0x3200  }
0x28: {  	[sflag:s12] =	ssyncset.done $0x0  }
0x29: {  	s0 =	simm.s32 $0x2140;
	[sflag:s12] =	ssyncadd.s32 $0xFFFFCE00  }
0x2a: {  	s3 =	simm.s32 $0x14D40;
	v0 =	vld [tilespmem:s0+$0xC0]  }
0x2b: {  	v1 =	vld [tilespmem:s3+$0xC0];
	_ =	sdelay $0x1  }
0x2c: {  	v3 =	vld [tilespmem:s0+$0xFFFFFF40]  }
0x2d: {  	v4 =	vld [tilespmem:s3+$0xFFFFFF40]  }
0x2e: {  	v5 =	vld [tilespmem:s0+$0xFFFFFFC0]  }
0x2f: {  	v6 =	vld [tilespmem:s3+$0xFFFFFFC0];
	v0 =	vadd.f32 v1, v0  }
0x30: {  	v1 =	vld [tilespmem:s3+$0xFFFFFEC0]  }
0x31: {  	[tilespmem:s0+$0xC0] =	vst v0;
	v0 =	vld [tilespmem:s0+$0xD0]  }
0x32: {  	v2 =	vld [tilespmem:s3+$0xD0]  }
0x33: {  	v3 =	vadd.f32 v4, v3;
	v4 =	vld [tilespmem:s0+$0xFFFFFEC0]  }
0x34: {  	v7 =	vld [tilespmem:s0+$0x40]  }
0x35: {  	v8 =	vld [tilespmem:s0+$0xFFFFFED0];
	[tilespmem:s0+$0xFFFFFF40] =	vst v3  }
0x36: {  	v3 =	vadd.f32 v6, v5;
	v6 =	vld [tilespmem:s3+$0xFFFFFF50]  }
0x37: {  	v0 =	vadd.f32 v2, v0;
	v2 =	vld [tilespmem:s3+$0x40]  }
0x38: {  	v1 =	vadd.f32 v1, v4;
	v4 =	vld [tilespmem:s0+$0xFFFFFF50]  }
0x39: {  	[tilespmem:s0+$0xD0] =	vst v0;
	v0 =	vld [tilespmem:s0+$0xE0]  }
0x3a: {  	v5 =	vld [tilespmem:s3+$0xE0]  }
0x3b: {  	v9 =	vld [tilespmem:s0+$0xFFFFFEE0]  }
0x3c: {  	v62 =	vld [tilespmem:s0+$0xFFFFFF20];
	[tilespmem:s0+$0xFFFFFFC0] =	vst v3;
	v2 =	vadd.f32 v2, v7  }
0x3d: {  	v3 =	vld [tilespmem:s3+$0xFFFFFFD0];
	[tilespmem:s0+$0xFFFFFEC0] =	vst v1  }
0x3e: {  	v4 =	vadd.f32 v6, v4;
	[tilespmem:s0+$0x40] =	vst v2;
	v2 =	vld [tilespmem:s3+$0xFFFFFED0]  }
0x3f: {  	v0 =	vadd.f32 v5, v0;
	v5 =	vld [tilespmem:s0+$0xFFFFFFD0]  }
0x40: {  	[tilespmem:s0+$0xFFFFFF50] =	vst v4;
	v7 =	vld [tilespmem:s0+$0x50]  }
0x41: {  	v4 =	vld [tilespmem:s3+$0xFFFFFF60]  }
0x42: {  	[tilespmem:s0+$0xE0] =	vst v0;
	v0 =	vld [tilespmem:s0+$0xF0]  }
0x43: {  	v6 =	vld [tilespmem:s3+$0xF0];
	v2 =	vadd.f32 v2, v8  }
0x44: {  	v1 =	vld [tilespmem:s3+$0x50];
	v3 =	vadd.f32 v3, v5  }
0x45: {  	[tilespmem:s0+$0xFFFFFED0] =	vst v2;
	v2 =	vld [tilespmem:s0+$0xFFFFFF60]  }
0x46: {  	v5 =	vld [tilespmem:s3+$0xFFFFFEE0];
	[tilespmem:s0+$0xFFFFFFD0] =	vst v3  }
0x47: {  	v3 =	vld [tilespmem:s3+$0xFFFFFFE0]  }
0x48: {  	v0 =	vadd.f32 v6, v0;
	v6 =	vld [tilespmem:s0+$0xFFFFFFE0]  }
0x49: {  	v1 =	vadd.f32 v1, v7;
	v7 =	vld [tilespmem:s0+$0x60]  }
0x4a: {  	[tilespmem:s0+$0xF0] =	vst v0;
	v0 =	vld [tilespmem:s0+$0x100]  }
0x4b: {  	[tilespmem:s0+$0x50] =	vst v1;
	v1 =	vadd.f32 v4, v2;
	v2 =	vld [tilespmem:s3+$0x100]  }
0x4c: {  	v4 =	vld [tilespmem:s3+$0x60];
	v5 =	vadd.f32 v5, v9  }
0x4d: {  	[tilespmem:s0+$0xFFFFFF60] =	vst v1;
	v3 =	vadd.f32 v3, v6;
	v6 =	vld [tilespmem:s0+$0xFFFFFEF0]  }
0x4e: {  	[tilespmem:s0+$0xFFFFFEE0] =	vst v5;
	v1 =	vld [tilespmem:s3+$0xFFFFFF70]  }
0x4f: {  	v5 =	vld [tilespmem:s3+$0xFFFFFEF0]  }
0x50: {  	v0 =	vadd.f32 v2, v0;
	v2 =	vld [tilespmem:s0+$0xFFFFFF70]  }
0x51: {  	v8 =	vld [tilespmem:s0+$0xFFFFFF80];
	[tilespmem:s0+$0xFFFFFFE0] =	vst v3;
	v3 =	vadd.f32 v4, v7  }
0x52: {  	[tilespmem:s0+$0x100] =	vst v0;
	v0 =	vld [tilespmem:s0+$0x110]  }
0x53: {  	[tilespmem:s0+$0x60] =	vst v3;
	v3 =	vld [tilespmem:s3+$0x110]  }
0x54: {  	v4 =	vld [tilespmem:s3+$0xFFFFFFF0]  }
0x55: {  	v5 =	vadd.f32 v5, v6;
	v1 =	vadd.f32 v1, v2;
	v2 =	vld [tilespmem:s0+$0xFFFFFFF0]  }
0x56: {  	v7 =	vld [tilespmem:s3+$0x70]  }
0x57: {  	[tilespmem:s0+$0xFFFFFEF0] =	vst v5;
	v5 =	vld [tilespmem:s0+$0x70]  }
0x58: {  	v6 =	vld [tilespmem:s3+$0xFFFFFF00];
	v0 =	vadd.f32 v3, v0  }
0x59: {  	[tilespmem:s0+$0xFFFFFF70] =	vst v1;
	v3 =	vld [tilespmem:s0+$0xFFFFFF00]  }
0x5a: {  	v1 =	vld [tilespmem:s3+$0xFFFFFF80];
	[tilespmem:s0+$0x110] =	vst v0;
	v0 =	vadd.f32 v4, v2  }
0x5b: {  	v2 =	vld [tilespmem:s0+$0x120]  }
0x5c: {  	v4 =	vadd.f32 v7, v5;
	v5 =	vld [tilespmem:s3+$0x120];
	[tilespmem:s0+$0xFFFFFFF0] =	vst v0  }
0x5d: {  	v0 =	vld [tilespmem:s3+$0x0]  }
0x5e: {  	[tilespmem:s0+$0x70] =	vst v4;
	v3 =	vadd.f32 v6, v3;
	v6 =	vld [tilespmem:s0+$0x0]  }
0x5f: {  	v4 =	vld [tilespmem:s3+$0x80]  }
0x60: {  	[tilespmem:s0+$0xFFFFFF00] =	vst v3;
	v3 =	vld [tilespmem:s0+$0x80]  }
0x61: {  	v7 =	vld [tilespmem:s0+$0xFFFFFF10];
	v1 =	vadd.f32 v1, v8  }
0x62: {  	v8 =	vld [tilespmem:s0+$0x10]  }
0x63: {  	[tilespmem:s0+$0xFFFFFF80] =	vst v1;
	v2 =	vadd.f32 v5, v2;
	v5 =	vld [tilespmem:s3+$0xFFFFFF10]  }
0x64: {  	v1 =	vld [tilespmem:s3+$0xFFFFFF90];
	v0 =	vadd.f32 v0, v6  }
0x65: {  	[tilespmem:s0+$0x120] =	vst v2;
	v3 =	vadd.f32 v4, v3;
	v4 =	vld [tilespmem:s0+$0xFFFFFF90]  }
0x66: {  	v2 =	vld [tilespmem:s0+$0x130];
	[tilespmem:s0+$0x0] =	vst v0  }
0x67: {  	v0 =	vld [tilespmem:s3+$0x10]  }
0x68: {  	v5 =	vadd.f32 v5, v7;
	v7 =	vld [tilespmem:s0+$0x90];
	[tilespmem:s0+$0x80] =	vst v3  }
0x69: {  	v3 =	vld [tilespmem:s3+$0x90]  }
0x6a: {  	v6 =	vld [tilespmem:s3+$0x130];
	[tilespmem:s0+$0xFFFFFF10] =	vst v5;
	v1 =	vadd.f32 v1, v4  }
0x6b: {  	v5 =	vld [tilespmem:s3+$0xFFFFFF20]  }
0x6c: {  	v4 =	vld [tilespmem:s0+$0xFFFFFFA0];
	[tilespmem:s0+$0xFFFFFF90] =	vst v1  }
0x6d: {  	v0 =	vadd.f32 v0, v8;
	v1 =	vld [tilespmem:s3+$0xFFFFFFA0]  }
0x6e: {  	v8 =	vld [tilespmem:s0+$0x20];
	v3 =	vadd.f32 v3, v7  }
0x6f: {  	[tilespmem:s0+$0x10] =	vst v0;
	v7 =	vld [tilespmem:s0+$0xA0]  }
0x70: {  	v0 =	vld [tilespmem:s3+$0x20];
	[tilespmem:s0+$0x90] =	vst v3  }
0x71: {  	v3 =	vadd.f32 v5, v62;
	v5 =	vld [tilespmem:s3+$0xA0]  }
0x72: {  	v63 =	vld [tilespmem:s0+$0xFFFFFF30];
	v4 =	vadd.f32 v1, v4  }
0x73: {  	[tilespmem:s0+$0xFFFFFF20] =	vst v3;
	v1 =	vld [tilespmem:s0+$0xFFFFFFB0]  }
0x74: {  	v10 =	vld [tilespmem:s3+$0xFFFFFF30];
	[tilespmem:s0+$0xFFFFFFA0] =	vst v4  }
0x75: {  	v4 =	vadd.f32 v0, v8;
	v3 =	vld [tilespmem:s3+$0xFFFFFFB0]  }
0x76: {  	v6 =	vadd.f32 v6, v2;
	v2 =	vld [tilespmem:s0+$0xB0];
	v5 =	vadd.f32 v5, v7  }
0x77: {  	v0 =	vld [tilespmem:s0+$0x30];
	[tilespmem:s0+$0x20] =	vst v4  }
0x78: {  	v4 =	vld [tilespmem:s3+$0x30];
	[tilespmem:s0+$0xA0] =	vst v5  }
0x79: {  	s11 =	simm.s32 $0x0;
	s15 =	simm.s32 $0x23C0;
	[tilespmem:s0+$0x130] =	vst v6;
	v6 =	vadd.f32 v10, v63;
	v5 =	vld [tilespmem:s3+$0xB0]  }
.LBB2_3:
0x7a: {  	v7 =	vld [tilespmem:s15+$0xC0];
	v1 =	vadd.f32 v3, v1;
	s3 =	sadd.s32 $0x280, s3  }
0x7b: {  	s11 =	sadd.s32 $0x5, s11;
	v3 =	vld [tilespmem:s3+$0xC0];
	[tilespmem:s0+$0xFFFFFF30] =	vst v6  }
0x7c: {  	p1 =	slt.u32 s11, $0xC3;
	v6 =	vld [tilespmem:s3+$0xFFFFFEC0];
	[tilespmem:s0+$0xFFFFFFB0] =	vst v1  }
0x7d: {  	v1 =	vld [tilespmem:s15+$0xFFFFFF40];
	v0 =	vadd.f32 v4, v0  }
0x7e: {  	v4 =	vld [tilespmem:s3+$0xFFFFFF40];
	v2 =	vadd.f32 v5, v2  }
0x7f: {  	v5 =	vld [tilespmem:s15+$0xFFFFFFC0];
	[tilespmem:s0+$0x30] =	vst v0  }
0x80: {  	v0 =	vld [tilespmem:s3+$0xFFFFFFC0];
	v3 =	vadd.f32 v3, v7;
	[tilespmem:s0+$0xB0] =	vst v2;
	s0 =	smov.u32 s15  }
0x81: {  	v2 =	vld [tilespmem:s15+$0x40]  }
0x82: {  	[tilespmem:s15+$0xC0] =	vst v3;
	v3 =	vld [tilespmem:s15+$0xD0]  }
0x83: {  	v1 =	vadd.f32 v4, v1;
	v4 =	vld [tilespmem:s3+$0xD0]  }
0x84: {  	v7 =	vld [tilespmem:s3+$0x40]  }
0x85: {  	v8 =	vld [tilespmem:s15+$0xFFFFFEC0];
	[tilespmem:s15+$0xFFFFFF40] =	vst v1;
	v0 =	vadd.f32 v0, v5  }
0x86: {  	v1 =	vld [tilespmem:s3+$0xFFFFFF50]  }
0x87: {  	v5 =	vld [tilespmem:s15+$0xFFFFFED0];
	[tilespmem:s15+$0xFFFFFFC0] =	vst v0  }
0x88: {  	v0 =	vld [tilespmem:s3+$0xFFFFFFD0];
	v3 =	vadd.f32 v4, v3  }
0x89: {  	v4 =	vld [tilespmem:s15+$0xFFFFFF50];
	v2 =	vadd.f32 v7, v2  }
0x8a: {  	v6 =	vadd.f32 v6, v8;
	[tilespmem:s15+$0xD0] =	vst v3;
	v3 =	vld [tilespmem:s15+$0xE0]  }
0x8b: {  	[tilespmem:s15+$0x40] =	vst v2;
	v2 =	vld [tilespmem:s3+$0xE0]  }
0x8c: {  	[tilespmem:s15+$0xFFFFFEC0] =	vst v6;
	v6 =	vld [tilespmem:s3+$0x50]  }
0x8d: {  	v7 =	vld [tilespmem:s3+$0xFFFFFED0]  }
0x8e: {  	v1 =	vadd.f32 v1, v4;
	v4 =	vld [tilespmem:s15+$0xFFFFFFD0]  }
0x8f: {  	v8 =	vld [tilespmem:s15+$0x50]  }
0x90: {  	v9 =	vld [tilespmem:s15+$0xFFFFFEE0];
	[tilespmem:s15+$0xFFFFFF50] =	vst v1;
	v1 =	vadd.f32 v2, v3  }
0x91: {  	v2 =	vld [tilespmem:s3+$0xFFFFFF60]  }
0x92: {  	v3 =	vadd.f32 v7, v5;
	[tilespmem:s15+$0xE0] =	vst v1;
	v1 =	vld [tilespmem:s15+$0xF0]  }
0x93: {  	v0 =	vadd.f32 v0, v4;
	v4 =	vld [tilespmem:s3+$0xF0]  }
0x94: {  	[tilespmem:s15+$0xFFFFFED0] =	vst v3;
	v3 =	vld [tilespmem:s15+$0xFFFFFF60];
	v5 =	vadd.f32 v6, v8  }
0x95: {  	v6 =	vld [tilespmem:s3+$0xFFFFFEE0];
	[tilespmem:s15+$0xFFFFFFD0] =	vst v0  }
0x96: {  	v0 =	vld [tilespmem:s3+$0xFFFFFFE0];
	[tilespmem:s15+$0x50] =	vst v5  }
0x97: {  	v5 =	vld [tilespmem:s3+$0x60]  }
0x98: {  	v7 =	vld [tilespmem:s15+$0xFFFFFFE0];
	v1 =	vadd.f32 v4, v1  }
0x99: {  	v2 =	vadd.f32 v2, v3;
	v3 =	vld [tilespmem:s15+$0x60]  }
0x9a: {  	v4 =	vadd.f32 v6, v9;
	[tilespmem:s15+$0xF0] =	vst v1;
	v1 =	vld [tilespmem:s15+$0x100]  }
0x9b: {  	[tilespmem:s15+$0xFFFFFF60] =	vst v2;
	v2 =	vld [tilespmem:s3+$0x100]  }
0x9c: {  	[tilespmem:s15+$0xFFFFFEE0] =	vst v4;
	v4 =	vld [tilespmem:s3+$0xFFFFFF70]  }
0x9d: {  	v6 =	vld [tilespmem:s3+$0xFFFFFEF0];
	v0 =	vadd.f32 v0, v7  }
0x9e: {  	v7 =	vld [tilespmem:s15+$0xFFFFFEF0];
	v3 =	vadd.f32 v5, v3  }
0x9f: {  	v5 =	vld [tilespmem:s15+$0xFFFFFF70];
	[tilespmem:s15+$0xFFFFFFE0] =	vst v0  }
0xa0: {  	v0 =	vld [tilespmem:s3+$0xFFFFFFF0];
	[tilespmem:s15+$0x60] =	vst v3;
	v1 =	vadd.f32 v2, v1  }
0xa1: {  	v2 =	vld [tilespmem:s3+$0x70]  }
0xa2: {  	[tilespmem:s15+$0x100] =	vst v1;
	v1 =	vld [tilespmem:s15+$0x110]  }
0xa3: {  	v3 =	vadd.f32 v6, v7;
	v6 =	vld [tilespmem:s3+$0x110]  }
0xa4: {  	v4 =	vadd.f32 v4, v5;
	v5 =	vld [tilespmem:s15+$0xFFFFFFF0]  }
0xa5: {  	[tilespmem:s15+$0xFFFFFEF0] =	vst v3;
	v3 =	vld [tilespmem:s15+$0x70]  }
0xa6: {  	v7 =	vld [tilespmem:s3+$0xFFFFFF00];
	[tilespmem:s15+$0xFFFFFF70] =	vst v4  }
0xa7: {  	v4 =	vld [tilespmem:s3+$0xFFFFFF80]  }
0xa8: {  	v8 =	vld [tilespmem:s15+$0xFFFFFF00];
	v1 =	vadd.f32 v6, v1  }
0xa9: {  	v6 =	vld [tilespmem:s15+$0xFFFFFF80];
	v0 =	vadd.f32 v0, v5  }
0xaa: {  	v2 =	vadd.f32 v2, v3;
	[tilespmem:s15+$0x110] =	vst v1;
	v1 =	vld [tilespmem:s15+$0x120]  }
0xab: {  	[tilespmem:s15+$0xFFFFFFF0] =	vst v0;
	v0 =	vld [tilespmem:s3+$0x120]  }
0xac: {  	v3 =	vld [tilespmem:s3+$0x0];
	[tilespmem:s15+$0x70] =	vst v2  }
0xad: {  	v2 =	vadd.f32 v7, v8;
	v5 =	vld [tilespmem:s3+$0x80]  }
0xae: {  	v4 =	vadd.f32 v4, v6;
	v6 =	vld [tilespmem:s15+$0x0]  }
0xaf: {  	[tilespmem:s15+$0xFFFFFF00] =	vst v2;
	v2 =	vld [tilespmem:s15+$0x80]  }
0xb0: {  	v7 =	vld [tilespmem:s3+$0xFFFFFF10];
	[tilespmem:s15+$0xFFFFFF80] =	vst v4;
	v0 =	vadd.f32 v0, v1  }
0xb1: {  	v1 =	vld [tilespmem:s3+$0xFFFFFF90]  }
0xb2: {  	[tilespmem:s15+$0x120] =	vst v0;
	v0 =	vld [tilespmem:s15+$0x130]  }
0xb3: {  	v3 =	vadd.f32 v3, v6;
	v4 =	vld [tilespmem:s3+$0x130]  }
0xb4: {  	v6 =	vld [tilespmem:s15+$0xFFFFFF10];
	v2 =	vadd.f32 v5, v2  }
0xb5: {  	v5 =	vld [tilespmem:s15+$0xFFFFFF90];
	[tilespmem:s15+$0x0] =	vst v3  }
0xb6: {  	v3 =	vld [tilespmem:s3+$0x10];
	[tilespmem:s15+$0x80] =	vst v2  }
0xb7: {  	v2 =	vld [tilespmem:s3+$0x90]  }
0xb8: {  	v8 =	vld [tilespmem:s15+$0x10];
	v0 =	vadd.f32 v4, v0  }
0xb9: {  	v4 =	vadd.f32 v7, v6;
	v6 =	vld [tilespmem:s15+$0x90]  }
0xba: {  	v7 =	vld [tilespmem:s15+$0xFFFFFF20];
	v1 =	vadd.f32 v1, v5;
	[tilespmem:s15+$0x130] =	vst v0  }
0xbb: {  	[tilespmem:s15+$0xFFFFFF10] =	vst v4;
	v0 =	vld [tilespmem:s15+$0xFFFFFFA0]  }
0xbc: {  	v4 =	vld [tilespmem:s3+$0xFFFFFF20];
	[tilespmem:s15+$0xFFFFFF90] =	vst v1  }
0xbd: {  	v1 =	vld [tilespmem:s3+$0xFFFFFFA0];
	v3 =	vadd.f32 v3, v8  }
0xbe: {  	v5 =	vld [tilespmem:s15+$0x20];
	v2 =	vadd.f32 v2, v6  }
0xbf: {  	[tilespmem:s15+$0x10] =	vst v3;
	v6 =	vld [tilespmem:s15+$0xA0]  }
0xc0: {  	v8 =	vld [tilespmem:s3+$0x20];
	[tilespmem:s15+$0x90] =	vst v2  }
0xc1: {  	v2 =	vadd.f32 v4, v7;
	v4 =	vld [tilespmem:s3+$0xA0]  }
0xc2: {  	v7 =	vld [tilespmem:s15+$0xFFFFFF30];
	v0 =	vadd.f32 v1, v0  }
0xc3: {  	[tilespmem:s15+$0xFFFFFF20] =	vst v2;
	v1 =	vld [tilespmem:s15+$0xFFFFFFB0]  }
0xc4: {  	v9 =	vld [tilespmem:s3+$0xFFFFFF30];
	[tilespmem:s15+$0xFFFFFFA0] =	vst v0  }
.Ltmp0:
0xc5: {  	v3 =	vld [tilespmem:s3+$0xFFFFFFB0];
	v2 =	vadd.f32 v8, v5;
	(pc) =	sbr.rel @p1 .LBB2_3-.Ltmp0, $4  }
0xc6: {  	v0 =	vld [tilespmem:s15+$0x30];
	v5 =	vadd.f32 v4, v6  }
0xc7: {  	[tilespmem:s15+$0x20] =	vst v2;
	v2 =	vld [tilespmem:s15+$0xB0]  }
0xc8: {  	v4 =	vld [tilespmem:s3+$0x30];
	[tilespmem:s15+$0xA0] =	vst v5  }
0xc9: {  	s15 =	sadd.s32 $0x280, s15;
	v6 =	vadd.f32 v9, v7;
	v5 =	vld [tilespmem:s3+$0xB0]  }
0xca: {  	_ =	sdelay $0x1  }
0xcb: {  	v1 =	vadd.f32 v3, v1  }
0xcc: {  	s3 =	sadd.s32 s6, s2;
	[tilespmem:s0+$0xFFFFFF30] =	vst v6;
	v0 =	vadd.f32 v4, v0  }
0xcd: {  	s3 =	smul.u32 $0xC80, s3;
	[tilespmem:s0+$0xFFFFFFB0] =	vst v1;
	v1 =	vadd.f32 v5, v2  }
0xce: {  	[tilespmem:s0+$0x30] =	vst v0  }
0xcf: {  	s3 =	sadd.s32 s4, s3;
	[tilespmem:s0+$0xB0] =	vst v1;
	s0 =	simm.s32 @!p0 $0x6  }
0xd0: {  	[hbm4b:s3+s5] =	stream.linear.scatter [tilespmem:s14], [sflag:$0x4], $0x6400, $0x38;
	[tilespmem:$0x1B000] =	vst v63  }
0xd1: {  	s2 =	sadd.s32 $0x2, s2;
	_ =	swait.ge @!p0 [sflag:s0], $0x6400  }
0xd2: {  	s11 =	sshll.u32 s2, $0x8;
	[sflag:s0] =	ssyncset.done @!p0 $0x0  }
0xd3: {  	s15 =	sand.u32 $0x3FFFFF00, s11;
	[sflag:s0] =	ssyncadd.s32 @!p0 $0xFFFF9C00  }
0xd4: {  	[tilespmem:s20], [sflag:$0x3] =	stream.indirect.gather [hbm4b:s1+s13], $0x80, s15, s13, $0xb8;
	[tilespmem:$0x1B000] =	vst v63  }
0xd5: {  	s0 =	sor.u32 $0x80, s15  }
0xd6: {  	[tilespmem:s21], [sflag:$0x3] =	stream.indirect.gather [hbm4b:s1+s13], $0x80, s0, s13, $0xb8;
	[tilespmem:$0x1B000] =	vst v63  }
0xd7: {  	_ =	swait.ge [sflag:s22], $0x3200  }
0xd8: {  	[sflag:s22] =	ssyncset.done $0x0  }
0xd9: {  	[sflag:s22] =	ssyncadd.s32 $0xFFFFCE00  }
0xda: {  	_ =	swait.ge [sflag:s22], $0x3200  }
0xdb: {  	[sflag:s22] =	ssyncset.done $0x0  }
0xdc: {  	s0 =	simm.s32 $0x8540;
	[sflag:s22] =	ssyncadd.s32 $0xFFFFCE00  }
0xdd: {  	s3 =	simm.s32 $0x14D40;
	v0 =	vld [tilespmem:s0+$0xC0]  }
0xde: {  	v1 =	vld [tilespmem:s3+$0xC0];
	_ =	sdelay $0x1  }
0xdf: {  	v3 =	vld [tilespmem:s0+$0xFFFFFF40]  }
0xe0: {  	v4 =	vld [tilespmem:s3+$0xFFFFFF40]  }
0xe1: {  	v5 =	vld [tilespmem:s0+$0xFFFFFFC0]  }
0xe2: {  	v6 =	vld [tilespmem:s3+$0xFFFFFFC0];
	v0 =	vadd.f32 v1, v0  }
0xe3: {  	v1 =	vld [tilespmem:s3+$0xFFFFFEC0]  }
0xe4: {  	[tilespmem:s0+$0xC0] =	vst v0;
	v0 =	vld [tilespmem:s0+$0xD0]  }
0xe5: {  	v2 =	vld [tilespmem:s3+$0xD0]  }
0xe6: {  	v3 =	vadd.f32 v4, v3;
	v4 =	vld [tilespmem:s0+$0xFFFFFEC0]  }
0xe7: {  	v7 =	vld [tilespmem:s0+$0x40]  }
0xe8: {  	v8 =	vld [tilespmem:s0+$0xFFFFFED0];
	[tilespmem:s0+$0xFFFFFF40] =	vst v3  }
0xe9: {  	v3 =	vadd.f32 v6, v5;
	v6 =	vld [tilespmem:s3+$0xFFFFFF50]  }
0xea: {  	v0 =	vadd.f32 v2, v0;
	v2 =	vld [tilespmem:s3+$0x40]  }
0xeb: {  	v1 =	vadd.f32 v1, v4;
	v4 =	vld [tilespmem:s0+$0xFFFFFF50]  }
0xec: {  	[tilespmem:s0+$0xD0] =	vst v0;
	v0 =	vld [tilespmem:s0+$0xE0]  }
0xed: {  	v5 =	vld [tilespmem:s3+$0xE0]  }
0xee: {  	v9 =	vld [tilespmem:s0+$0xFFFFFEE0]  }
0xef: {  	v62 =	vld [tilespmem:s0+$0xFFFFFF20];
	[tilespmem:s0+$0xFFFFFFC0] =	vst v3;
	v2 =	vadd.f32 v2, v7  }
0xf0: {  	v3 =	vld [tilespmem:s3+$0xFFFFFFD0];
	[tilespmem:s0+$0xFFFFFEC0] =	vst v1  }
0xf1: {  	v4 =	vadd.f32 v6, v4;
	[tilespmem:s0+$0x40] =	vst v2;
	v2 =	vld [tilespmem:s3+$0xFFFFFED0]  }
0xf2: {  	v0 =	vadd.f32 v5, v0;
	v5 =	vld [tilespmem:s0+$0xFFFFFFD0]  }
0xf3: {  	[tilespmem:s0+$0xFFFFFF50] =	vst v4;
	v7 =	vld [tilespmem:s0+$0x50]  }
0xf4: {  	v4 =	vld [tilespmem:s3+$0xFFFFFF60]  }
0xf5: {  	[tilespmem:s0+$0xE0] =	vst v0;
	v0 =	vld [tilespmem:s0+$0xF0]  }
0xf6: {  	v6 =	vld [tilespmem:s3+$0xF0];
	v2 =	vadd.f32 v2, v8  }
0xf7: {  	v1 =	vld [tilespmem:s3+$0x50];
	v3 =	vadd.f32 v3, v5  }
0xf8: {  	[tilespmem:s0+$0xFFFFFED0] =	vst v2;
	v2 =	vld [tilespmem:s0+$0xFFFFFF60]  }
0xf9: {  	v5 =	vld [tilespmem:s3+$0xFFFFFEE0];
	[tilespmem:s0+$0xFFFFFFD0] =	vst v3  }
0xfa: {  	v3 =	vld [tilespmem:s3+$0xFFFFFFE0]  }
0xfb: {  	v0 =	vadd.f32 v6, v0;
	v6 =	vld [tilespmem:s0+$0xFFFFFFE0]  }
0xfc: {  	v1 =	vadd.f32 v1, v7;
	v7 =	vld [tilespmem:s0+$0x60]  }
0xfd: {  	[tilespmem:s0+$0xF0] =	vst v0;
	v0 =	vld [tilespmem:s0+$0x100]  }
0xfe: {  	[tilespmem:s0+$0x50] =	vst v1;
	v1 =	vadd.f32 v4, v2;
	v2 =	vld [tilespmem:s3+$0x100]  }
0xff: {  	v4 =	vld [tilespmem:s3+$0x60];
	v5 =	vadd.f32 v5, v9  }
0x100: {  	[tilespmem:s0+$0xFFFFFF60] =	vst v1;
	v3 =	vadd.f32 v3, v6;
	v6 =	vld [tilespmem:s0+$0xFFFFFEF0]  }
0x101: {  	[tilespmem:s0+$0xFFFFFEE0] =	vst v5;
	v1 =	vld [tilespmem:s3+$0xFFFFFF70]  }
0x102: {  	v5 =	vld [tilespmem:s3+$0xFFFFFEF0]  }
0x103: {  	v0 =	vadd.f32 v2, v0;
	v2 =	vld [tilespmem:s0+$0xFFFFFF70]  }
0x104: {  	v8 =	vld [tilespmem:s0+$0xFFFFFF80];
	[tilespmem:s0+$0xFFFFFFE0] =	vst v3;
	v3 =	vadd.f32 v4, v7  }
0x105: {  	[tilespmem:s0+$0x100] =	vst v0;
	v0 =	vld [tilespmem:s0+$0x110]  }
0x106: {  	[tilespmem:s0+$0x60] =	vst v3;
	v3 =	vld [tilespmem:s3+$0x110]  }
0x107: {  	v4 =	vld [tilespmem:s3+$0xFFFFFFF0]  }
0x108: {  	v5 =	vadd.f32 v5, v6;
	v1 =	vadd.f32 v1, v2;
	v2 =	vld [tilespmem:s0+$0xFFFFFFF0]  }
0x109: {  	v7 =	vld [tilespmem:s3+$0x70]  }
0x10a: {  	[tilespmem:s0+$0xFFFFFEF0] =	vst v5;
	v5 =	vld [tilespmem:s0+$0x70]  }
0x10b: {  	v6 =	vld [tilespmem:s3+$0xFFFFFF00];
	v0 =	vadd.f32 v3, v0  }
0x10c: {  	[tilespmem:s0+$0xFFFFFF70] =	vst v1;
	v3 =	vld [tilespmem:s0+$0xFFFFFF00]  }
0x10d: {  	v1 =	vld [tilespmem:s3+$0xFFFFFF80];
	[tilespmem:s0+$0x110] =	vst v0;
	v0 =	vadd.f32 v4, v2  }
0x10e: {  	v2 =	vld [tilespmem:s0+$0x120]  }
0x10f: {  	v4 =	vadd.f32 v7, v5;
	v5 =	vld [tilespmem:s3+$0x120];
	[tilespmem:s0+$0xFFFFFFF0] =	vst v0  }
0x110: {  	v0 =	vld [tilespmem:s3+$0x0]  }
0x111: {  	[tilespmem:s0+$0x70] =	vst v4;
	v3 =	vadd.f32 v6, v3;
	v6 =	vld [tilespmem:s0+$0x0]  }
0x112: {  	v4 =	vld [tilespmem:s3+$0x80]  }
0x113: {  	[tilespmem:s0+$0xFFFFFF00] =	vst v3;
	v3 =	vld [tilespmem:s0+$0x80]  }
0x114: {  	v7 =	vld [tilespmem:s0+$0xFFFFFF10];
	v1 =	vadd.f32 v1, v8  }
0x115: {  	v8 =	vld [tilespmem:s0+$0x10]  }
0x116: {  	[tilespmem:s0+$0xFFFFFF80] =	vst v1;
	v2 =	vadd.f32 v5, v2;
	v5 =	vld [tilespmem:s3+$0xFFFFFF10]  }
0x117: {  	v1 =	vld [tilespmem:s3+$0xFFFFFF90];
	v0 =	vadd.f32 v0, v6  }
0x118: {  	[tilespmem:s0+$0x120] =	vst v2;
	v3 =	vadd.f32 v4, v3;
	v4 =	vld [tilespmem:s0+$0xFFFFFF90]  }
0x119: {  	v2 =	vld [tilespmem:s0+$0x130];
	[tilespmem:s0+$0x0] =	vst v0  }
0x11a: {  	v0 =	vld [tilespmem:s3+$0x10]  }
0x11b: {  	v5 =	vadd.f32 v5, v7;
	v7 =	vld [tilespmem:s0+$0x90];
	[tilespmem:s0+$0x80] =	vst v3  }
0x11c: {  	v3 =	vld [tilespmem:s3+$0x90]  }
0x11d: {  	v6 =	vld [tilespmem:s3+$0x130];
	[tilespmem:s0+$0xFFFFFF10] =	vst v5;
	v1 =	vadd.f32 v1, v4  }
0x11e: {  	v5 =	vld [tilespmem:s3+$0xFFFFFF20]  }
0x11f: {  	v4 =	vld [tilespmem:s0+$0xFFFFFFA0];
	[tilespmem:s0+$0xFFFFFF90] =	vst v1  }
0x120: {  	v0 =	vadd.f32 v0, v8;
	v1 =	vld [tilespmem:s3+$0xFFFFFFA0]  }
0x121: {  	v8 =	vld [tilespmem:s0+$0x20];
	v3 =	vadd.f32 v3, v7  }
0x122: {  	[tilespmem:s0+$0x10] =	vst v0;
	v7 =	vld [tilespmem:s0+$0xA0]  }
0x123: {  	v0 =	vld [tilespmem:s3+$0x20];
	[tilespmem:s0+$0x90] =	vst v3  }
0x124: {  	v3 =	vadd.f32 v5, v62;
	v5 =	vld [tilespmem:s3+$0xA0]  }
0x125: {  	v63 =	vld [tilespmem:s0+$0xFFFFFF30];
	v4 =	vadd.f32 v1, v4  }
0x126: {  	[tilespmem:s0+$0xFFFFFF20] =	vst v3;
	v1 =	vld [tilespmem:s0+$0xFFFFFFB0]  }
0x127: {  	v10 =	vld [tilespmem:s3+$0xFFFFFF30];
	[tilespmem:s0+$0xFFFFFFA0] =	vst v4  }
0x128: {  	v4 =	vadd.f32 v0, v8;
	v3 =	vld [tilespmem:s3+$0xFFFFFFB0]  }
0x129: {  	v6 =	vadd.f32 v6, v2;
	v2 =	vld [tilespmem:s0+$0xB0];
	v5 =	vadd.f32 v5, v7  }
0x12a: {  	v0 =	vld [tilespmem:s0+$0x30];
	[tilespmem:s0+$0x20] =	vst v4  }
0x12b: {  	v4 =	vld [tilespmem:s3+$0x30];
	[tilespmem:s0+$0xA0] =	vst v5  }
0x12c: {  	s11 =	simm.s32 $0x0;
	s15 =	simm.s32 $0x87C0;
	[tilespmem:s0+$0x130] =	vst v6;
	v6 =	vadd.f32 v10, v63;
	v5 =	vld [tilespmem:s3+$0xB0]  }
.LBB2_5:
0x12d: {  	v7 =	vld [tilespmem:s15+$0xC0];
	v1 =	vadd.f32 v3, v1;
	s3 =	sadd.s32 $0x280, s3  }
0x12e: {  	s11 =	sadd.s32 $0x5, s11;
	v3 =	vld [tilespmem:s3+$0xC0];
	[tilespmem:s0+$0xFFFFFF30] =	vst v6  }
0x12f: {  	p0 =	slt.u32 s11, $0xC3;
	v6 =	vld [tilespmem:s3+$0xFFFFFEC0];
	[tilespmem:s0+$0xFFFFFFB0] =	vst v1  }
0x130: {  	v1 =	vld [tilespmem:s15+$0xFFFFFF40];
	v0 =	vadd.f32 v4, v0  }
0x131: {  	v4 =	vld [tilespmem:s3+$0xFFFFFF40];
	v2 =	vadd.f32 v5, v2  }
0x132: {  	v5 =	vld [tilespmem:s15+$0xFFFFFFC0];
	[tilespmem:s0+$0x30] =	vst v0  }
0x133: {  	v0 =	vld [tilespmem:s3+$0xFFFFFFC0];
	v3 =	vadd.f32 v3, v7;
	[tilespmem:s0+$0xB0] =	vst v2;
	s0 =	smov.u32 s15  }
0x134: {  	v2 =	vld [tilespmem:s15+$0x40]  }
0x135: {  	[tilespmem:s15+$0xC0] =	vst v3;
	v3 =	vld [tilespmem:s15+$0xD0]  }
0x136: {  	v1 =	vadd.f32 v4, v1;
	v4 =	vld [tilespmem:s3+$0xD0]  }
0x137: {  	v7 =	vld [tilespmem:s3+$0x40]  }
0x138: {  	v8 =	vld [tilespmem:s15+$0xFFFFFEC0];
	[tilespmem:s15+$0xFFFFFF40] =	vst v1;
	v0 =	vadd.f32 v0, v5  }
0x139: {  	v1 =	vld [tilespmem:s3+$0xFFFFFF50]  }
0x13a: {  	v5 =	vld [tilespmem:s15+$0xFFFFFED0];
	[tilespmem:s15+$0xFFFFFFC0] =	vst v0  }
0x13b: {  	v0 =	vld [tilespmem:s3+$0xFFFFFFD0];
	v3 =	vadd.f32 v4, v3  }
0x13c: {  	v4 =	vld [tilespmem:s15+$0xFFFFFF50];
	v2 =	vadd.f32 v7, v2  }
0x13d: {  	v6 =	vadd.f32 v6, v8;
	[tilespmem:s15+$0xD0] =	vst v3;
	v3 =	vld [tilespmem:s15+$0xE0]  }
0x13e: {  	[tilespmem:s15+$0x40] =	vst v2;
	v2 =	vld [tilespmem:s3+$0xE0]  }
0x13f: {  	[tilespmem:s15+$0xFFFFFEC0] =	vst v6;
	v6 =	vld [tilespmem:s3+$0x50]  }
0x140: {  	v7 =	vld [tilespmem:s3+$0xFFFFFED0]  }
0x141: {  	v1 =	vadd.f32 v1, v4;
	v4 =	vld [tilespmem:s15+$0xFFFFFFD0]  }
0x142: {  	v8 =	vld [tilespmem:s15+$0x50]  }
0x143: {  	v9 =	vld [tilespmem:s15+$0xFFFFFEE0];
	[tilespmem:s15+$0xFFFFFF50] =	vst v1;
	v1 =	vadd.f32 v2, v3  }
0x144: {  	v2 =	vld [tilespmem:s3+$0xFFFFFF60]  }
0x145: {  	v3 =	vadd.f32 v7, v5;
	[tilespmem:s15+$0xE0] =	vst v1;
	v1 =	vld [tilespmem:s15+$0xF0]  }
0x146: {  	v0 =	vadd.f32 v0, v4;
	v4 =	vld [tilespmem:s3+$0xF0]  }
0x147: {  	[tilespmem:s15+$0xFFFFFED0] =	vst v3;
	v3 =	vld [tilespmem:s15+$0xFFFFFF60];
	v5 =	vadd.f32 v6, v8  }
0x148: {  	v6 =	vld [tilespmem:s3+$0xFFFFFEE0];
	[tilespmem:s15+$0xFFFFFFD0] =	vst v0  }
0x149: {  	v0 =	vld [tilespmem:s3+$0xFFFFFFE0];
	[tilespmem:s15+$0x50] =	vst v5  }
0x14a: {  	v5 =	vld [tilespmem:s3+$0x60]  }
0x14b: {  	v7 =	vld [tilespmem:s15+$0xFFFFFFE0];
	v1 =	vadd.f32 v4, v1  }
0x14c: {  	v2 =	vadd.f32 v2, v3;
	v3 =	vld [tilespmem:s15+$0x60]  }
0x14d: {  	v4 =	vadd.f32 v6, v9;
	[tilespmem:s15+$0xF0] =	vst v1;
	v1 =	vld [tilespmem:s15+$0x100]  }
0x14e: {  	[tilespmem:s15+$0xFFFFFF60] =	vst v2;
	v2 =	vld [tilespmem:s3+$0x100]  }
0x14f: {  	[tilespmem:s15+$0xFFFFFEE0] =	vst v4;
	v4 =	vld [tilespmem:s3+$0xFFFFFF70]  }
0x150: {  	v6 =	vld [tilespmem:s3+$0xFFFFFEF0];
	v0 =	vadd.f32 v0, v7  }
0x151: {  	v7 =	vld [tilespmem:s15+$0xFFFFFEF0];
	v3 =	vadd.f32 v5, v3  }
0x152: {  	v5 =	vld [tilespmem:s15+$0xFFFFFF70];
	[tilespmem:s15+$0xFFFFFFE0] =	vst v0  }
0x153: {  	v0 =	vld [tilespmem:s3+$0xFFFFFFF0];
	[tilespmem:s15+$0x60] =	vst v3;
	v1 =	vadd.f32 v2, v1  }
0x154: {  	v2 =	vld [tilespmem:s3+$0x70]  }
0x155: {  	[tilespmem:s15+$0x100] =	vst v1;
	v1 =	vld [tilespmem:s15+$0x110]  }
0x156: {  	v3 =	vadd.f32 v6, v7;
	v6 =	vld [tilespmem:s3+$0x110]  }
0x157: {  	v4 =	vadd.f32 v4, v5;
	v5 =	vld [tilespmem:s15+$0xFFFFFFF0]  }
0x158: {  	[tilespmem:s15+$0xFFFFFEF0] =	vst v3;
	v3 =	vld [tilespmem:s15+$0x70]  }
0x159: {  	v7 =	vld [tilespmem:s3+$0xFFFFFF00];
	[tilespmem:s15+$0xFFFFFF70] =	vst v4  }
0x15a: {  	v4 =	vld [tilespmem:s3+$0xFFFFFF80]  }
0x15b: {  	v8 =	vld [tilespmem:s15+$0xFFFFFF00];
	v1 =	vadd.f32 v6, v1  }
0x15c: {  	v6 =	vld [tilespmem:s15+$0xFFFFFF80];
	v0 =	vadd.f32 v0, v5  }
0x15d: {  	v2 =	vadd.f32 v2, v3;
	[tilespmem:s15+$0x110] =	vst v1;
	v1 =	vld [tilespmem:s15+$0x120]  }
0x15e: {  	[tilespmem:s15+$0xFFFFFFF0] =	vst v0;
	v0 =	vld [tilespmem:s3+$0x120]  }
0x15f: {  	v3 =	vld [tilespmem:s3+$0x0];
	[tilespmem:s15+$0x70] =	vst v2  }
0x160: {  	v2 =	vadd.f32 v7, v8;
	v5 =	vld [tilespmem:s3+$0x80]  }
0x161: {  	v4 =	vadd.f32 v4, v6;
	v6 =	vld [tilespmem:s15+$0x0]  }
0x162: {  	[tilespmem:s15+$0xFFFFFF00] =	vst v2;
	v2 =	vld [tilespmem:s15+$0x80]  }
0x163: {  	v7 =	vld [tilespmem:s3+$0xFFFFFF10];
	[tilespmem:s15+$0xFFFFFF80] =	vst v4;
	v0 =	vadd.f32 v0, v1  }
0x164: {  	v1 =	vld [tilespmem:s3+$0xFFFFFF90]  }
0x165: {  	[tilespmem:s15+$0x120] =	vst v0;
	v0 =	vld [tilespmem:s15+$0x130]  }
0x166: {  	v3 =	vadd.f32 v3, v6;
	v4 =	vld [tilespmem:s3+$0x130]  }
0x167: {  	v6 =	vld [tilespmem:s15+$0xFFFFFF10];
	v2 =	vadd.f32 v5, v2  }
0x168: {  	v5 =	vld [tilespmem:s15+$0xFFFFFF90];
	[tilespmem:s15+$0x0] =	vst v3  }
0x169: {  	v3 =	vld [tilespmem:s3+$0x10];
	[tilespmem:s15+$0x80] =	vst v2  }
0x16a: {  	v2 =	vld [tilespmem:s3+$0x90]  }
0x16b: {  	v8 =	vld [tilespmem:s15+$0x10];
	v0 =	vadd.f32 v4, v0  }
0x16c: {  	v4 =	vadd.f32 v7, v6;
	v6 =	vld [tilespmem:s15+$0x90]  }
0x16d: {  	v7 =	vld [tilespmem:s15+$0xFFFFFF20];
	v1 =	vadd.f32 v1, v5;
	[tilespmem:s15+$0x130] =	vst v0  }
0x16e: {  	[tilespmem:s15+$0xFFFFFF10] =	vst v4;
	v0 =	vld [tilespmem:s15+$0xFFFFFFA0]  }
0x16f: {  	v4 =	vld [tilespmem:s3+$0xFFFFFF20];
	[tilespmem:s15+$0xFFFFFF90] =	vst v1  }
0x170: {  	v1 =	vld [tilespmem:s3+$0xFFFFFFA0];
	v3 =	vadd.f32 v3, v8  }
0x171: {  	v5 =	vld [tilespmem:s15+$0x20];
	v2 =	vadd.f32 v2, v6  }
0x172: {  	[tilespmem:s15+$0x10] =	vst v3;
	v6 =	vld [tilespmem:s15+$0xA0]  }
0x173: {  	v8 =	vld [tilespmem:s3+$0x20];
	[tilespmem:s15+$0x90] =	vst v2  }
0x174: {  	v2 =	vadd.f32 v4, v7;
	v4 =	vld [tilespmem:s3+$0xA0]  }
0x175: {  	v7 =	vld [tilespmem:s15+$0xFFFFFF30];
	v0 =	vadd.f32 v1, v0  }
0x176: {  	[tilespmem:s15+$0xFFFFFF20] =	vst v2;
	v1 =	vld [tilespmem:s15+$0xFFFFFFB0]  }
0x177: {  	v9 =	vld [tilespmem:s3+$0xFFFFFF30];
	[tilespmem:s15+$0xFFFFFFA0] =	vst v0  }
.Ltmp1:
0x178: {  	v3 =	vld [tilespmem:s3+$0xFFFFFFB0];
	v2 =	vadd.f32 v8, v5;
	(pc) =	sbr.rel @p0 .LBB2_5-.Ltmp1, $4  }
0x179: {  	v0 =	vld [tilespmem:s15+$0x30];
	v5 =	vadd.f32 v4, v6  }
0x17a: {  	[tilespmem:s15+$0x20] =	vst v2;
	v2 =	vld [tilespmem:s15+$0xB0]  }
0x17b: {  	v4 =	vld [tilespmem:s3+$0x30];
	[tilespmem:s15+$0xA0] =	vst v5  }
0x17c: {  	s15 =	sadd.s32 $0x280, s15;
	v6 =	vadd.f32 v9, v7;
	v5 =	vld [tilespmem:s3+$0xB0]  }
0x17d: {  	_ =	sdelay $0x1  }
0x17e: {  	v1 =	vadd.f32 v3, v1  }
0x17f: {  	s3 =	sadd.s32 s6, s31;
	[tilespmem:s0+$0xFFFFFF30] =	vst v6;
	v0 =	vadd.f32 v4, v0  }
0x180: {  	s3 =	smul.u32 $0xC80, s3;
	[tilespmem:s0+$0xFFFFFFB0] =	vst v1;
	v1 =	vadd.f32 v5, v2  }
0x181: {  	[tilespmem:s0+$0x30] =	vst v0  }
0x182: {  	s15 =	smul.u32 $0xC00, s30;
	s11 =	sadd.s32 s4, s3;
	[tilespmem:s0+$0xB0] =	vst v1  }
0x183: {  	[hbm4b:s11+s5] =	stream.linear.scatter [tilespmem:s18], [sflag:$0x5], $0x6400, $0x38;
	[tilespmem:$0x1B000] =	vst v63  }
0x184: {  	_ =	swait.ge [sflag:s17], $0x6400  }
0x185: {  	s0 =	sshra.s32 s15, $0x2;
	[sflag:s17] =	ssyncset.done $0x0  }
0x186: {  	s31 =	sadd.s32 $0x300, s0;
	[sflag:s17] =	ssyncadd.s32 $0xFFFF9C00  }
0x187: {  	[tilespmem:s14], [sflag:$0x1] =	stream.indirect.gather [hbm4b:s1+s13], $0x80, s31, s13, $0xb8;
	[tilespmem:$0x1B000] =	vst v63  }
0x188: {  	s0 =	sadd.s32 $0x380, s0  }
0x189: {  	[tilespmem:s16], [sflag:$0x1] =	stream.indirect.gather [hbm4b:s1+s13], $0x80, s0, s13, $0xb8;
	[tilespmem:$0x1B000] =	vst v63  }
0x18a: {  	_ =	swait.ge [sflag:s23], $0x3200  }
0x18b: {  	[sflag:s23] =	ssyncset.done $0x0  }
0x18c: {  	[sflag:s23] =	ssyncadd.s32 $0xFFFFCE00  }
0x18d: {  	_ =	swait.ge [sflag:s23], $0x3200  }
0x18e: {  	[sflag:s23] =	ssyncset.done $0x0  }
0x18f: {  	s0 =	simm.s32 $0xE940;
	[sflag:s23] =	ssyncadd.s32 $0xFFFFCE00  }
0x190: {  	s3 =	simm.s32 $0x14D40;
	v0 =	vld [tilespmem:s0+$0xC0]  }
0x191: {  	v1 =	vld [tilespmem:s3+$0xC0];
	_ =	sdelay $0x1  }
0x192: {  	v3 =	vld [tilespmem:s0+$0xFFFFFF40]  }
0x193: {  	v4 =	vld [tilespmem:s3+$0xFFFFFF40]  }
0x194: {  	v5 =	vld [tilespmem:s0+$0xFFFFFFC0]  }
0x195: {  	v6 =	vld [tilespmem:s3+$0xFFFFFFC0];
	v0 =	vadd.f32 v1, v0  }
0x196: {  	v1 =	vld [tilespmem:s3+$0xFFFFFEC0]  }
0x197: {  	[tilespmem:s0+$0xC0] =	vst v0;
	v0 =	vld [tilespmem:s0+$0xD0]  }
0x198: {  	v2 =	vld [tilespmem:s3+$0xD0]  }
0x199: {  	v3 =	vadd.f32 v4, v3;
	v4 =	vld [tilespmem:s0+$0xFFFFFEC0]  }
0x19a: {  	v7 =	vld [tilespmem:s0+$0x40]  }
0x19b: {  	v8 =	vld [tilespmem:s0+$0xFFFFFED0];
	[tilespmem:s0+$0xFFFFFF40] =	vst v3  }
0x19c: {  	v3 =	vadd.f32 v6, v5;
	v6 =	vld [tilespmem:s3+$0xFFFFFF50]  }
0x19d: {  	v0 =	vadd.f32 v2, v0;
	v2 =	vld [tilespmem:s3+$0x40]  }
0x19e: {  	v1 =	vadd.f32 v1, v4;
	v4 =	vld [tilespmem:s0+$0xFFFFFF50]  }
0x19f: {  	[tilespmem:s0+$0xD0] =	vst v0;
	v0 =	vld [tilespmem:s0+$0xE0]  }
0x1a0: {  	v5 =	vld [tilespmem:s3+$0xE0]  }
0x1a1: {  	v9 =	vld [tilespmem:s0+$0xFFFFFEE0]  }
0x1a2: {  	v62 =	vld [tilespmem:s0+$0xFFFFFF20];
	[tilespmem:s0+$0xFFFFFFC0] =	vst v3;
	v2 =	vadd.f32 v2, v7  }
0x1a3: {  	v3 =	vld [tilespmem:s3+$0xFFFFFFD0];
	[tilespmem:s0+$0xFFFFFEC0] =	vst v1  }
0x1a4: {  	v4 =	vadd.f32 v6, v4;
	[tilespmem:s0+$0x40] =	vst v2;
	v2 =	vld [tilespmem:s3+$0xFFFFFED0]  }
0x1a5: {  	v0 =	vadd.f32 v5, v0;
	v5 =	vld [tilespmem:s0+$0xFFFFFFD0]  }
0x1a6: {  	[tilespmem:s0+$0xFFFFFF50] =	vst v4;
	v7 =	vld [tilespmem:s0+$0x50]  }
0x1a7: {  	v4 =	vld [tilespmem:s3+$0xFFFFFF60]  }
0x1a8: {  	[tilespmem:s0+$0xE0] =	vst v0;
	v0 =	vld [tilespmem:s0+$0xF0]  }
0x1a9: {  	v6 =	vld [tilespmem:s3+$0xF0];
	v2 =	vadd.f32 v2, v8  }
0x1aa: {  	v1 =	vld [tilespmem:s3+$0x50];
	v3 =	vadd.f32 v3, v5  }
0x1ab: {  	[tilespmem:s0+$0xFFFFFED0] =	vst v2;
	v2 =	vld [tilespmem:s0+$0xFFFFFF60]  }
0x1ac: {  	v5 =	vld [tilespmem:s3+$0xFFFFFEE0];
	[tilespmem:s0+$0xFFFFFFD0] =	vst v3  }
0x1ad: {  	v3 =	vld [tilespmem:s3+$0xFFFFFFE0]  }
0x1ae: {  	v0 =	vadd.f32 v6, v0;
	v6 =	vld [tilespmem:s0+$0xFFFFFFE0]  }
0x1af: {  	v1 =	vadd.f32 v1, v7;
	v7 =	vld [tilespmem:s0+$0x60]  }
0x1b0: {  	[tilespmem:s0+$0xF0] =	vst v0;
	v0 =	vld [tilespmem:s0+$0x100]  }
0x1b1: {  	[tilespmem:s0+$0x50] =	vst v1;
	v1 =	vadd.f32 v4, v2;
	v2 =	vld [tilespmem:s3+$0x100]  }
0x1b2: {  	v4 =	vld [tilespmem:s3+$0x60];
	v5 =	vadd.f32 v5, v9  }
0x1b3: {  	[tilespmem:s0+$0xFFFFFF60] =	vst v1;
	v3 =	vadd.f32 v3, v6;
	v6 =	vld [tilespmem:s0+$0xFFFFFEF0]  }
0x1b4: {  	[tilespmem:s0+$0xFFFFFEE0] =	vst v5;
	v1 =	vld [tilespmem:s3+$0xFFFFFF70]  }
0x1b5: {  	v5 =	vld [tilespmem:s3+$0xFFFFFEF0]  }
0x1b6: {  	v0 =	vadd.f32 v2, v0;
	v2 =	vld [tilespmem:s0+$0xFFFFFF70]  }
0x1b7: {  	v8 =	vld [tilespmem:s0+$0xFFFFFF80];
	[tilespmem:s0+$0xFFFFFFE0] =	vst v3;
	v3 =	vadd.f32 v4, v7  }
0x1b8: {  	[tilespmem:s0+$0x100] =	vst v0;
	v0 =	vld [tilespmem:s0+$0x110]  }
0x1b9: {  	[tilespmem:s0+$0x60] =	vst v3;
	v3 =	vld [tilespmem:s3+$0x110]  }
0x1ba: {  	v4 =	vld [tilespmem:s3+$0xFFFFFFF0]  }
0x1bb: {  	v5 =	vadd.f32 v5, v6;
	v1 =	vadd.f32 v1, v2;
	v2 =	vld [tilespmem:s0+$0xFFFFFFF0]  }
0x1bc: {  	v7 =	vld [tilespmem:s3+$0x70]  }
0x1bd: {  	[tilespmem:s0+$0xFFFFFEF0] =	vst v5;
	v5 =	vld [tilespmem:s0+$0x70]  }
0x1be: {  	v6 =	vld [tilespmem:s3+$0xFFFFFF00];
	v0 =	vadd.f32 v3, v0  }
0x1bf: {  	[tilespmem:s0+$0xFFFFFF70] =	vst v1;
	v3 =	vld [tilespmem:s0+$0xFFFFFF00]  }
0x1c0: {  	v1 =	vld [tilespmem:s3+$0xFFFFFF80];
	[tilespmem:s0+$0x110] =	vst v0;
	v0 =	vadd.f32 v4, v2  }
0x1c1: {  	v2 =	vld [tilespmem:s0+$0x120]  }
0x1c2: {  	v4 =	vadd.f32 v7, v5;
	v5 =	vld [tilespmem:s3+$0x120];
	[tilespmem:s0+$0xFFFFFFF0] =	vst v0  }
0x1c3: {  	v0 =	vld [tilespmem:s3+$0x0]  }
0x1c4: {  	[tilespmem:s0+$0x70] =	vst v4;
	v3 =	vadd.f32 v6, v3;
	v6 =	vld [tilespmem:s0+$0x0]  }
0x1c5: {  	v4 =	vld [tilespmem:s3+$0x80]  }
0x1c6: {  	[tilespmem:s0+$0xFFFFFF00] =	vst v3;
	v3 =	vld [tilespmem:s0+$0x80]  }
0x1c7: {  	v7 =	vld [tilespmem:s0+$0xFFFFFF10];
	v1 =	vadd.f32 v1, v8  }
0x1c8: {  	v8 =	vld [tilespmem:s0+$0x10]  }
0x1c9: {  	[tilespmem:s0+$0xFFFFFF80] =	vst v1;
	v2 =	vadd.f32 v5, v2;
	v5 =	vld [tilespmem:s3+$0xFFFFFF10]  }
0x1ca: {  	v1 =	vld [tilespmem:s3+$0xFFFFFF90];
	v0 =	vadd.f32 v0, v6  }
0x1cb: {  	[tilespmem:s0+$0x120] =	vst v2;
	v3 =	vadd.f32 v4, v3;
	v4 =	vld [tilespmem:s0+$0xFFFFFF90]  }
0x1cc: {  	v2 =	vld [tilespmem:s0+$0x130];
	[tilespmem:s0+$0x0] =	vst v0  }
0x1cd: {  	v0 =	vld [tilespmem:s3+$0x10]  }
0x1ce: {  	v5 =	vadd.f32 v5, v7;
	v7 =	vld [tilespmem:s0+$0x90];
	[tilespmem:s0+$0x80] =	vst v3  }
0x1cf: {  	v3 =	vld [tilespmem:s3+$0x90]  }
0x1d0: {  	v6 =	vld [tilespmem:s3+$0x130];
	[tilespmem:s0+$0xFFFFFF10] =	vst v5;
	v1 =	vadd.f32 v1, v4  }
0x1d1: {  	v5 =	vld [tilespmem:s3+$0xFFFFFF20]  }
0x1d2: {  	v4 =	vld [tilespmem:s0+$0xFFFFFFA0];
	[tilespmem:s0+$0xFFFFFF90] =	vst v1  }
0x1d3: {  	v0 =	vadd.f32 v0, v8;
	v1 =	vld [tilespmem:s3+$0xFFFFFFA0]  }
0x1d4: {  	v8 =	vld [tilespmem:s0+$0x20];
	v3 =	vadd.f32 v3, v7  }
0x1d5: {  	[tilespmem:s0+$0x10] =	vst v0;
	v7 =	vld [tilespmem:s0+$0xA0]  }
0x1d6: {  	v0 =	vld [tilespmem:s3+$0x20];
	[tilespmem:s0+$0x90] =	vst v3  }
0x1d7: {  	v3 =	vadd.f32 v5, v62;
	v5 =	vld [tilespmem:s3+$0xA0]  }
0x1d8: {  	v63 =	vld [tilespmem:s0+$0xFFFFFF30];
	v4 =	vadd.f32 v1, v4  }
0x1d9: {  	[tilespmem:s0+$0xFFFFFF20] =	vst v3;
	v1 =	vld [tilespmem:s0+$0xFFFFFFB0]  }
0x1da: {  	v10 =	vld [tilespmem:s3+$0xFFFFFF30];
	[tilespmem:s0+$0xFFFFFFA0] =	vst v4  }
0x1db: {  	v4 =	vadd.f32 v0, v8;
	v3 =	vld [tilespmem:s3+$0xFFFFFFB0]  }
0x1dc: {  	v6 =	vadd.f32 v6, v2;
	v2 =	vld [tilespmem:s0+$0xB0];
	v5 =	vadd.f32 v5, v7  }
0x1dd: {  	v0 =	vld [tilespmem:s0+$0x30];
	[tilespmem:s0+$0x20] =	vst v4  }
0x1de: {  	v4 =	vld [tilespmem:s3+$0x30];
	[tilespmem:s0+$0xA0] =	vst v5  }
0x1df: {  	s15 =	simm.s32 $0xEBC0;
	s11 =	simm.s32 $0x0;
	[tilespmem:s0+$0x130] =	vst v6;
	v6 =	vadd.f32 v10, v63;
	v5 =	vld [tilespmem:s3+$0xB0]  }
.LBB2_7:
0x1e0: {  	v7 =	vld [tilespmem:s15+$0xC0];
	v1 =	vadd.f32 v3, v1;
	s3 =	sadd.s32 $0x280, s3  }
0x1e1: {  	s11 =	sadd.s32 $0x5, s11;
	v3 =	vld [tilespmem:s3+$0xC0];
	[tilespmem:s0+$0xFFFFFF30] =	vst v6  }
0x1e2: {  	p0 =	slt.u32 s11, $0xC3;
	v6 =	vld [tilespmem:s3+$0xFFFFFEC0];
	[tilespmem:s0+$0xFFFFFFB0] =	vst v1  }
0x1e3: {  	v1 =	vld [tilespmem:s15+$0xFFFFFF40];
	v0 =	vadd.f32 v4, v0  }
0x1e4: {  	v4 =	vld [tilespmem:s3+$0xFFFFFF40];
	v2 =	vadd.f32 v5, v2  }
0x1e5: {  	v5 =	vld [tilespmem:s15+$0xFFFFFFC0];
	[tilespmem:s0+$0x30] =	vst v0  }
0x1e6: {  	v0 =	vld [tilespmem:s3+$0xFFFFFFC0];
	v3 =	vadd.f32 v3, v7;
	[tilespmem:s0+$0xB0] =	vst v2;
	s0 =	smov.u32 s15  }
0x1e7: {  	v2 =	vld [tilespmem:s15+$0x40]  }
0x1e8: {  	[tilespmem:s15+$0xC0] =	vst v3;
	v3 =	vld [tilespmem:s15+$0xD0]  }
0x1e9: {  	v1 =	vadd.f32 v4, v1;
	v4 =	vld [tilespmem:s3+$0xD0]  }
0x1ea: {  	v7 =	vld [tilespmem:s3+$0x40]  }
0x1eb: {  	v8 =	vld [tilespmem:s15+$0xFFFFFEC0];
	[tilespmem:s15+$0xFFFFFF40] =	vst v1;
	v0 =	vadd.f32 v0, v5  }
0x1ec: {  	v1 =	vld [tilespmem:s3+$0xFFFFFF50]  }
0x1ed: {  	v5 =	vld [tilespmem:s15+$0xFFFFFED0];
	[tilespmem:s15+$0xFFFFFFC0] =	vst v0  }
0x1ee: {  	v0 =	vld [tilespmem:s3+$0xFFFFFFD0];
	v3 =	vadd.f32 v4, v3  }
0x1ef: {  	v4 =	vld [tilespmem:s15+$0xFFFFFF50];
	v2 =	vadd.f32 v7, v2  }
0x1f0: {  	v6 =	vadd.f32 v6, v8;
	[tilespmem:s15+$0xD0] =	vst v3;
	v3 =	vld [tilespmem:s15+$0xE0]  }
0x1f1: {  	[tilespmem:s15+$0x40] =	vst v2;
	v2 =	vld [tilespmem:s3+$0xE0]  }
0x1f2: {  	[tilespmem:s15+$0xFFFFFEC0] =	vst v6;
	v6 =	vld [tilespmem:s3+$0x50]  }
0x1f3: {  	v7 =	vld [tilespmem:s3+$0xFFFFFED0]  }
0x1f4: {  	v1 =	vadd.f32 v1, v4;
	v4 =	vld [tilespmem:s15+$0xFFFFFFD0]  }
0x1f5: {  	v8 =	vld [tilespmem:s15+$0x50]  }
0x1f6: {  	v9 =	vld [tilespmem:s15+$0xFFFFFEE0];
	[tilespmem:s15+$0xFFFFFF50] =	vst v1;
	v1 =	vadd.f32 v2, v3  }
0x1f7: {  	v2 =	vld [tilespmem:s3+$0xFFFFFF60]  }
0x1f8: {  	v3 =	vadd.f32 v7, v5;
	[tilespmem:s15+$0xE0] =	vst v1;
	v1 =	vld [tilespmem:s15+$0xF0]  }
0x1f9: {  	v0 =	vadd.f32 v0, v4;
	v4 =	vld [tilespmem:s3+$0xF0]  }
0x1fa: {  	[tilespmem:s15+$0xFFFFFED0] =	vst v3;
	v3 =	vld [tilespmem:s15+$0xFFFFFF60];
	v5 =	vadd.f32 v6, v8  }
0x1fb: {  	v6 =	vld [tilespmem:s3+$0xFFFFFEE0];
	[tilespmem:s15+$0xFFFFFFD0] =	vst v0  }
0x1fc: {  	v0 =	vld [tilespmem:s3+$0xFFFFFFE0];
	[tilespmem:s15+$0x50] =	vst v5  }
0x1fd: {  	v5 =	vld [tilespmem:s3+$0x60]  }
0x1fe: {  	v7 =	vld [tilespmem:s15+$0xFFFFFFE0];
	v1 =	vadd.f32 v4, v1  }
0x1ff: {  	v2 =	vadd.f32 v2, v3;
	v3 =	vld [tilespmem:s15+$0x60]  }
0x200: {  	v4 =	vadd.f32 v6, v9;
	[tilespmem:s15+$0xF0] =	vst v1;
	v1 =	vld [tilespmem:s15+$0x100]  }
0x201: {  	[tilespmem:s15+$0xFFFFFF60] =	vst v2;
	v2 =	vld [tilespmem:s3+$0x100]  }
0x202: {  	[tilespmem:s15+$0xFFFFFEE0] =	vst v4;
	v4 =	vld [tilespmem:s3+$0xFFFFFF70]  }
0x203: {  	v6 =	vld [tilespmem:s3+$0xFFFFFEF0];
	v0 =	vadd.f32 v0, v7  }
0x204: {  	v7 =	vld [tilespmem:s15+$0xFFFFFEF0];
	v3 =	vadd.f32 v5, v3  }
0x205: {  	v5 =	vld [tilespmem:s15+$0xFFFFFF70];
	[tilespmem:s15+$0xFFFFFFE0] =	vst v0  }
0x206: {  	v0 =	vld [tilespmem:s3+$0xFFFFFFF0];
	[tilespmem:s15+$0x60] =	vst v3;
	v1 =	vadd.f32 v2, v1  }
0x207: {  	v2 =	vld [tilespmem:s3+$0x70]  }
0x208: {  	[tilespmem:s15+$0x100] =	vst v1;
	v1 =	vld [tilespmem:s15+$0x110]  }
0x209: {  	v3 =	vadd.f32 v6, v7;
	v6 =	vld [tilespmem:s3+$0x110]  }
0x20a: {  	v4 =	vadd.f32 v4, v5;
	v5 =	vld [tilespmem:s15+$0xFFFFFFF0]  }
0x20b: {  	[tilespmem:s15+$0xFFFFFEF0] =	vst v3;
	v3 =	vld [tilespmem:s15+$0x70]  }
0x20c: {  	v7 =	vld [tilespmem:s3+$0xFFFFFF00];
	[tilespmem:s15+$0xFFFFFF70] =	vst v4  }
0x20d: {  	v4 =	vld [tilespmem:s3+$0xFFFFFF80]  }
0x20e: {  	v8 =	vld [tilespmem:s15+$0xFFFFFF00];
	v1 =	vadd.f32 v6, v1  }
0x20f: {  	v6 =	vld [tilespmem:s15+$0xFFFFFF80];
	v0 =	vadd.f32 v0, v5  }
0x210: {  	v2 =	vadd.f32 v2, v3;
	[tilespmem:s15+$0x110] =	vst v1;
	v1 =	vld [tilespmem:s15+$0x120]  }
0x211: {  	[tilespmem:s15+$0xFFFFFFF0] =	vst v0;
	v0 =	vld [tilespmem:s3+$0x120]  }
0x212: {  	v3 =	vld [tilespmem:s3+$0x0];
	[tilespmem:s15+$0x70] =	vst v2  }
0x213: {  	v2 =	vadd.f32 v7, v8;
	v5 =	vld [tilespmem:s3+$0x80]  }
0x214: {  	v4 =	vadd.f32 v4, v6;
	v6 =	vld [tilespmem:s15+$0x0]  }
0x215: {  	[tilespmem:s15+$0xFFFFFF00] =	vst v2;
	v2 =	vld [tilespmem:s15+$0x80]  }
0x216: {  	v7 =	vld [tilespmem:s3+$0xFFFFFF10];
	[tilespmem:s15+$0xFFFFFF80] =	vst v4;
	v0 =	vadd.f32 v0, v1  }
0x217: {  	v1 =	vld [tilespmem:s3+$0xFFFFFF90]  }
0x218: {  	[tilespmem:s15+$0x120] =	vst v0;
	v0 =	vld [tilespmem:s15+$0x130]  }
0x219: {  	v3 =	vadd.f32 v3, v6;
	v4 =	vld [tilespmem:s3+$0x130]  }
0x21a: {  	v6 =	vld [tilespmem:s15+$0xFFFFFF10];
	v2 =	vadd.f32 v5, v2  }
0x21b: {  	v5 =	vld [tilespmem:s15+$0xFFFFFF90];
	[tilespmem:s15+$0x0] =	vst v3  }
0x21c: {  	v3 =	vld [tilespmem:s3+$0x10];
	[tilespmem:s15+$0x80] =	vst v2  }
0x21d: {  	v2 =	vld [tilespmem:s3+$0x90]  }
0x21e: {  	v8 =	vld [tilespmem:s15+$0x10];
	v0 =	vadd.f32 v4, v0  }
0x21f: {  	v4 =	vadd.f32 v7, v6;
	v6 =	vld [tilespmem:s15+$0x90]  }
0x220: {  	v7 =	vld [tilespmem:s15+$0xFFFFFF20];
	v1 =	vadd.f32 v1, v5;
	[tilespmem:s15+$0x130] =	vst v0  }
0x221: {  	[tilespmem:s15+$0xFFFFFF10] =	vst v4;
	v0 =	vld [tilespmem:s15+$0xFFFFFFA0]  }
0x222: {  	v4 =	vld [tilespmem:s3+$0xFFFFFF20];
	[tilespmem:s15+$0xFFFFFF90] =	vst v1  }
0x223: {  	v1 =	vld [tilespmem:s3+$0xFFFFFFA0];
	v3 =	vadd.f32 v3, v8  }
0x224: {  	v5 =	vld [tilespmem:s15+$0x20];
	v2 =	vadd.f32 v2, v6  }
0x225: {  	[tilespmem:s15+$0x10] =	vst v3;
	v6 =	vld [tilespmem:s15+$0xA0]  }
0x226: {  	v8 =	vld [tilespmem:s3+$0x20];
	[tilespmem:s15+$0x90] =	vst v2  }
0x227: {  	v2 =	vadd.f32 v4, v7;
	v4 =	vld [tilespmem:s3+$0xA0]  }
0x228: {  	v7 =	vld [tilespmem:s15+$0xFFFFFF30];
	v0 =	vadd.f32 v1, v0  }
0x229: {  	[tilespmem:s15+$0xFFFFFF20] =	vst v2;
	v1 =	vld [tilespmem:s15+$0xFFFFFFB0]  }
0x22a: {  	v9 =	vld [tilespmem:s3+$0xFFFFFF30];
	[tilespmem:s15+$0xFFFFFFA0] =	vst v0  }
.Ltmp2:
0x22b: {  	v3 =	vld [tilespmem:s3+$0xFFFFFFB0];
	v2 =	vadd.f32 v8, v5;
	(pc) =	sbr.rel @p0 .LBB2_7-.Ltmp2, $4  }
0x22c: {  	v0 =	vld [tilespmem:s15+$0x30];
	v5 =	vadd.f32 v4, v6  }
0x22d: {  	[tilespmem:s15+$0x20] =	vst v2;
	v2 =	vld [tilespmem:s15+$0xB0]  }
0x22e: {  	v4 =	vld [tilespmem:s3+$0x30];
	[tilespmem:s15+$0xA0] =	vst v5  }
0x22f: {  	s15 =	sadd.s32 $0x280, s15;
	v6 =	vadd.f32 v9, v7;
	v5 =	vld [tilespmem:s3+$0xB0]  }
0x230: {  	_ = 	snop  }
0x231: {  	s30 =	sadd.s32 $0x1, s30  }
0x232: {  	v1 =	vadd.f32 v3, v1;
	p0 =	sne.s32 s30, $0xA  }
.Ltmp3:
0x233: {  	s2 =	sadd.s32 s6, s2;
	[tilespmem:s0+$0xFFFFFF30] =	vst v6;
	v0 =	vadd.f32 v4, v0;
	(pc) =	sbr.rel @p0 .LBB2_2-.Ltmp3, $4  }
0x234: {  	s2 =	smul.u32 $0xC80, s2;
	[tilespmem:s0+$0xFFFFFFB0] =	vst v1;
	v63 =	vadd.f32 v5, v2  }
0x235: {  	[tilespmem:s0+$0x30] =	vst v0  }
0x236: {  	s31 =	sadd.s32 s4, s2;
	[tilespmem:s0+$0xB0] =	vst v63  }
0x237: {  	[hbm4b:s31+s5] =	stream.linear.scatter [tilespmem:s20], [sflag:$0x6], $0x6400, $0x38;
	[tilespmem:$0x1B000] =	vst v63  }
0x238: {  	_ =	swait.ge [sflag:s24], $0x6400  }
0x239: {  	[sflag:s24] =	ssyncset.done $0x0  }
0x23a: {  	[sflag:s24] =	ssyncadd.s32 $0xFFFF9C00  }
0x23b: {  	[tilespmem:s18], [sflag:$0x2] =	stream.indirect.gather [hbm4b:s1+s13], $0x80, s25, s13, $0xb8;
	[tilespmem:$0x1B000] =	vst v63  }
0x23c: {  	_ = 	snop  }
0x23d: {  	[tilespmem:s19], [sflag:$0x2] =	stream.indirect.gather [hbm4b:s1+s13], $0x80, s26, s13, $0xb8;
	[tilespmem:$0x1B000] =	vst v63  }
0x23e: {  	_ =	swait.ge [sflag:s12], $0x3200  }
0x23f: {  	[sflag:s12] =	ssyncset.done $0x0  }
0x240: {  	[sflag:s12] =	ssyncadd.s32 $0xFFFFCE00  }
0x241: {  	_ =	swait.ge [sflag:s12], $0x3200  }
0x242: {  	[sflag:s12] =	ssyncset.done $0x0  }
0x243: {  	s0 =	simm.s32 $0x2140;
	[sflag:s12] =	ssyncadd.s32 $0xFFFFCE00  }
0x244: {  	s2 =	simm.s32 $0x14D40;
	v0 =	vld [tilespmem:s0+$0xC0]  }
0x245: {  	v1 =	vld [tilespmem:s2+$0xC0];
	_ =	sdelay $0x1  }
0x246: {  	v3 =	vld [tilespmem:s0+$0xFFFFFF40]  }
0x247: {  	v4 =	vld [tilespmem:s2+$0xFFFFFF40]  }
0x248: {  	v5 =	vld [tilespmem:s0+$0xFFFFFFC0]  }
0x249: {  	v6 =	vld [tilespmem:s2+$0xFFFFFFC0];
	v0 =	vadd.f32 v1, v0  }
0x24a: {  	v1 =	vld [tilespmem:s2+$0xFFFFFEC0]  }
0x24b: {  	[tilespmem:s0+$0xC0] =	vst v0;
	v0 =	vld [tilespmem:s0+$0xD0]  }
0x24c: {  	v2 =	vld [tilespmem:s2+$0xD0]  }
0x24d: {  	v3 =	vadd.f32 v4, v3;
	v4 =	vld [tilespmem:s0+$0xFFFFFEC0]  }
0x24e: {  	v7 =	vld [tilespmem:s0+$0x40]  }
0x24f: {  	v8 =	vld [tilespmem:s0+$0xFFFFFED0];
	[tilespmem:s0+$0xFFFFFF40] =	vst v3  }
0x250: {  	v3 =	vadd.f32 v6, v5;
	v6 =	vld [tilespmem:s2+$0xFFFFFF50]  }
0x251: {  	v0 =	vadd.f32 v2, v0;
	v2 =	vld [tilespmem:s2+$0x40]  }
0x252: {  	v1 =	vadd.f32 v1, v4;
	v4 =	vld [tilespmem:s0+$0xFFFFFF50]  }
0x253: {  	[tilespmem:s0+$0xD0] =	vst v0;
	v0 =	vld [tilespmem:s0+$0xE0]  }
0x254: {  	v5 =	vld [tilespmem:s2+$0xE0]  }
0x255: {  	v9 =	vld [tilespmem:s0+$0xFFFFFEE0]  }
0x256: {  	v62 =	vld [tilespmem:s0+$0xFFFFFF20];
	[tilespmem:s0+$0xFFFFFFC0] =	vst v3;
	v2 =	vadd.f32 v2, v7  }
0x257: {  	v3 =	vld [tilespmem:s2+$0xFFFFFFD0];
	[tilespmem:s0+$0xFFFFFEC0] =	vst v1  }
0x258: {  	v4 =	vadd.f32 v6, v4;
	[tilespmem:s0+$0x40] =	vst v2;
	v2 =	vld [tilespmem:s2+$0xFFFFFED0]  }
0x259: {  	v0 =	vadd.f32 v5, v0;
	v5 =	vld [tilespmem:s0+$0xFFFFFFD0]  }
0x25a: {  	[tilespmem:s0+$0xFFFFFF50] =	vst v4;
	v7 =	vld [tilespmem:s0+$0x50]  }
0x25b: {  	v4 =	vld [tilespmem:s2+$0xFFFFFF60]  }
0x25c: {  	[tilespmem:s0+$0xE0] =	vst v0;
	v0 =	vld [tilespmem:s0+$0xF0]  }
0x25d: {  	v6 =	vld [tilespmem:s2+$0xF0];
	v2 =	vadd.f32 v2, v8  }
0x25e: {  	v1 =	vld [tilespmem:s2+$0x50];
	v3 =	vadd.f32 v3, v5  }
0x25f: {  	[tilespmem:s0+$0xFFFFFED0] =	vst v2;
	v2 =	vld [tilespmem:s0+$0xFFFFFF60]  }
0x260: {  	v5 =	vld [tilespmem:s2+$0xFFFFFEE0];
	[tilespmem:s0+$0xFFFFFFD0] =	vst v3  }
0x261: {  	v3 =	vld [tilespmem:s2+$0xFFFFFFE0]  }
0x262: {  	v0 =	vadd.f32 v6, v0;
	v6 =	vld [tilespmem:s0+$0xFFFFFFE0]  }
0x263: {  	v1 =	vadd.f32 v1, v7;
	v7 =	vld [tilespmem:s0+$0x60]  }
0x264: {  	[tilespmem:s0+$0xF0] =	vst v0;
	v0 =	vld [tilespmem:s0+$0x100]  }
0x265: {  	[tilespmem:s0+$0x50] =	vst v1;
	v1 =	vadd.f32 v4, v2;
	v2 =	vld [tilespmem:s2+$0x100]  }
0x266: {  	v4 =	vld [tilespmem:s2+$0x60];
	v5 =	vadd.f32 v5, v9  }
0x267: {  	[tilespmem:s0+$0xFFFFFF60] =	vst v1;
	v3 =	vadd.f32 v3, v6;
	v6 =	vld [tilespmem:s0+$0xFFFFFEF0]  }
0x268: {  	[tilespmem:s0+$0xFFFFFEE0] =	vst v5;
	v1 =	vld [tilespmem:s2+$0xFFFFFF70]  }
0x269: {  	v5 =	vld [tilespmem:s2+$0xFFFFFEF0]  }
0x26a: {  	v0 =	vadd.f32 v2, v0;
	v2 =	vld [tilespmem:s0+$0xFFFFFF70]  }
0x26b: {  	v8 =	vld [tilespmem:s0+$0xFFFFFF80];
	[tilespmem:s0+$0xFFFFFFE0] =	vst v3;
	v3 =	vadd.f32 v4, v7  }
0x26c: {  	[tilespmem:s0+$0x100] =	vst v0;
	v0 =	vld [tilespmem:s0+$0x110]  }
0x26d: {  	[tilespmem:s0+$0x60] =	vst v3;
	v3 =	vld [tilespmem:s2+$0x110]  }
0x26e: {  	v4 =	vld [tilespmem:s2+$0xFFFFFFF0]  }
0x26f: {  	v5 =	vadd.f32 v5, v6;
	v1 =	vadd.f32 v1, v2;
	v2 =	vld [tilespmem:s0+$0xFFFFFFF0]  }
0x270: {  	v7 =	vld [tilespmem:s2+$0x70]  }
0x271: {  	[tilespmem:s0+$0xFFFFFEF0] =	vst v5;
	v5 =	vld [tilespmem:s0+$0x70]  }
0x272: {  	v6 =	vld [tilespmem:s2+$0xFFFFFF00];
	v0 =	vadd.f32 v3, v0  }
0x273: {  	[tilespmem:s0+$0xFFFFFF70] =	vst v1;
	v3 =	vld [tilespmem:s0+$0xFFFFFF00]  }
0x274: {  	v1 =	vld [tilespmem:s2+$0xFFFFFF80];
	[tilespmem:s0+$0x110] =	vst v0;
	v0 =	vadd.f32 v4, v2  }
0x275: {  	v2 =	vld [tilespmem:s0+$0x120]  }
0x276: {  	v4 =	vadd.f32 v7, v5;
	v5 =	vld [tilespmem:s2+$0x120];
	[tilespmem:s0+$0xFFFFFFF0] =	vst v0  }
0x277: {  	v0 =	vld [tilespmem:s2+$0x0]  }
0x278: {  	[tilespmem:s0+$0x70] =	vst v4;
	v3 =	vadd.f32 v6, v3;
	v6 =	vld [tilespmem:s0+$0x0]  }
0x279: {  	v4 =	vld [tilespmem:s2+$0x80]  }
0x27a: {  	[tilespmem:s0+$0xFFFFFF00] =	vst v3;
	v3 =	vld [tilespmem:s0+$0x80]  }
0x27b: {  	v7 =	vld [tilespmem:s0+$0xFFFFFF10];
	v1 =	vadd.f32 v1, v8  }
0x27c: {  	v8 =	vld [tilespmem:s0+$0x10]  }
0x27d: {  	[tilespmem:s0+$0xFFFFFF80] =	vst v1;
	v2 =	vadd.f32 v5, v2;
	v5 =	vld [tilespmem:s2+$0xFFFFFF10]  }
0x27e: {  	v1 =	vld [tilespmem:s2+$0xFFFFFF90];
	v0 =	vadd.f32 v0, v6  }
0x27f: {  	[tilespmem:s0+$0x120] =	vst v2;
	v3 =	vadd.f32 v4, v3;
	v4 =	vld [tilespmem:s0+$0xFFFFFF90]  }
0x280: {  	v2 =	vld [tilespmem:s0+$0x130];
	[tilespmem:s0+$0x0] =	vst v0  }
0x281: {  	v0 =	vld [tilespmem:s2+$0x10]  }
0x282: {  	v5 =	vadd.f32 v5, v7;
	v7 =	vld [tilespmem:s0+$0x90];
	[tilespmem:s0+$0x80] =	vst v3  }
0x283: {  	v3 =	vld [tilespmem:s2+$0x90]  }
0x284: {  	v6 =	vld [tilespmem:s2+$0x130];
	[tilespmem:s0+$0xFFFFFF10] =	vst v5;
	v1 =	vadd.f32 v1, v4  }
0x285: {  	v5 =	vld [tilespmem:s2+$0xFFFFFF20]  }
0x286: {  	v4 =	vld [tilespmem:s0+$0xFFFFFFA0];
	[tilespmem:s0+$0xFFFFFF90] =	vst v1  }
0x287: {  	v0 =	vadd.f32 v0, v8;
	v1 =	vld [tilespmem:s2+$0xFFFFFFA0]  }
0x288: {  	v8 =	vld [tilespmem:s0+$0x20];
	v3 =	vadd.f32 v3, v7  }
0x289: {  	[tilespmem:s0+$0x10] =	vst v0;
	v7 =	vld [tilespmem:s0+$0xA0]  }
0x28a: {  	v0 =	vld [tilespmem:s2+$0x20];
	[tilespmem:s0+$0x90] =	vst v3  }
0x28b: {  	v3 =	vadd.f32 v5, v62;
	v5 =	vld [tilespmem:s2+$0xA0]  }
0x28c: {  	v63 =	vld [tilespmem:s0+$0xFFFFFF30];
	v4 =	vadd.f32 v1, v4  }
0x28d: {  	[tilespmem:s0+$0xFFFFFF20] =	vst v3;
	v1 =	vld [tilespmem:s0+$0xFFFFFFB0]  }
0x28e: {  	v10 =	vld [tilespmem:s2+$0xFFFFFF30];
	[tilespmem:s0+$0xFFFFFFA0] =	vst v4  }
0x28f: {  	v4 =	vadd.f32 v0, v8;
	v3 =	vld [tilespmem:s2+$0xFFFFFFB0]  }
0x290: {  	v6 =	vadd.f32 v6, v2;
	v2 =	vld [tilespmem:s0+$0xB0];
	v5 =	vadd.f32 v5, v7  }
0x291: {  	v0 =	vld [tilespmem:s0+$0x30];
	[tilespmem:s0+$0x20] =	vst v4  }
0x292: {  	v4 =	vld [tilespmem:s2+$0x30];
	[tilespmem:s0+$0xA0] =	vst v5  }
0x293: {  	s3 =	simm.s32 $0x0;
	s11 =	simm.s32 $0x23C0;
	[tilespmem:s0+$0x130] =	vst v6;
	v6 =	vadd.f32 v10, v63;
	v5 =	vld [tilespmem:s2+$0xB0]  }
.LBB2_10:
0x294: {  	v7 =	vld [tilespmem:s11+$0xC0];
	v1 =	vadd.f32 v3, v1;
	s2 =	sadd.s32 $0x280, s2  }
0x295: {  	s3 =	sadd.s32 $0x5, s3;
	v3 =	vld [tilespmem:s2+$0xC0];
	[tilespmem:s0+$0xFFFFFF30] =	vst v6  }
0x296: {  	p0 =	slt.u32 s3, $0xC3;
	v6 =	vld [tilespmem:s2+$0xFFFFFEC0];
	[tilespmem:s0+$0xFFFFFFB0] =	vst v1  }
0x297: {  	v1 =	vld [tilespmem:s11+$0xFFFFFF40];
	v0 =	vadd.f32 v4, v0  }
0x298: {  	v4 =	vld [tilespmem:s2+$0xFFFFFF40];
	v2 =	vadd.f32 v5, v2  }
0x299: {  	v5 =	vld [tilespmem:s11+$0xFFFFFFC0];
	[tilespmem:s0+$0x30] =	vst v0  }
0x29a: {  	v0 =	vld [tilespmem:s2+$0xFFFFFFC0];
	v3 =	vadd.f32 v3, v7;
	[tilespmem:s0+$0xB0] =	vst v2;
	s0 =	smov.u32 s11  }
0x29b: {  	v2 =	vld [tilespmem:s11+$0x40]  }
0x29c: {  	[tilespmem:s11+$0xC0] =	vst v3;
	v3 =	vld [tilespmem:s11+$0xD0]  }
0x29d: {  	v1 =	vadd.f32 v4, v1;
	v4 =	vld [tilespmem:s2+$0xD0]  }
0x29e: {  	v7 =	vld [tilespmem:s2+$0x40]  }
0x29f: {  	v8 =	vld [tilespmem:s11+$0xFFFFFEC0];
	[tilespmem:s11+$0xFFFFFF40] =	vst v1;
	v0 =	vadd.f32 v0, v5  }
0x2a0: {  	v1 =	vld [tilespmem:s2+$0xFFFFFF50]  }
0x2a1: {  	v5 =	vld [tilespmem:s11+$0xFFFFFED0];
	[tilespmem:s11+$0xFFFFFFC0] =	vst v0  }
0x2a2: {  	v0 =	vld [tilespmem:s2+$0xFFFFFFD0];
	v3 =	vadd.f32 v4, v3  }
0x2a3: {  	v4 =	vld [tilespmem:s11+$0xFFFFFF50];
	v2 =	vadd.f32 v7, v2  }
0x2a4: {  	v6 =	vadd.f32 v6, v8;
	[tilespmem:s11+$0xD0] =	vst v3;
	v3 =	vld [tilespmem:s11+$0xE0]  }
0x2a5: {  	[tilespmem:s11+$0x40] =	vst v2;
	v2 =	vld [tilespmem:s2+$0xE0]  }
0x2a6: {  	[tilespmem:s11+$0xFFFFFEC0] =	vst v6;
	v6 =	vld [tilespmem:s2+$0x50]  }
0x2a7: {  	v7 =	vld [tilespmem:s2+$0xFFFFFED0]  }
0x2a8: {  	v1 =	vadd.f32 v1, v4;
	v4 =	vld [tilespmem:s11+$0xFFFFFFD0]  }
0x2a9: {  	v8 =	vld [tilespmem:s11+$0x50]  }
0x2aa: {  	v9 =	vld [tilespmem:s11+$0xFFFFFEE0];
	[tilespmem:s11+$0xFFFFFF50] =	vst v1;
	v1 =	vadd.f32 v2, v3  }
0x2ab: {  	v2 =	vld [tilespmem:s2+$0xFFFFFF60]  }
0x2ac: {  	v3 =	vadd.f32 v7, v5;
	[tilespmem:s11+$0xE0] =	vst v1;
	v1 =	vld [tilespmem:s11+$0xF0]  }
0x2ad: {  	v0 =	vadd.f32 v0, v4;
	v4 =	vld [tilespmem:s2+$0xF0]  }
0x2ae: {  	[tilespmem:s11+$0xFFFFFED0] =	vst v3;
	v3 =	vld [tilespmem:s11+$0xFFFFFF60];
	v5 =	vadd.f32 v6, v8  }
0x2af: {  	v6 =	vld [tilespmem:s2+$0xFFFFFEE0];
	[tilespmem:s11+$0xFFFFFFD0] =	vst v0  }
0x2b0: {  	v0 =	vld [tilespmem:s2+$0xFFFFFFE0];
	[tilespmem:s11+$0x50] =	vst v5  }
0x2b1: {  	v5 =	vld [tilespmem:s2+$0x60]  }
0x2b2: {  	v7 =	vld [tilespmem:s11+$0xFFFFFFE0];
	v1 =	vadd.f32 v4, v1  }
0x2b3: {  	v2 =	vadd.f32 v2, v3;
	v3 =	vld [tilespmem:s11+$0x60]  }
0x2b4: {  	v4 =	vadd.f32 v6, v9;
	[tilespmem:s11+$0xF0] =	vst v1;
	v1 =	vld [tilespmem:s11+$0x100]  }
0x2b5: {  	[tilespmem:s11+$0xFFFFFF60] =	vst v2;
	v2 =	vld [tilespmem:s2+$0x100]  }
0x2b6: {  	[tilespmem:s11+$0xFFFFFEE0] =	vst v4;
	v4 =	vld [tilespmem:s2+$0xFFFFFF70]  }
0x2b7: {  	v6 =	vld [tilespmem:s2+$0xFFFFFEF0];
	v0 =	vadd.f32 v0, v7  }
0x2b8: {  	v7 =	vld [tilespmem:s11+$0xFFFFFEF0];
	v3 =	vadd.f32 v5, v3  }
0x2b9: {  	v5 =	vld [tilespmem:s11+$0xFFFFFF70];
	[tilespmem:s11+$0xFFFFFFE0] =	vst v0  }
0x2ba: {  	v0 =	vld [tilespmem:s2+$0xFFFFFFF0];
	[tilespmem:s11+$0x60] =	vst v3;
	v1 =	vadd.f32 v2, v1  }
0x2bb: {  	v2 =	vld [tilespmem:s2+$0x70]  }
0x2bc: {  	[tilespmem:s11+$0x100] =	vst v1;
	v1 =	vld [tilespmem:s11+$0x110]  }
0x2bd: {  	v3 =	vadd.f32 v6, v7;
	v6 =	vld [tilespmem:s2+$0x110]  }
0x2be: {  	v4 =	vadd.f32 v4, v5;
	v5 =	vld [tilespmem:s11+$0xFFFFFFF0]  }
0x2bf: {  	[tilespmem:s11+$0xFFFFFEF0] =	vst v3;
	v3 =	vld [tilespmem:s11+$0x70]  }
0x2c0: {  	v7 =	vld [tilespmem:s2+$0xFFFFFF00];
	[tilespmem:s11+$0xFFFFFF70] =	vst v4  }
0x2c1: {  	v4 =	vld [tilespmem:s2+$0xFFFFFF80]  }
0x2c2: {  	v8 =	vld [tilespmem:s11+$0xFFFFFF00];
	v1 =	vadd.f32 v6, v1  }
0x2c3: {  	v6 =	vld [tilespmem:s11+$0xFFFFFF80];
	v0 =	vadd.f32 v0, v5  }
0x2c4: {  	v2 =	vadd.f32 v2, v3;
	[tilespmem:s11+$0x110] =	vst v1;
	v1 =	vld [tilespmem:s11+$0x120]  }
0x2c5: {  	[tilespmem:s11+$0xFFFFFFF0] =	vst v0;
	v0 =	vld [tilespmem:s2+$0x120]  }
0x2c6: {  	v3 =	vld [tilespmem:s2+$0x0];
	[tilespmem:s11+$0x70] =	vst v2  }
0x2c7: {  	v2 =	vadd.f32 v7, v8;
	v5 =	vld [tilespmem:s2+$0x80]  }
0x2c8: {  	v4 =	vadd.f32 v4, v6;
	v6 =	vld [tilespmem:s11+$0x0]  }
0x2c9: {  	[tilespmem:s11+$0xFFFFFF00] =	vst v2;
	v2 =	vld [tilespmem:s11+$0x80]  }
0x2ca: {  	v7 =	vld [tilespmem:s2+$0xFFFFFF10];
	[tilespmem:s11+$0xFFFFFF80] =	vst v4;
	v0 =	vadd.f32 v0, v1  }
0x2cb: {  	v1 =	vld [tilespmem:s2+$0xFFFFFF90]  }
0x2cc: {  	[tilespmem:s11+$0x120] =	vst v0;
	v0 =	vld [tilespmem:s11+$0x130]  }
0x2cd: {  	v3 =	vadd.f32 v3, v6;
	v4 =	vld [tilespmem:s2+$0x130]  }
0x2ce: {  	v6 =	vld [tilespmem:s11+$0xFFFFFF10];
	v2 =	vadd.f32 v5, v2  }
0x2cf: {  	v5 =	vld [tilespmem:s11+$0xFFFFFF90];
	[tilespmem:s11+$0x0] =	vst v3  }
0x2d0: {  	v3 =	vld [tilespmem:s2+$0x10];
	[tilespmem:s11+$0x80] =	vst v2  }
0x2d1: {  	v2 =	vld [tilespmem:s2+$0x90]  }
0x2d2: {  	v8 =	vld [tilespmem:s11+$0x10];
	v0 =	vadd.f32 v4, v0  }
0x2d3: {  	v4 =	vadd.f32 v7, v6;
	v6 =	vld [tilespmem:s11+$0x90]  }
0x2d4: {  	v7 =	vld [tilespmem:s11+$0xFFFFFF20];
	v1 =	vadd.f32 v1, v5;
	[tilespmem:s11+$0x130] =	vst v0  }
0x2d5: {  	[tilespmem:s11+$0xFFFFFF10] =	vst v4;
	v0 =	vld [tilespmem:s11+$0xFFFFFFA0]  }
0x2d6: {  	v4 =	vld [tilespmem:s2+$0xFFFFFF20];
	[tilespmem:s11+$0xFFFFFF90] =	vst v1  }
0x2d7: {  	v1 =	vld [tilespmem:s2+$0xFFFFFFA0];
	v3 =	vadd.f32 v3, v8  }
0x2d8: {  	v5 =	vld [tilespmem:s11+$0x20];
	v2 =	vadd.f32 v2, v6  }
0x2d9: {  	[tilespmem:s11+$0x10] =	vst v3;
	v6 =	vld [tilespmem:s11+$0xA0]  }
0x2da: {  	v8 =	vld [tilespmem:s2+$0x20];
	[tilespmem:s11+$0x90] =	vst v2  }
0x2db: {  	v2 =	vadd.f32 v4, v7;
	v4 =	vld [tilespmem:s2+$0xA0]  }
0x2dc: {  	v7 =	vld [tilespmem:s11+$0xFFFFFF30];
	v0 =	vadd.f32 v1, v0  }
0x2dd: {  	[tilespmem:s11+$0xFFFFFF20] =	vst v2;
	v1 =	vld [tilespmem:s11+$0xFFFFFFB0]  }
0x2de: {  	v9 =	vld [tilespmem:s2+$0xFFFFFF30];
	[tilespmem:s11+$0xFFFFFFA0] =	vst v0  }
.Ltmp4:
0x2df: {  	v3 =	vld [tilespmem:s2+$0xFFFFFFB0];
	v2 =	vadd.f32 v8, v5;
	(pc) =	sbr.rel @p0 .LBB2_10-.Ltmp4, $4  }
0x2e0: {  	v0 =	vld [tilespmem:s11+$0x30];
	v5 =	vadd.f32 v4, v6  }
0x2e1: {  	[tilespmem:s11+$0x20] =	vst v2;
	v2 =	vld [tilespmem:s11+$0xB0]  }
0x2e2: {  	v4 =	vld [tilespmem:s2+$0x30];
	[tilespmem:s11+$0xA0] =	vst v5  }
0x2e3: {  	s11 =	sadd.s32 $0x280, s11;
	v6 =	vadd.f32 v9, v7;
	v5 =	vld [tilespmem:s2+$0xB0]  }
0x2e4: {  	_ =	sdelay $0x1  }
0x2e5: {  	v1 =	vadd.f32 v3, v1  }
0x2e6: {  	[tilespmem:s0+$0xFFFFFF30] =	vst v6;
	v0 =	vadd.f32 v4, v0  }
0x2e7: {  	[tilespmem:s0+$0xFFFFFFB0] =	vst v1;
	v1 =	vadd.f32 v5, v2  }
0x2e8: {  	[tilespmem:s0+$0x30] =	vst v0  }
0x2e9: {  	[tilespmem:s0+$0xB0] =	vst v1  }
0x2ea: {  	[hbm4b:s8+s5] =	stream.linear.scatter [tilespmem:s14], [sflag:$0x4], $0x6400, $0x38;
	[tilespmem:$0x1B000] =	vst v63  }
0x2eb: {  	_ =	swait.ge [sflag:s28], $0x6400  }
0x2ec: {  	[sflag:s28] =	ssyncset.done $0x0  }
0x2ed: {  	[sflag:s28] =	ssyncadd.s32 $0xFFFF9C00  }
0x2ee: {  	_ =	swait.ge [sflag:s22], $0x3200  }
0x2ef: {  	[sflag:s22] =	ssyncset.done $0x0  }
0x2f0: {  	[sflag:s22] =	ssyncadd.s32 $0xFFFFCE00  }
0x2f1: {  	_ =	swait.ge [sflag:s22], $0x3200  }
0x2f2: {  	[sflag:s22] =	ssyncset.done $0x0  }
0x2f3: {  	s0 =	simm.s32 $0x8540;
	[sflag:s22] =	ssyncadd.s32 $0xFFFFCE00  }
0x2f4: {  	s2 =	simm.s32 $0x14D40;
	v0 =	vld [tilespmem:s0+$0xC0]  }
0x2f5: {  	v1 =	vld [tilespmem:s2+$0xC0];
	_ =	sdelay $0x1  }
0x2f6: {  	v3 =	vld [tilespmem:s0+$0xFFFFFF40]  }
0x2f7: {  	v4 =	vld [tilespmem:s2+$0xFFFFFF40]  }
0x2f8: {  	v5 =	vld [tilespmem:s0+$0xFFFFFFC0]  }
0x2f9: {  	v6 =	vld [tilespmem:s2+$0xFFFFFFC0];
	v0 =	vadd.f32 v1, v0  }
0x2fa: {  	v1 =	vld [tilespmem:s2+$0xFFFFFEC0]  }
0x2fb: {  	[tilespmem:s0+$0xC0] =	vst v0;
	v0 =	vld [tilespmem:s0+$0xD0]  }
0x2fc: {  	v2 =	vld [tilespmem:s2+$0xD0]  }
0x2fd: {  	v3 =	vadd.f32 v4, v3;
	v4 =	vld [tilespmem:s0+$0xFFFFFEC0]  }
0x2fe: {  	v7 =	vld [tilespmem:s0+$0x40]  }
0x2ff: {  	v8 =	vld [tilespmem:s0+$0xFFFFFED0];
	[tilespmem:s0+$0xFFFFFF40] =	vst v3  }
0x300: {  	v3 =	vadd.f32 v6, v5;
	v6 =	vld [tilespmem:s2+$0xFFFFFF50]  }
0x301: {  	v0 =	vadd.f32 v2, v0;
	v2 =	vld [tilespmem:s2+$0x40]  }
0x302: {  	v1 =	vadd.f32 v1, v4;
	v4 =	vld [tilespmem:s0+$0xFFFFFF50]  }
0x303: {  	[tilespmem:s0+$0xD0] =	vst v0;
	v0 =	vld [tilespmem:s0+$0xE0]  }
0x304: {  	v5 =	vld [tilespmem:s2+$0xE0]  }
0x305: {  	v9 =	vld [tilespmem:s0+$0xFFFFFEE0]  }
0x306: {  	v62 =	vld [tilespmem:s0+$0xFFFFFF20];
	[tilespmem:s0+$0xFFFFFFC0] =	vst v3;
	v2 =	vadd.f32 v2, v7  }
0x307: {  	v3 =	vld [tilespmem:s2+$0xFFFFFFD0];
	[tilespmem:s0+$0xFFFFFEC0] =	vst v1  }
0x308: {  	v4 =	vadd.f32 v6, v4;
	[tilespmem:s0+$0x40] =	vst v2;
	v2 =	vld [tilespmem:s2+$0xFFFFFED0]  }
0x309: {  	v0 =	vadd.f32 v5, v0;
	v5 =	vld [tilespmem:s0+$0xFFFFFFD0]  }
0x30a: {  	[tilespmem:s0+$0xFFFFFF50] =	vst v4;
	v7 =	vld [tilespmem:s0+$0x50]  }
0x30b: {  	v4 =	vld [tilespmem:s2+$0xFFFFFF60]  }
0x30c: {  	[tilespmem:s0+$0xE0] =	vst v0;
	v0 =	vld [tilespmem:s0+$0xF0]  }
0x30d: {  	v6 =	vld [tilespmem:s2+$0xF0];
	v2 =	vadd.f32 v2, v8  }
0x30e: {  	v1 =	vld [tilespmem:s2+$0x50];
	v3 =	vadd.f32 v3, v5  }
0x30f: {  	[tilespmem:s0+$0xFFFFFED0] =	vst v2;
	v2 =	vld [tilespmem:s0+$0xFFFFFF60]  }
0x310: {  	v5 =	vld [tilespmem:s2+$0xFFFFFEE0];
	[tilespmem:s0+$0xFFFFFFD0] =	vst v3  }
0x311: {  	v3 =	vld [tilespmem:s2+$0xFFFFFFE0]  }
0x312: {  	v0 =	vadd.f32 v6, v0;
	v6 =	vld [tilespmem:s0+$0xFFFFFFE0]  }
0x313: {  	v1 =	vadd.f32 v1, v7;
	v7 =	vld [tilespmem:s0+$0x60]  }
0x314: {  	[tilespmem:s0+$0xF0] =	vst v0;
	v0 =	vld [tilespmem:s0+$0x100]  }
0x315: {  	[tilespmem:s0+$0x50] =	vst v1;
	v1 =	vadd.f32 v4, v2;
	v2 =	vld [tilespmem:s2+$0x100]  }
0x316: {  	v4 =	vld [tilespmem:s2+$0x60];
	v5 =	vadd.f32 v5, v9  }
0x317: {  	[tilespmem:s0+$0xFFFFFF60] =	vst v1;
	v3 =	vadd.f32 v3, v6;
	v6 =	vld [tilespmem:s0+$0xFFFFFEF0]  }
0x318: {  	[tilespmem:s0+$0xFFFFFEE0] =	vst v5;
	v1 =	vld [tilespmem:s2+$0xFFFFFF70]  }
0x319: {  	v5 =	vld [tilespmem:s2+$0xFFFFFEF0]  }
0x31a: {  	v0 =	vadd.f32 v2, v0;
	v2 =	vld [tilespmem:s0+$0xFFFFFF70]  }
0x31b: {  	v8 =	vld [tilespmem:s0+$0xFFFFFF80];
	[tilespmem:s0+$0xFFFFFFE0] =	vst v3;
	v3 =	vadd.f32 v4, v7  }
0x31c: {  	[tilespmem:s0+$0x100] =	vst v0;
	v0 =	vld [tilespmem:s0+$0x110]  }
0x31d: {  	[tilespmem:s0+$0x60] =	vst v3;
	v3 =	vld [tilespmem:s2+$0x110]  }
0x31e: {  	v4 =	vld [tilespmem:s2+$0xFFFFFFF0]  }
0x31f: {  	v5 =	vadd.f32 v5, v6;
	v1 =	vadd.f32 v1, v2;
	v2 =	vld [tilespmem:s0+$0xFFFFFFF0]  }
0x320: {  	v7 =	vld [tilespmem:s2+$0x70]  }
0x321: {  	[tilespmem:s0+$0xFFFFFEF0] =	vst v5;
	v5 =	vld [tilespmem:s0+$0x70]  }
0x322: {  	v6 =	vld [tilespmem:s2+$0xFFFFFF00];
	v0 =	vadd.f32 v3, v0  }
0x323: {  	[tilespmem:s0+$0xFFFFFF70] =	vst v1;
	v3 =	vld [tilespmem:s0+$0xFFFFFF00]  }
0x324: {  	v1 =	vld [tilespmem:s2+$0xFFFFFF80];
	[tilespmem:s0+$0x110] =	vst v0;
	v0 =	vadd.f32 v4, v2  }
0x325: {  	v2 =	vld [tilespmem:s0+$0x120]  }
0x326: {  	v4 =	vadd.f32 v7, v5;
	v5 =	vld [tilespmem:s2+$0x120];
	[tilespmem:s0+$0xFFFFFFF0] =	vst v0  }
0x327: {  	v0 =	vld [tilespmem:s2+$0x0]  }
0x328: {  	[tilespmem:s0+$0x70] =	vst v4;
	v3 =	vadd.f32 v6, v3;
	v6 =	vld [tilespmem:s0+$0x0]  }
0x329: {  	v4 =	vld [tilespmem:s2+$0x80]  }
0x32a: {  	[tilespmem:s0+$0xFFFFFF00] =	vst v3;
	v3 =	vld [tilespmem:s0+$0x80]  }
0x32b: {  	v7 =	vld [tilespmem:s0+$0xFFFFFF10];
	v1 =	vadd.f32 v1, v8  }
0x32c: {  	v8 =	vld [tilespmem:s0+$0x10]  }
0x32d: {  	[tilespmem:s0+$0xFFFFFF80] =	vst v1;
	v2 =	vadd.f32 v5, v2;
	v5 =	vld [tilespmem:s2+$0xFFFFFF10]  }
0x32e: {  	v1 =	vld [tilespmem:s2+$0xFFFFFF90];
	v0 =	vadd.f32 v0, v6  }
0x32f: {  	[tilespmem:s0+$0x120] =	vst v2;
	v3 =	vadd.f32 v4, v3;
	v4 =	vld [tilespmem:s0+$0xFFFFFF90]  }
0x330: {  	v2 =	vld [tilespmem:s0+$0x130];
	[tilespmem:s0+$0x0] =	vst v0  }
0x331: {  	v0 =	vld [tilespmem:s2+$0x10]  }
0x332: {  	v5 =	vadd.f32 v5, v7;
	v7 =	vld [tilespmem:s0+$0x90];
	[tilespmem:s0+$0x80] =	vst v3  }
0x333: {  	v3 =	vld [tilespmem:s2+$0x90]  }
0x334: {  	v6 =	vld [tilespmem:s2+$0x130];
	[tilespmem:s0+$0xFFFFFF10] =	vst v5;
	v1 =	vadd.f32 v1, v4  }
0x335: {  	v5 =	vld [tilespmem:s2+$0xFFFFFF20]  }
0x336: {  	v4 =	vld [tilespmem:s0+$0xFFFFFFA0];
	[tilespmem:s0+$0xFFFFFF90] =	vst v1  }
0x337: {  	v0 =	vadd.f32 v0, v8;
	v1 =	vld [tilespmem:s2+$0xFFFFFFA0]  }
0x338: {  	v8 =	vld [tilespmem:s0+$0x20];
	v3 =	vadd.f32 v3, v7  }
0x339: {  	[tilespmem:s0+$0x10] =	vst v0;
	v7 =	vld [tilespmem:s0+$0xA0]  }
0x33a: {  	v0 =	vld [tilespmem:s2+$0x20];
	[tilespmem:s0+$0x90] =	vst v3  }
0x33b: {  	v3 =	vadd.f32 v5, v62;
	v5 =	vld [tilespmem:s2+$0xA0]  }
0x33c: {  	v63 =	vld [tilespmem:s0+$0xFFFFFF30];
	v4 =	vadd.f32 v1, v4  }
0x33d: {  	[tilespmem:s0+$0xFFFFFF20] =	vst v3;
	v1 =	vld [tilespmem:s0+$0xFFFFFFB0]  }
0x33e: {  	v10 =	vld [tilespmem:s2+$0xFFFFFF30];
	[tilespmem:s0+$0xFFFFFFA0] =	vst v4  }
0x33f: {  	v4 =	vadd.f32 v0, v8;
	v3 =	vld [tilespmem:s2+$0xFFFFFFB0]  }
0x340: {  	v6 =	vadd.f32 v6, v2;
	v2 =	vld [tilespmem:s0+$0xB0];
	v5 =	vadd.f32 v5, v7  }
0x341: {  	v0 =	vld [tilespmem:s0+$0x30];
	[tilespmem:s0+$0x20] =	vst v4  }
0x342: {  	v4 =	vld [tilespmem:s2+$0x30];
	[tilespmem:s0+$0xA0] =	vst v5  }
0x343: {  	s3 =	simm.s32 $0x0;
	s11 =	simm.s32 $0x87C0;
	[tilespmem:s0+$0x130] =	vst v6;
	v6 =	vadd.f32 v10, v63;
	v5 =	vld [tilespmem:s2+$0xB0]  }
.LBB2_12:
0x344: {  	v7 =	vld [tilespmem:s11+$0xC0];
	v1 =	vadd.f32 v3, v1;
	s2 =	sadd.s32 $0x280, s2  }
0x345: {  	s3 =	sadd.s32 $0x5, s3;
	v3 =	vld [tilespmem:s2+$0xC0];
	[tilespmem:s0+$0xFFFFFF30] =	vst v6  }
0x346: {  	p0 =	slt.u32 s3, $0xC3;
	v6 =	vld [tilespmem:s2+$0xFFFFFEC0];
	[tilespmem:s0+$0xFFFFFFB0] =	vst v1  }
0x347: {  	v1 =	vld [tilespmem:s11+$0xFFFFFF40];
	v0 =	vadd.f32 v4, v0  }
0x348: {  	v4 =	vld [tilespmem:s2+$0xFFFFFF40];
	v2 =	vadd.f32 v5, v2  }
0x349: {  	v5 =	vld [tilespmem:s11+$0xFFFFFFC0];
	[tilespmem:s0+$0x30] =	vst v0  }
0x34a: {  	v0 =	vld [tilespmem:s2+$0xFFFFFFC0];
	v3 =	vadd.f32 v3, v7;
	[tilespmem:s0+$0xB0] =	vst v2;
	s0 =	smov.u32 s11  }
0x34b: {  	v2 =	vld [tilespmem:s11+$0x40]  }
0x34c: {  	[tilespmem:s11+$0xC0] =	vst v3;
	v3 =	vld [tilespmem:s11+$0xD0]  }
0x34d: {  	v1 =	vadd.f32 v4, v1;
	v4 =	vld [tilespmem:s2+$0xD0]  }
0x34e: {  	v7 =	vld [tilespmem:s2+$0x40]  }
0x34f: {  	v8 =	vld [tilespmem:s11+$0xFFFFFEC0];
	[tilespmem:s11+$0xFFFFFF40] =	vst v1;
	v0 =	vadd.f32 v0, v5  }
0x350: {  	v1 =	vld [tilespmem:s2+$0xFFFFFF50]  }
0x351: {  	v5 =	vld [tilespmem:s11+$0xFFFFFED0];
	[tilespmem:s11+$0xFFFFFFC0] =	vst v0  }
0x352: {  	v0 =	vld [tilespmem:s2+$0xFFFFFFD0];
	v3 =	vadd.f32 v4, v3  }
0x353: {  	v4 =	vld [tilespmem:s11+$0xFFFFFF50];
	v2 =	vadd.f32 v7, v2  }
0x354: {  	v6 =	vadd.f32 v6, v8;
	[tilespmem:s11+$0xD0] =	vst v3;
	v3 =	vld [tilespmem:s11+$0xE0]  }
0x355: {  	[tilespmem:s11+$0x40] =	vst v2;
	v2 =	vld [tilespmem:s2+$0xE0]  }
0x356: {  	[tilespmem:s11+$0xFFFFFEC0] =	vst v6;
	v6 =	vld [tilespmem:s2+$0x50]  }
0x357: {  	v7 =	vld [tilespmem:s2+$0xFFFFFED0]  }
0x358: {  	v1 =	vadd.f32 v1, v4;
	v4 =	vld [tilespmem:s11+$0xFFFFFFD0]  }
0x359: {  	v8 =	vld [tilespmem:s11+$0x50]  }
0x35a: {  	v9 =	vld [tilespmem:s11+$0xFFFFFEE0];
	[tilespmem:s11+$0xFFFFFF50] =	vst v1;
	v1 =	vadd.f32 v2, v3  }
0x35b: {  	v2 =	vld [tilespmem:s2+$0xFFFFFF60]  }
0x35c: {  	v3 =	vadd.f32 v7, v5;
	[tilespmem:s11+$0xE0] =	vst v1;
	v1 =	vld [tilespmem:s11+$0xF0]  }
0x35d: {  	v0 =	vadd.f32 v0, v4;
	v4 =	vld [tilespmem:s2+$0xF0]  }
0x35e: {  	[tilespmem:s11+$0xFFFFFED0] =	vst v3;
	v3 =	vld [tilespmem:s11+$0xFFFFFF60];
	v5 =	vadd.f32 v6, v8  }
0x35f: {  	v6 =	vld [tilespmem:s2+$0xFFFFFEE0];
	[tilespmem:s11+$0xFFFFFFD0] =	vst v0  }
0x360: {  	v0 =	vld [tilespmem:s2+$0xFFFFFFE0];
	[tilespmem:s11+$0x50] =	vst v5  }
0x361: {  	v5 =	vld [tilespmem:s2+$0x60]  }
0x362: {  	v7 =	vld [tilespmem:s11+$0xFFFFFFE0];
	v1 =	vadd.f32 v4, v1  }
0x363: {  	v2 =	vadd.f32 v2, v3;
	v3 =	vld [tilespmem:s11+$0x60]  }
0x364: {  	v4 =	vadd.f32 v6, v9;
	[tilespmem:s11+$0xF0] =	vst v1;
	v1 =	vld [tilespmem:s11+$0x100]  }
0x365: {  	[tilespmem:s11+$0xFFFFFF60] =	vst v2;
	v2 =	vld [tilespmem:s2+$0x100]  }
0x366: {  	[tilespmem:s11+$0xFFFFFEE0] =	vst v4;
	v4 =	vld [tilespmem:s2+$0xFFFFFF70]  }
0x367: {  	v6 =	vld [tilespmem:s2+$0xFFFFFEF0];
	v0 =	vadd.f32 v0, v7  }
0x368: {  	v7 =	vld [tilespmem:s11+$0xFFFFFEF0];
	v3 =	vadd.f32 v5, v3  }
0x369: {  	v5 =	vld [tilespmem:s11+$0xFFFFFF70];
	[tilespmem:s11+$0xFFFFFFE0] =	vst v0  }
0x36a: {  	v0 =	vld [tilespmem:s2+$0xFFFFFFF0];
	[tilespmem:s11+$0x60] =	vst v3;
	v1 =	vadd.f32 v2, v1  }
0x36b: {  	v2 =	vld [tilespmem:s2+$0x70]  }
0x36c: {  	[tilespmem:s11+$0x100] =	vst v1;
	v1 =	vld [tilespmem:s11+$0x110]  }
0x36d: {  	v3 =	vadd.f32 v6, v7;
	v6 =	vld [tilespmem:s2+$0x110]  }
0x36e: {  	v4 =	vadd.f32 v4, v5;
	v5 =	vld [tilespmem:s11+$0xFFFFFFF0]  }
0x36f: {  	[tilespmem:s11+$0xFFFFFEF0] =	vst v3;
	v3 =	vld [tilespmem:s11+$0x70]  }
0x370: {  	v7 =	vld [tilespmem:s2+$0xFFFFFF00];
	[tilespmem:s11+$0xFFFFFF70] =	vst v4  }
0x371: {  	v4 =	vld [tilespmem:s2+$0xFFFFFF80]  }
0x372: {  	v8 =	vld [tilespmem:s11+$0xFFFFFF00];
	v1 =	vadd.f32 v6, v1  }
0x373: {  	v6 =	vld [tilespmem:s11+$0xFFFFFF80];
	v0 =	vadd.f32 v0, v5  }
0x374: {  	v2 =	vadd.f32 v2, v3;
	[tilespmem:s11+$0x110] =	vst v1;
	v1 =	vld [tilespmem:s11+$0x120]  }
0x375: {  	[tilespmem:s11+$0xFFFFFFF0] =	vst v0;
	v0 =	vld [tilespmem:s2+$0x120]  }
0x376: {  	v3 =	vld [tilespmem:s2+$0x0];
	[tilespmem:s11+$0x70] =	vst v2  }
0x377: {  	v2 =	vadd.f32 v7, v8;
	v5 =	vld [tilespmem:s2+$0x80]  }
0x378: {  	v4 =	vadd.f32 v4, v6;
	v6 =	vld [tilespmem:s11+$0x0]  }
0x379: {  	[tilespmem:s11+$0xFFFFFF00] =	vst v2;
	v2 =	vld [tilespmem:s11+$0x80]  }
0x37a: {  	v7 =	vld [tilespmem:s2+$0xFFFFFF10];
	[tilespmem:s11+$0xFFFFFF80] =	vst v4;
	v0 =	vadd.f32 v0, v1  }
0x37b: {  	v1 =	vld [tilespmem:s2+$0xFFFFFF90]  }
0x37c: {  	[tilespmem:s11+$0x120] =	vst v0;
	v0 =	vld [tilespmem:s11+$0x130]  }
0x37d: {  	v3 =	vadd.f32 v3, v6;
	v4 =	vld [tilespmem:s2+$0x130]  }
0x37e: {  	v6 =	vld [tilespmem:s11+$0xFFFFFF10];
	v2 =	vadd.f32 v5, v2  }
0x37f: {  	v5 =	vld [tilespmem:s11+$0xFFFFFF90];
	[tilespmem:s11+$0x0] =	vst v3  }
0x380: {  	v3 =	vld [tilespmem:s2+$0x10];
	[tilespmem:s11+$0x80] =	vst v2  }
0x381: {  	v2 =	vld [tilespmem:s2+$0x90]  }
0x382: {  	v8 =	vld [tilespmem:s11+$0x10];
	v0 =	vadd.f32 v4, v0  }
0x383: {  	v4 =	vadd.f32 v7, v6;
	v6 =	vld [tilespmem:s11+$0x90]  }
0x384: {  	v7 =	vld [tilespmem:s11+$0xFFFFFF20];
	v1 =	vadd.f32 v1, v5;
	[tilespmem:s11+$0x130] =	vst v0  }
0x385: {  	[tilespmem:s11+$0xFFFFFF10] =	vst v4;
	v0 =	vld [tilespmem:s11+$0xFFFFFFA0]  }
0x386: {  	v4 =	vld [tilespmem:s2+$0xFFFFFF20];
	[tilespmem:s11+$0xFFFFFF90] =	vst v1  }
0x387: {  	v1 =	vld [tilespmem:s2+$0xFFFFFFA0];
	v3 =	vadd.f32 v3, v8  }
0x388: {  	v5 =	vld [tilespmem:s11+$0x20];
	v2 =	vadd.f32 v2, v6  }
0x389: {  	[tilespmem:s11+$0x10] =	vst v3;
	v6 =	vld [tilespmem:s11+$0xA0]  }
0x38a: {  	v8 =	vld [tilespmem:s2+$0x20];
	[tilespmem:s11+$0x90] =	vst v2  }
0x38b: {  	v2 =	vadd.f32 v4, v7;
	v4 =	vld [tilespmem:s2+$0xA0]  }
0x38c: {  	v7 =	vld [tilespmem:s11+$0xFFFFFF30];
	v0 =	vadd.f32 v1, v0  }
0x38d: {  	[tilespmem:s11+$0xFFFFFF20] =	vst v2;
	v1 =	vld [tilespmem:s11+$0xFFFFFFB0]  }
0x38e: {  	v9 =	vld [tilespmem:s2+$0xFFFFFF30];
	[tilespmem:s11+$0xFFFFFFA0] =	vst v0  }
.Ltmp5:
0x38f: {  	v3 =	vld [tilespmem:s2+$0xFFFFFFB0];
	v2 =	vadd.f32 v8, v5;
	(pc) =	sbr.rel @p0 .LBB2_12-.Ltmp5, $4  }
0x390: {  	v0 =	vld [tilespmem:s11+$0x30];
	v5 =	vadd.f32 v4, v6  }
0x391: {  	[tilespmem:s11+$0x20] =	vst v2;
	v2 =	vld [tilespmem:s11+$0xB0]  }
0x392: {  	v4 =	vld [tilespmem:s2+$0x30];
	[tilespmem:s11+$0xA0] =	vst v5  }
0x393: {  	s11 =	sadd.s32 $0x280, s11;
	v6 =	vadd.f32 v9, v7;
	v5 =	vld [tilespmem:s2+$0xB0]  }
0x394: {  	_ =	sdelay $0x1  }
0x395: {  	v1 =	vadd.f32 v3, v1  }
0x396: {  	[tilespmem:s0+$0xFFFFFF30] =	vst v6;
	v0 =	vadd.f32 v4, v0  }
0x397: {  	[tilespmem:s0+$0xFFFFFFB0] =	vst v1;
	v63 =	vadd.f32 v5, v2  }
0x398: {  	[tilespmem:s0+$0x30] =	vst v0  }
0x399: {  	s29 =	sadd.s32 $0x1, s29;
	[tilespmem:s0+$0xB0] =	vst v63  }
0x39a: {  	[hbm4b:s9+s5] =	stream.linear.scatter [tilespmem:s18], [sflag:$0x5], $0x6400, $0x38;
	[tilespmem:$0x1B000] =	vst v63  }
0x39b: {  	p0 =	sne.s32 s29, s10;
	_ =	swait.ge [sflag:s17], $0x6400  }
.Ltmp6:
0x39c: {  	[sflag:s17] =	ssyncset.done $0x0;
	(pc) =	sbr.rel @p0 .LBB2_1-.Ltmp6, $4  }
0x39d: {  	[sflag:s17] =	ssyncadd.s32 $0xFFFF9C00  }
0x39e: {  	_ =	swait.ge [sflag:s24], $0x6400  }
0x39f: {  	[sflag:s24] =	ssyncset.done $0x0  }
0x3a0: {  	[sflag:s24] =	ssyncadd.s32 $0xFFFF9C00  }
0x3a1: {  	_ =	sfence.sel $0x180000  }
0x3a2: {  	[bflag:$0x0] =	sbarrier.arrive $0xFFFF  }
0x3a3: {  	_ =	strace $0x90000047  }
0x3a4: {  	s0 =	stileid.u32;
	[bflag:$0x2] =	sbarrier.arrive $0xFFFF  }
0x3a5: {  	p0 =	sne.s32 s0, $0x0;
	s0 =	rddreg [dreg:$0x4]  }
0x3a6: {  	s0 =	sadd.s32 @!p0 $0x100000, s0  }
0x3a7: {  	[sflag:s0] =	ssyncadd.tile.s32 @!p0 $0x1;
	_ =	shalt  }
.Lfunc_end2:
_tile_overlayer_lowered:
.L_overlay_start_2:
0x3a8: {  	(tag) =	ssettag $0x2  }
0x3a9: {  	s0 =	rddreg [dreg:$0x0];
	s2 =	stileid.u32  }
0x3aa: {  	s1 =	rddreg [dreg:$0x1];
	p0 =	sne.s32 s2, $0x0  }
0x3ab: {  	s3 =	rddreg [dreg:$0x2];
	[bflag:$0x3] =	sbarrier.arrive $0xFFFF;
	s2 =	simm.s32 @!p0 $0x1C07  }
0x3ac: {  	[timem:s3], [sflag:s2] =	dma.local @!p0 [hbm:s0], s1  }
0x3ad: {  	s0 =	simm.s32 @!p0 $0x7  }
0x3ae: {  	_ =	swait.ge @!p0 [sflag:s0], s1  }
0x3af: {  	s1 =	ssub.s32 @!p0 $0x0, s1;
	[sflag:s0] =	ssyncset.done @!p0 $0x0  }
0x3b0: {  	[sflag:s0] =	ssyncadd.s32 @!p0 s1  }
0x3b1: {  	[bflag:$0x3] =	sbarrier.arrive $0xFFFF  }
0x3b2: {  	_ =	shalt  }

</sc_bundles>
